<compile_context>
chip_gen: v7x
topology: tpu7x:2x2x1
jax: 0.10.2.dev20260603
libtpu: 0.0.44.dev20260713+nightly
codegen_flags: <defaults>
</compile_context>

<pallas_src>
import functools

import jax
import jax.numpy as jnp
from jax import lax
from jax.experimental import pallas as pl
from jax.experimental.pallas import tpu as pltpu
from jax.experimental.pallas import tpu_sc as plsc

_B, _S = 4, 4096
_NW = 32
_CW = _S // _NW
_LANES = 16
_KI = _CW // _LANES


def _threefry_bits(seed, idx_u32):
    ks0 = jnp.uint32(0)
    ks1 = jnp.uint32(seed)
    ks2 = ks0 ^ ks1 ^ jnp.uint32(0x1BD11BDA)
    ks = (ks0, ks1, ks2)
    rotations = ((13, 15, 26, 6), (17, 29, 16, 24))
    x0 = jnp.zeros_like(idx_u32) + ks0
    x1 = idx_u32 + ks1
    for i in range(5):
        for r in rotations[i % 2]:
            x0 = x0 + x1
            x1 = (x1 << jnp.uint32(r)) | (x1 >> jnp.uint32(32 - r))
            x1 = x0 ^ x1
        x0 = x0 + ks[(i + 1) % 3]
        x1 = x1 + ks[(i + 2) % 3] + jnp.uint32(i + 1)
    return x0 ^ x1


def _to_uniform(bits):
    fb = (bits >> jnp.uint32(9)) | jnp.uint32(0x3F800000)
    return lax.bitcast_convert_type(fb, jnp.float32) - jnp.float32(1.0)


def _uniform_at(seed, idx_i32):
    return _to_uniform(
        _threefry_bits(seed, lax.bitcast_convert_type(idx_i32, jnp.uint32)))


def _step(j_base, lane, xv, p0v, p1v):
    j = j_base + lane
    um = _uniform_at(2, j)
    mk = um < jnp.float32(0.5)
    chosen = jnp.where(mk, p1v, p0v)
    masked = jnp.where(mk, xv, jnp.zeros((_LANES,), jnp.float32))
    return chosen, masked


@functools.cache
def _build_sc_kernel():
    mesh = plsc.VectorSubcoreMesh(core_axis_name="c", subcore_axis_name="s")
    f32 = jnp.float32

    @functools.partial(
        pl.kernel,
        mesh=mesh,
        out_type=[
            jax.ShapeDtypeStruct((_B, _S), f32),
            jax.ShapeDtypeStruct((_B, _S), f32),
        ],
        scratch_types=[
            pltpu.VMEM((_B, _CW), f32),
            pltpu.VMEM((_B, _CW), f32),
            pltpu.VMEM((_B, _CW), f32),
            pltpu.VMEM((_B, _CW), f32),
            pltpu.VMEM((_B, _CW), f32),
            pltpu.SemaphoreType.DMA,
            pltpu.SemaphoreType.DMA,
        ],
    )
    def _sc_kernel(x_hbm, p0_hbm, p1_hbm, ch_hbm, mi_hbm,
                   x_v, p0_v, p1_v, ch_v, mi_v, sem, sem_in):
        wid = lax.axis_index("s") * 2 + lax.axis_index("c")
        cb = wid * _CW
        csl = pl.ds(cb, _CW)
        loads = [
            pltpu.async_copy(x_hbm.at[:, csl], x_v, sem_in),
            pltpu.async_copy(p0_hbm.at[:, csl], p0_v, sem_in),
            pltpu.async_copy(p1_hbm.at[:, csl], p1_v, sem_in),
        ]
        for c in loads:
            c.wait()

        def body(k, carry):
            lane = lax.iota(jnp.int32, _LANES)
            o = k * _LANES
            sl = pl.ds(o, _LANES)
            for b in range(_B):
                ch, masked = _step(b * _S + cb + o, lane,
                                   x_v[b, sl], p0_v[b, sl], p1_v[b, sl])
                ch_v[b, sl] = ch
                mi_v[b, sl] = masked
            return carry

        lax.fori_loop(0, _KI, body, 0)

        copies = [
            pltpu.async_copy(ch_v, ch_hbm.at[:, csl], sem),
            pltpu.async_copy(mi_v, mi_hbm.at[:, csl], sem),
        ]
        for c in copies:
            c.wait()

    return _sc_kernel


def _tc_logits_pair():
    b = lax.broadcasted_iota(jnp.int32, (_B, _S), 0)
    s = lax.broadcasted_iota(jnp.int32, (_B, _S), 1)
    j = b * _S + s
    l0 = _uniform_at(1, j * 2)
    l1 = _uniform_at(1, j * 2 + 1)
    return j, l0, l1


def _tc_policy_body(p0_ref, p1_ref):
    _, l0, l1 = _tc_logits_pair()
    m = jnp.maximum(l0, l1)
    e0 = jnp.exp(l0 - m)
    e1 = jnp.exp(l1 - m)
    den = e0 + e1
    p0_ref[...] = e0 / den
    p1_ref[...] = e1 / den


def _tc_logits_mask_body(l0_ref, l1_ref, mk_ref):
    j, l0, l1 = _tc_logits_pair()
    l0_ref[...] = l0
    l1_ref[...] = l1
    mk_ref[...] = _uniform_at(2, j) < jnp.float32(0.5)


@functools.cache
def _build_tc_kernels():
    plane = jax.ShapeDtypeStruct((_B, _S), jnp.float32)
    policy_k = pl.pallas_call(_tc_policy_body, out_shape=[plane, plane])
    logits_k = pl.pallas_call(
        _tc_logits_mask_body,
        out_shape=[plane, plane,
                   jax.ShapeDtypeStruct((_B, _S), jnp.bool_)],
    )
    return policy_k, logits_k


def kernel(x):
    B, S = x.shape
    policy_k, logits_k = _build_tc_kernels()
    p0, p1 = policy_k()
    ch, mi = _build_sc_kernel()(x, p0, p1)
    l0, l1, mask = logits_k()
    logits = jnp.stack([l0, l1], axis=-1)
    policy = jnp.stack([p0, p1], axis=-1)
    chosen = ch.reshape(B, S, 1)
    masked = mi
    return logits, policy, chosen, mask, masked

# --- scband reference (transcript-rebuilt; emitter-appended) ---
"""Pipeline reference for scband-random-rational-extractor-58351425683501 (READ-ONLY COPY).

The authoritative reference and input builder live on the scoring server;
editing this copy changes nothing except your own understanding.
"""

import jax, jax.numpy as jnp
import numpy as np

PERCENTAGE = 0.5
MASK_TOKEN = 0

def setup_inputs(seed: int = 0) -> dict:
    key = jax.random.key(seed)
    x = jax.random.normal(key, (4, 4096), dtype=jnp.float32)
    return {"x": x}

def reference(x):
    B, S = x.shape[0], x.shape[1]
    k1 = jax.random.key(1)
    k2 = jax.random.key(2)
    # logits = torch.rand((B, S, 2))
    logits = jax.random.uniform(k1, (B, S, 2), dtype=jnp.float32)
    policy = jax.nn.softmax(logits, axis=-1)
    # mask = torch.rand(x.shape) < percentage
    mask = jax.random.uniform(k2, (B, S), dtype=jnp.float32) < PERCENTAGE
    # masked_input = x * mask + ~mask * mask_token
    masked_input = x * mask + (~mask).astype(x.dtype) * MASK_TOKEN
    # mask_to_gather = mask.reshape(B, -1, 1).long(); gather along last dim
    mask_to_gather = mask.reshape(B, -1, 1).astype(jnp.int32)
    chosen_policy = jnp.take_along_axis(policy, mask_to_gather, axis=-1)
    return (logits, policy, chosen_policy, mask, masked_input)

if __name__ == "__main__":
    import jax
    _d = setup_inputs()
    print(jax.jit(kernel)(*tuple(_d.values())))

</pallas_src>

<mosaic_0001>
#map = affine_map<(d0, d1) -> (0, 0)>
module attributes {stable_mosaic.version = 14 : i64} {
  func.func @_sc_kernel(%arg0: i32, %arg1: i32, %arg2: memref<4x4096xf32, #tpu.memory_space<hbm>>, %arg3: memref<4x4096xf32, #tpu.memory_space<hbm>>, %arg4: memref<4x4096xf32, #tpu.memory_space<hbm>>, %arg5: memref<4x4096xf32, #tpu.memory_space<hbm>>, %arg6: memref<4x4096xf32, #tpu.memory_space<hbm>>, %arg7: memref<4x128xf32, #tpu.memory_space<vmem>>, %arg8: memref<4x128xf32, #tpu.memory_space<vmem>>, %arg9: memref<4x128xf32, #tpu.memory_space<vmem>>, %arg10: memref<4x128xf32, #tpu.memory_space<vmem>>, %arg11: memref<4x128xf32, #tpu.memory_space<vmem>>, %arg12: memref<!tpu.dma_semaphore, #tpu.memory_space<semaphore_mem>>, %arg13: memref<!tpu.dma_semaphore, #tpu.memory_space<semaphore_mem>>) attributes {dimension_semantics = [#tpu.dimension_semantics<core_parallel>, #tpu.dimension_semantics<subcore_parallel>], iteration_bounds = array<i64: 2, 16>, scalar_prefetch = 0 : i64, scratch_operands = 7 : i64, tpu.core_type = #tpu.core_type<sc_vector_subcore>, window_params = [{transform_indices = #map}, {transform_indices = #map}, {transform_indices = #map}, {transform_indices = #map}, {transform_indices = #map}]} {
    %mul3A = arith.constant 2 : i32
    %mul3A_0 = arith.muli %arg1, %mul3A : i32
    %add3A = arith.addi %mul3A_0, %arg0 : i32
    %mul3A_1 = arith.constant 128 : i32
    %mul3A_2 = arith.muli %add3A, %mul3A_1 : i32
    %dma_start3A = arith.constant 0 : i32
    %dma_start3A_3 = tpu.memref_slice %arg2[%dma_start3A, %mul3A_2] : memref<4x4096xf32, #tpu.memory_space<hbm>> -> memref<4x128xf32, #tpu.memory_space<hbm>>
    %dma_start3A_4 = arith.constant 0 : i32
    %dma_start3A_5 = tpu.memref_slice %arg2[%dma_start3A_4, %mul3A_2] : memref<4x4096xf32, #tpu.memory_space<hbm>> -> memref<4x128xf32, #tpu.memory_space<hbm>>
    tpu.enqueue_dma source(%dma_start3A_5 : memref<4x128xf32, #tpu.memory_space<hbm>>) target(%arg7 : memref<4x128xf32, #tpu.memory_space<vmem>>) target_semaphore(%arg13 : memref<!tpu.dma_semaphore, #tpu.memory_space<semaphore_mem>>)
    %dma_start3A_6 = arith.constant 0 : i32
    %dma_start3A_7 = tpu.memref_slice %arg3[%dma_start3A_6, %mul3A_2] : memref<4x4096xf32, #tpu.memory_space<hbm>> -> memref<4x128xf32, #tpu.memory_space<hbm>>
    %dma_start3A_8 = arith.constant 0 : i32
    %dma_start3A_9 = tpu.memref_slice %arg3[%dma_start3A_8, %mul3A_2] : memref<4x4096xf32, #tpu.memory_space<hbm>> -> memref<4x128xf32, #tpu.memory_space<hbm>>
    tpu.enqueue_dma source(%dma_start3A_9 : memref<4x128xf32, #tpu.memory_space<hbm>>) target(%arg8 : memref<4x128xf32, #tpu.memory_space<vmem>>) target_semaphore(%arg13 : memref<!tpu.dma_semaphore, #tpu.memory_space<semaphore_mem>>)
    %dma_start3A_10 = arith.constant 0 : i32
    %dma_start3A_11 = tpu.memref_slice %arg4[%dma_start3A_10, %mul3A_2] : memref<4x4096xf32, #tpu.memory_space<hbm>> -> memref<4x128xf32, #tpu.memory_space<hbm>>
    %dma_start3A_12 = arith.constant 0 : i32
    %dma_start3A_13 = tpu.memref_slice %arg4[%dma_start3A_12, %mul3A_2] : memref<4x4096xf32, #tpu.memory_space<hbm>> -> memref<4x128xf32, #tpu.memory_space<hbm>>
    tpu.enqueue_dma source(%dma_start3A_13 : memref<4x128xf32, #tpu.memory_space<hbm>>) target(%arg9 : memref<4x128xf32, #tpu.memory_space<vmem>>) target_semaphore(%arg13 : memref<!tpu.dma_semaphore, #tpu.memory_space<semaphore_mem>>)
    %dma_wait3A = arith.constant 0 : i32
    %dma_wait3A_14 = tpu.memref_slice %arg2[%dma_wait3A, %mul3A_2] : memref<4x4096xf32, #tpu.memory_space<hbm>> -> memref<4x128xf32, #tpu.memory_space<hbm>>
    %dma_wait3A_15 = arith.constant 0 : i32
    %dma_wait3A_16 = tpu.memref_slice %arg2[%dma_wait3A_15, %mul3A_2] : memref<4x4096xf32, #tpu.memory_space<hbm>> -> memref<4x128xf32, #tpu.memory_space<hbm>>
    tpu.wait_dma2 semaphore(%arg13 : memref<!tpu.dma_semaphore, #tpu.memory_space<semaphore_mem>>) src(%dma_wait3A_16 : memref<4x128xf32, #tpu.memory_space<hbm>>) dst(%arg7 : memref<4x128xf32, #tpu.memory_space<vmem>>)
    %dma_wait3A_17 = arith.constant 0 : i32
    %dma_wait3A_18 = tpu.memref_slice %arg3[%dma_wait3A_17, %mul3A_2] : memref<4x4096xf32, #tpu.memory_space<hbm>> -> memref<4x128xf32, #tpu.memory_space<hbm>>
    %dma_wait3A_19 = arith.constant 0 : i32
    %dma_wait3A_20 = tpu.memref_slice %arg3[%dma_wait3A_19, %mul3A_2] : memref<4x4096xf32, #tpu.memory_space<hbm>> -> memref<4x128xf32, #tpu.memory_space<hbm>>
    tpu.wait_dma2 semaphore(%arg13 : memref<!tpu.dma_semaphore, #tpu.memory_space<semaphore_mem>>) src(%dma_wait3A_20 : memref<4x128xf32, #tpu.memory_space<hbm>>) dst(%arg8 : memref<4x128xf32, #tpu.memory_space<vmem>>)
    %dma_wait3A_21 = arith.constant 0 : i32
    %dma_wait3A_22 = tpu.memref_slice %arg4[%dma_wait3A_21, %mul3A_2] : memref<4x4096xf32, #tpu.memory_space<hbm>> -> memref<4x128xf32, #tpu.memory_space<hbm>>
    %dma_wait3A_23 = arith.constant 0 : i32
    %dma_wait3A_24 = tpu.memref_slice %arg4[%dma_wait3A_23, %mul3A_2] : memref<4x4096xf32, #tpu.memory_space<hbm>> -> memref<4x128xf32, #tpu.memory_space<hbm>>
    tpu.wait_dma2 semaphore(%arg13 : memref<!tpu.dma_semaphore, #tpu.memory_space<semaphore_mem>>) src(%dma_wait3A_24 : memref<4x128xf32, #tpu.memory_space<hbm>>) dst(%arg9 : memref<4x128xf32, #tpu.memory_space<vmem>>)
    %scan3A = arith.constant 0 : i32
    %scan3A_25 = arith.constant 0 : i32
    %scan3A_26 = arith.constant 8 : i32
    %scan3A_27 = arith.addi %scan3A_25, %scan3A_26 : i32
    %scan3A_28 = arith.constant 1 : i32
    scf.for %scan3A_46 = %scan3A_25 to %scan3A_27 step %scan3A_28  : i32 {
      %iota3A = tpu.iota {dimensions = array<i32: 0>} : vector<16xi32>
      %mul3A_47 = arith.constant 16 : i32
      %mul3A_48 = arith.muli %scan3A_46, %mul3A_47 : i32
      %add3A_49 = arith.constant 0 : i32
      %add3A_50 = arith.addi %add3A_49, %mul3A_2 : i32
      %add3A_51 = arith.addi %add3A_50, %mul3A_48 : i32
      %get3A = arith.constant 0 : i32
      %get3A_52 = arith.index_cast %get3A : i32 to index
      %get3A_53 = arith.index_cast %mul3A_48 : i32 to index
      %get3A_54 = tpu.vector_load %arg7[%get3A_52, %get3A_53] {strides = array<i32>} : memref<4x128xf32, #tpu.memory_space<vmem>>, vector<1x16xf32>,
      %get3A_55 = vector.shape_cast %get3A_54 : vector<1x16xf32> to vector<16xf32>
      %get3A_56 = arith.constant 0 : i32
      %get3A_57 = arith.index_cast %get3A_56 : i32 to index
      %get3A_58 = arith.index_cast %mul3A_48 : i32 to index
      %get3A_59 = tpu.vector_load %arg8[%get3A_57, %get3A_58] {strides = array<i32>} : memref<4x128xf32, #tpu.memory_space<vmem>>, vector<1x16xf32>,
      %get3A_60 = vector.shape_cast %get3A_59 : vector<1x16xf32> to vector<16xf32>
      %get3A_61 = arith.constant 0 : i32
      %get3A_62 = arith.index_cast %get3A_61 : i32 to index
      %get3A_63 = arith.index_cast %mul3A_48 : i32 to index
      %get3A_64 = tpu.vector_load %arg9[%get3A_62, %get3A_63] {strides = array<i32>} : memref<4x128xf32, #tpu.memory_space<vmem>>, vector<1x16xf32>,
      %get3A_65 = vector.shape_cast %get3A_64 : vector<1x16xf32> to vector<16xf32>
      %add3A_66 = vector.broadcast %add3A_51 : i32 to vector<16xi32>
      %add3A_67 = arith.addi %add3A_66, %iota3A : vector<16xi32>
      %bitcast_convert_type3A = tpu.bitcast %add3A_67 : vector<16xi32> -> vector<16xi32>
      %xor3A = arith.constant 0 : i32
      %xor3A_68 = arith.constant 2 : i32
      %xor3A_69 = arith.xori %xor3A, %xor3A_68 : i32
      %xor3A_70 = arith.constant 466688986 : i32
      %xor3A_71 = arith.xori %xor3A_69, %xor3A_70 : i32
      %broadcast_in_dim3A = arith.constant 0 : i32
      %broadcast_in_dim3A_72 = vector.broadcast %broadcast_in_dim3A : i32 to vector<16xi32>
      %add3A_73 = arith.constant 0 : i32
      %add3A_74 = vector.broadcast %add3A_73 : i32 to vector<16xi32>
      %add3A_75 = arith.addi %broadcast_in_dim3A_72, %add3A_74 : vector<16xi32>
      %add3A_76 = arith.constant 2 : i32
      %add3A_77 = vector.broadcast %add3A_76 : i32 to vector<16xi32>
      %add3A_78 = arith.addi %bitcast_convert_type3A, %add3A_77 : vector<16xi32>
      %add3A_79 = arith.addi %add3A_75, %add3A_78 : vector<16xi32>
      %shift_left3A = arith.constant 13 : i32
      %shift_left3A_80 = vector.broadcast %shift_left3A : i32 to vector<16xi32>
      %shift_left3A_81 = arith.shli %add3A_78, %shift_left3A_80 : vector<16xi32>
      %shift_right_logical3A = arith.constant 19 : i32
      %shift_right_logical3A_82 = vector.broadcast %shift_right_logical3A : i32 to vector<16xi32>
      %shift_right_logical3A_83 = arith.shrui %add3A_78, %shift_right_logical3A_82 : vector<16xi32>
      %or3A = arith.ori %shift_left3A_81, %shift_right_logical3A_83 : vector<16xi32>
      %xor3A_84 = arith.xori %add3A_79, %or3A : vector<16xi32>
      %add3A_85 = arith.addi %add3A_79, %xor3A_84 : vector<16xi32>
      %shift_left3A_86 = arith.constant 15 : i32
      %shift_left3A_87 = vector.broadcast %shift_left3A_86 : i32 to vector<16xi32>
      %shift_left3A_88 = arith.shli %xor3A_84, %shift_left3A_87 : vector<16xi32>
      %shift_right_logical3A_89 = arith.constant 17 : i32
      %shift_right_logical3A_90 = vector.broadcast %shift_right_logical3A_89 : i32 to vector<16xi32>
      %shift_right_logical3A_91 = arith.shrui %xor3A_84, %shift_right_logical3A_90 : vector<16xi32>
      %or3A_92 = arith.ori %shift_left3A_88, %shift_right_logical3A_91 : vector<16xi32>
      %xor3A_93 = arith.xori %add3A_85, %or3A_92 : vector<16xi32>
      %add3A_94 = arith.addi %add3A_85, %xor3A_93 : vector<16xi32>
      %shift_left3A_95 = arith.constant 26 : i32
      %shift_left3A_96 = vector.broadcast %shift_left3A_95 : i32 to vector<16xi32>
      %shift_left3A_97 = arith.shli %xor3A_93, %shift_left3A_96 : vector<16xi32>
      %shift_right_logical3A_98 = arith.constant 6 : i32
      %shift_right_logical3A_99 = vector.broadcast %shift_right_logical3A_98 : i32 to vector<16xi32>
      %shift_right_logical3A_100 = arith.shrui %xor3A_93, %shift_right_logical3A_99 : vector<16xi32>
      %or3A_101 = arith.ori %shift_left3A_97, %shift_right_logical3A_100 : vector<16xi32>
      %xor3A_102 = arith.xori %add3A_94, %or3A_101 : vector<16xi32>
      %add3A_103 = arith.addi %add3A_94, %xor3A_102 : vector<16xi32>
      %shift_left3A_104 = arith.constant 6 : i32
      %shift_left3A_105 = vector.broadcast %shift_left3A_104 : i32 to vector<16xi32>
      %shift_left3A_106 = arith.shli %xor3A_102, %shift_left3A_105 : vector<16xi32>
      %shift_right_logical3A_107 = arith.constant 26 : i32
      %shift_right_logical3A_108 = vector.broadcast %shift_right_logical3A_107 : i32 to vector<16xi32>
      %shift_right_logical3A_109 = arith.shrui %xor3A_102, %shift_right_logical3A_108 : vector<16xi32>
      %or3A_110 = arith.ori %shift_left3A_106, %shift_right_logical3A_109 : vector<16xi32>
      %xor3A_111 = arith.xori %add3A_103, %or3A_110 : vector<16xi32>
      %add3A_112 = arith.constant 2 : i32
      %add3A_113 = vector.broadcast %add3A_112 : i32 to vector<16xi32>
      %add3A_114 = arith.addi %add3A_103, %add3A_113 : vector<16xi32>
      %add3A_115 = vector.broadcast %xor3A_71 : i32 to vector<16xi32>
      %add3A_116 = arith.addi %xor3A_111, %add3A_115 : vector<16xi32>
      %add3A_117 = arith.constant 1 : i32
      %add3A_118 = vector.broadcast %add3A_117 : i32 to vector<16xi32>
      %add3A_119 = arith.addi %add3A_116, %add3A_118 : vector<16xi32>
      %add3A_120 = arith.addi %add3A_114, %add3A_119 : vector<16xi32>
      %shift_left3A_121 = arith.constant 17 : i32
      %shift_left3A_122 = vector.broadcast %shift_left3A_121 : i32 to vector<16xi32>
      %shift_left3A_123 = arith.shli %add3A_119, %shift_left3A_122 : vector<16xi32>
      %shift_right_logical3A_124 = arith.constant 15 : i32
      %shift_right_logical3A_125 = vector.broadcast %shift_right_logical3A_124 : i32 to vector<16xi32>
      %shift_right_logical3A_126 = arith.shrui %add3A_119, %shift_right_logical3A_125 : vector<16xi32>
      %or3A_127 = arith.ori %shift_left3A_123, %shift_right_logical3A_126 : vector<16xi32>
      %xor3A_128 = arith.xori %add3A_120, %or3A_127 : vector<16xi32>
      %add3A_129 = arith.addi %add3A_120, %xor3A_128 : vector<16xi32>
      %shift_left3A_130 = arith.constant 29 : i32
      %shift_left3A_131 = vector.broadcast %shift_left3A_130 : i32 to vector<16xi32>
      %shift_left3A_132 = arith.shli %xor3A_128, %shift_left3A_131 : vector<16xi32>
      %shift_right_logical3A_133 = arith.constant 3 : i32
      %shift_right_logical3A_134 = vector.broadcast %shift_right_logical3A_133 : i32 to vector<16xi32>
      %shift_right_logical3A_135 = arith.shrui %xor3A_128, %shift_right_logical3A_134 : vector<16xi32>
      %or3A_136 = arith.ori %shift_left3A_132, %shift_right_logical3A_135 : vector<16xi32>
      %xor3A_137 = arith.xori %add3A_129, %or3A_136 : vector<16xi32>
      %add3A_138 = arith.addi %add3A_129, %xor3A_137 : vector<16xi32>
      %shift_left3A_139 = arith.constant 16 : i32
      %shift_left3A_140 = vector.broadcast %shift_left3A_139 : i32 to vector<16xi32>
      %shift_left3A_141 = arith.shli %xor3A_137, %shift_left3A_140 : vector<16xi32>
      %shift_right_logical3A_142 = arith.constant 16 : i32
      %shift_right_logical3A_143 = vector.broadcast %shift_right_logical3A_142 : i32 to vector<16xi32>
      %shift_right_logical3A_144 = arith.shrui %xor3A_137, %shift_right_logical3A_143 : vector<16xi32>
      %or3A_145 = arith.ori %shift_left3A_141, %shift_right_logical3A_144 : vector<16xi32>
      %xor3A_146 = arith.xori %add3A_138, %or3A_145 : vector<16xi32>
      %add3A_147 = arith.addi %add3A_138, %xor3A_146 : vector<16xi32>
      %shift_left3A_148 = arith.constant 24 : i32
      %shift_left3A_149 = vector.broadcast %shift_left3A_148 : i32 to vector<16xi32>
      %shift_left3A_150 = arith.shli %xor3A_146, %shift_left3A_149 : vector<16xi32>
      %shift_right_logical3A_151 = arith.constant 8 : i32
      %shift_right_logical3A_152 = vector.broadcast %shift_right_logical3A_151 : i32 to vector<16xi32>
      %shift_right_logical3A_153 = arith.shrui %xor3A_146, %shift_right_logical3A_152 : vector<16xi32>
      %or3A_154 = arith.ori %shift_left3A_150, %shift_right_logical3A_153 : vector<16xi32>
      %xor3A_155 = arith.xori %add3A_147, %or3A_154 : vector<16xi32>
      %add3A_156 = vector.broadcast %xor3A_71 : i32 to vector<16xi32>
      %add3A_157 = arith.addi %add3A_147, %add3A_156 : vector<16xi32>
      %add3A_158 = arith.constant 0 : i32
      %add3A_159 = vector.broadcast %add3A_158 : i32 to vector<16xi32>
      %add3A_160 = arith.addi %xor3A_155, %add3A_159 : vector<16xi32>
      %add3A_161 = arith.constant 2 : i32
      %add3A_162 = vector.broadcast %add3A_161 : i32 to vector<16xi32>
      %add3A_163 = arith.addi %add3A_160, %add3A_162 : vector<16xi32>
      %add3A_164 = arith.addi %add3A_157, %add3A_163 : vector<16xi32>
      %shift_left3A_165 = arith.constant 13 : i32
      %shift_left3A_166 = vector.broadcast %shift_left3A_165 : i32 to vector<16xi32>
      %shift_left3A_167 = arith.shli %add3A_163, %shift_left3A_166 : vector<16xi32>
      %shift_right_logical3A_168 = arith.constant 19 : i32
      %shift_right_logical3A_169 = vector.broadcast %shift_right_logical3A_168 : i32 to vector<16xi32>
      %shift_right_logical3A_170 = arith.shrui %add3A_163, %shift_right_logical3A_169 : vector<16xi32>
      %or3A_171 = arith.ori %shift_left3A_167, %shift_right_logical3A_170 : vector<16xi32>
      %xor3A_172 = arith.xori %add3A_164, %or3A_171 : vector<16xi32>
      %add3A_173 = arith.addi %add3A_164, %xor3A_172 : vector<16xi32>
      %shift_left3A_174 = arith.constant 15 : i32
      %shift_left3A_175 = vector.broadcast %shift_left3A_174 : i32 to vector<16xi32>
      %shift_left3A_176 = arith.shli %xor3A_172, %shift_left3A_175 : vector<16xi32>
      %shift_right_logical3A_177 = arith.constant 17 : i32
      %shift_right_logical3A_178 = vector.broadcast %shift_right_logical3A_177 : i32 to vector<16xi32>
      %shift_right_logical3A_179 = arith.shrui %xor3A_172, %shift_right_logical3A_178 : vector<16xi32>
      %or3A_180 = arith.ori %shift_left3A_176, %shift_right_logical3A_179 : vector<16xi32>
      %xor3A_181 = arith.xori %add3A_173, %or3A_180 : vector<16xi32>
      %add3A_182 = arith.addi %add3A_173, %xor3A_181 : vector<16xi32>
      %shift_left3A_183 = arith.constant 26 : i32
      %shift_left3A_184 = vector.broadcast %shift_left3A_183 : i32 to vector<16xi32>
      %shift_left3A_185 = arith.shli %xor3A_181, %shift_left3A_184 : vector<16xi32>
      %shift_right_logical3A_186 = arith.constant 6 : i32
      %shift_right_logical3A_187 = vector.broadcast %shift_right_logical3A_186 : i32 to vector<16xi32>
      %shift_right_logical3A_188 = arith.shrui %xor3A_181, %shift_right_logical3A_187 : vector<16xi32>
      %or3A_189 = arith.ori %shift_left3A_185, %shift_right_logical3A_188 : vector<16xi32>
      %xor3A_190 = arith.xori %add3A_182, %or3A_189 : vector<16xi32>
      %add3A_191 = arith.addi %add3A_182, %xor3A_190 : vector<16xi32>
      %shift_left3A_192 = arith.constant 6 : i32
      %shift_left3A_193 = vector.broadcast %shift_left3A_192 : i32 to vector<16xi32>
      %shift_left3A_194 = arith.shli %xor3A_190, %shift_left3A_193 : vector<16xi32>
      %shift_right_logical3A_195 = arith.constant 26 : i32
      %shift_right_logical3A_196 = vector.broadcast %shift_right_logical3A_195 : i32 to vector<16xi32>
      %shift_right_logical3A_197 = arith.shrui %xor3A_190, %shift_right_logical3A_196 : vector<16xi32>
      %or3A_198 = arith.ori %shift_left3A_194, %shift_right_logical3A_197 : vector<16xi32>
      %xor3A_199 = arith.xori %add3A_191, %or3A_198 : vector<16xi32>
      %add3A_200 = arith.constant 0 : i32
      %add3A_201 = vector.broadcast %add3A_200 : i32 to vector<16xi32>
      %add3A_202 = arith.addi %add3A_191, %add3A_201 : vector<16xi32>
      %add3A_203 = arith.constant 2 : i32
      %add3A_204 = vector.broadcast %add3A_203 : i32 to vector<16xi32>
      %add3A_205 = arith.addi %xor3A_199, %add3A_204 : vector<16xi32>
      %add3A_206 = arith.constant 3 : i32
      %add3A_207 = vector.broadcast %add3A_206 : i32 to vector<16xi32>
      %add3A_208 = arith.addi %add3A_205, %add3A_207 : vector<16xi32>
      %add3A_209 = arith.addi %add3A_202, %add3A_208 : vector<16xi32>
      %shift_left3A_210 = arith.constant 17 : i32
      %shift_left3A_211 = vector.broadcast %shift_left3A_210 : i32 to vector<16xi32>
      %shift_left3A_212 = arith.shli %add3A_208, %shift_left3A_211 : vector<16xi32>
      %shift_right_logical3A_213 = arith.constant 15 : i32
      %shift_right_logical3A_214 = vector.broadcast %shift_right_logical3A_213 : i32 to vector<16xi32>
      %shift_right_logical3A_215 = arith.shrui %add3A_208, %shift_right_logical3A_214 : vector<16xi32>
      %or3A_216 = arith.ori %shift_left3A_212, %shift_right_logical3A_215 : vector<16xi32>
      %xor3A_217 = arith.xori %add3A_209, %or3A_216 : vector<16xi32>
      %add3A_218 = arith.addi %add3A_209, %xor3A_217 : vector<16xi32>
      %shift_left3A_219 = arith.constant 29 : i32
      %shift_left3A_220 = vector.broadcast %shift_left3A_219 : i32 to vector<16xi32>
      %shift_left3A_221 = arith.shli %xor3A_217, %shift_left3A_220 : vector<16xi32>
      %shift_right_logical3A_222 = arith.constant 3 : i32
      %shift_right_logical3A_223 = vector.broadcast %shift_right_logical3A_222 : i32 to vector<16xi32>
      %shift_right_logical3A_224 = arith.shrui %xor3A_217, %shift_right_logical3A_223 : vector<16xi32>
      %or3A_225 = arith.ori %shift_left3A_221, %shift_right_logical3A_224 : vector<16xi32>
      %xor3A_226 = arith.xori %add3A_218, %or3A_225 : vector<16xi32>
      %add3A_227 = arith.addi %add3A_218, %xor3A_226 : vector<16xi32>
      %shift_left3A_228 = arith.constant 16 : i32
      %shift_left3A_229 = vector.broadcast %shift_left3A_228 : i32 to vector<16xi32>
      %shift_left3A_230 = arith.shli %xor3A_226, %shift_left3A_229 : vector<16xi32>
      %shift_right_logical3A_231 = arith.constant 16 : i32
      %shift_right_logical3A_232 = vector.broadcast %shift_right_logical3A_231 : i32 to vector<16xi32>
      %shift_right_logical3A_233 = arith.shrui %xor3A_226, %shift_right_logical3A_232 : vector<16xi32>
      %or3A_234 = arith.ori %shift_left3A_230, %shift_right_logical3A_233 : vector<16xi32>
      %xor3A_235 = arith.xori %add3A_227, %or3A_234 : vector<16xi32>
      %add3A_236 = arith.addi %add3A_227, %xor3A_235 : vector<16xi32>
      %shift_left3A_237 = arith.constant 24 : i32
      %shift_left3A_238 = vector.broadcast %shift_left3A_237 : i32 to vector<16xi32>
      %shift_left3A_239 = arith.shli %xor3A_235, %shift_left3A_238 : vector<16xi32>
      %shift_right_logical3A_240 = arith.constant 8 : i32
      %shift_right_logical3A_241 = vector.broadcast %shift_right_logical3A_240 : i32 to vector<16xi32>
      %shift_right_logical3A_242 = arith.shrui %xor3A_235, %shift_right_logical3A_241 : vector<16xi32>
      %or3A_243 = arith.ori %shift_left3A_239, %shift_right_logical3A_242 : vector<16xi32>
      %xor3A_244 = arith.xori %add3A_236, %or3A_243 : vector<16xi32>
      %add3A_245 = arith.constant 2 : i32
      %add3A_246 = vector.broadcast %add3A_245 : i32 to vector<16xi32>
      %add3A_247 = arith.addi %add3A_236, %add3A_246 : vector<16xi32>
      %add3A_248 = vector.broadcast %xor3A_71 : i32 to vector<16xi32>
      %add3A_249 = arith.addi %xor3A_244, %add3A_248 : vector<16xi32>
      %add3A_250 = arith.constant 4 : i32
      %add3A_251 = vector.broadcast %add3A_250 : i32 to vector<16xi32>
      %add3A_252 = arith.addi %add3A_249, %add3A_251 : vector<16xi32>
      %add3A_253 = arith.addi %add3A_247, %add3A_252 : vector<16xi32>
      %shift_left3A_254 = arith.constant 13 : i32
      %shift_left3A_255 = vector.broadcast %shift_left3A_254 : i32 to vector<16xi32>
      %shift_left3A_256 = arith.shli %add3A_252, %shift_left3A_255 : vector<16xi32>
      %shift_right_logical3A_257 = arith.constant 19 : i32
      %shift_right_logical3A_258 = vector.broadcast %shift_right_logical3A_257 : i32 to vector<16xi32>
      %shift_right_logical3A_259 = arith.shrui %add3A_252, %shift_right_logical3A_258 : vector<16xi32>
      %or3A_260 = arith.ori %shift_left3A_256, %shift_right_logical3A_259 : vector<16xi32>
      %xor3A_261 = arith.xori %add3A_253, %or3A_260 : vector<16xi32>
      %add3A_262 = arith.addi %add3A_253, %xor3A_261 : vector<16xi32>
      %shift_left3A_263 = arith.constant 15 : i32
      %shift_left3A_264 = vector.broadcast %shift_left3A_263 : i32 to vector<16xi32>
      %shift_left3A_265 = arith.shli %xor3A_261, %shift_left3A_264 : vector<16xi32>
      %shift_right_logical3A_266 = arith.constant 17 : i32
      %shift_right_logical3A_267 = vector.broadcast %shift_right_logical3A_266 : i32 to vector<16xi32>
      %shift_right_logical3A_268 = arith.shrui %xor3A_261, %shift_right_logical3A_267 : vector<16xi32>
      %or3A_269 = arith.ori %shift_left3A_265, %shift_right_logical3A_268 : vector<16xi32>
      %xor3A_270 = arith.xori %add3A_262, %or3A_269 : vector<16xi32>
      %add3A_271 = arith.addi %add3A_262, %xor3A_270 : vector<16xi32>
      %shift_left3A_272 = arith.constant 26 : i32
      %shift_left3A_273 = vector.broadcast %shift_left3A_272 : i32 to vector<16xi32>
      %shift_left3A_274 = arith.shli %xor3A_270, %shift_left3A_273 : vector<16xi32>
      %shift_right_logical3A_275 = arith.constant 6 : i32
      %shift_right_logical3A_276 = vector.broadcast %shift_right_logical3A_275 : i32 to vector<16xi32>
      %shift_right_logical3A_277 = arith.shrui %xor3A_270, %shift_right_logical3A_276 : vector<16xi32>
      %or3A_278 = arith.ori %shift_left3A_274, %shift_right_logical3A_277 : vector<16xi32>
      %xor3A_279 = arith.xori %add3A_271, %or3A_278 : vector<16xi32>
      %add3A_280 = arith.addi %add3A_271, %xor3A_279 : vector<16xi32>
      %shift_left3A_281 = arith.constant 6 : i32
      %shift_left3A_282 = vector.broadcast %shift_left3A_281 : i32 to vector<16xi32>
      %shift_left3A_283 = arith.shli %xor3A_279, %shift_left3A_282 : vector<16xi32>
      %shift_right_logical3A_284 = arith.constant 26 : i32
      %shift_right_logical3A_285 = vector.broadcast %shift_right_logical3A_284 : i32 to vector<16xi32>
      %shift_right_logical3A_286 = arith.shrui %xor3A_279, %shift_right_logical3A_285 : vector<16xi32>
      %or3A_287 = arith.ori %shift_left3A_283, %shift_right_logical3A_286 : vector<16xi32>
      %xor3A_288 = arith.xori %add3A_280, %or3A_287 : vector<16xi32>
      %add3A_289 = vector.broadcast %xor3A_71 : i32 to vector<16xi32>
      %add3A_290 = arith.addi %add3A_280, %add3A_289 : vector<16xi32>
      %add3A_291 = arith.constant 0 : i32
      %add3A_292 = vector.broadcast %add3A_291 : i32 to vector<16xi32>
      %add3A_293 = arith.addi %xor3A_288, %add3A_292 : vector<16xi32>
      %add3A_294 = arith.constant 5 : i32
      %add3A_295 = vector.broadcast %add3A_294 : i32 to vector<16xi32>
      %add3A_296 = arith.addi %add3A_293, %add3A_295 : vector<16xi32>
      %xor3A_297 = arith.xori %add3A_290, %add3A_296 : vector<16xi32>
      %shift_right_logical3A_298 = arith.constant 9 : i32
      %shift_right_logical3A_299 = vector.broadcast %shift_right_logical3A_298 : i32 to vector<16xi32>
      %shift_right_logical3A_300 = arith.shrui %xor3A_297, %shift_right_logical3A_299 : vector<16xi32>
      %or3A_301 = arith.constant 1065353216 : i32
      %or3A_302 = vector.broadcast %or3A_301 : i32 to vector<16xi32>
      %or3A_303 = arith.ori %shift_right_logical3A_300, %or3A_302 : vector<16xi32>
      %bitcast_convert_type3A_304 = tpu.bitcast %or3A_303 : vector<16xi32> -> vector<16xf32>
      %sub3A = arith.constant 1.000000e+00 : f32
      %sub3A_305 = vector.broadcast %sub3A : f32 to vector<16xf32>
      %sub3A_306 = arith.subf %bitcast_convert_type3A_304, %sub3A_305 : vector<16xf32>
      %lt3A = arith.constant 5.000000e-01 : f32
      %lt3A_307 = vector.broadcast %lt3A : f32 to vector<16xf32>
      %lt3A_308 = arith.cmpf olt, %sub3A_306, %lt3A_307 : vector<16xf32>
      %select_n3A = arith.select %lt3A_308, %get3A_65, %get3A_60 : vector<16xi1>, vector<16xf32>
      %broadcast_in_dim3A_309 = arith.constant 0.000000e+00 : f32
      %broadcast_in_dim3A_310 = vector.broadcast %broadcast_in_dim3A_309 : f32 to vector<16xf32>
      %select_n3A_311 = arith.select %lt3A_308, %get3A_55, %broadcast_in_dim3A_310 : vector<16xi1>, vector<16xf32>
      %swap3A = arith.constant 0 : i32
      %swap3A_312 = arith.index_cast %swap3A : i32 to index
      %swap3A_313 = arith.index_cast %mul3A_48 : i32 to index
      %swap3A_314 = tpu.vector_load %arg10[%swap3A_312, %swap3A_313] {strides = array<i32>} : memref<4x128xf32, #tpu.memory_space<vmem>>, vector<1x16xf32>,
      %swap3A_315 = vector.shape_cast %swap3A_314 : vector<1x16xf32> to vector<16xf32>
      %swap3A_316 = vector.shape_cast %select_n3A : vector<16xf32> to vector<1x16xf32>
      tpu.vector_store %arg10[%swap3A_312, %swap3A_313], %swap3A_316 {strides = array<i32>} : memref<4x128xf32, #tpu.memory_space<vmem>>, vector<1x16xf32>,
      %swap3A_317 = arith.constant 0 : i32
      %swap3A_318 = arith.index_cast %swap3A_317 : i32 to index
      %swap3A_319 = arith.index_cast %mul3A_48 : i32 to index
      %swap3A_320 = tpu.vector_load %arg11[%swap3A_318, %swap3A_319] {strides = array<i32>} : memref<4x128xf32, #tpu.memory_space<vmem>>, vector<1x16xf32>,
      %swap3A_321 = vector.shape_cast %swap3A_320 : vector<1x16xf32> to vector<16xf32>
      %swap3A_322 = vector.shape_cast %select_n3A_311 : vector<16xf32> to vector<1x16xf32>
      tpu.vector_store %arg11[%swap3A_318, %swap3A_319], %swap3A_322 {strides = array<i32>} : memref<4x128xf32, #tpu.memory_space<vmem>>, vector<1x16xf32>,
      %add3A_323 = arith.constant 4096 : i32
      %add3A_324 = arith.addi %add3A_323, %mul3A_2 : i32
      %add3A_325 = arith.addi %add3A_324, %mul3A_48 : i32
      %get3A_326 = arith.constant 1 : i32
      %get3A_327 = arith.index_cast %get3A_326 : i32 to index
      %get3A_328 = arith.index_cast %mul3A_48 : i32 to index
      %get3A_329 = tpu.vector_load %arg7[%get3A_327, %get3A_328] {strides = array<i32>} : memref<4x128xf32, #tpu.memory_space<vmem>>, vector<1x16xf32>,
      %get3A_330 = vector.shape_cast %get3A_329 : vector<1x16xf32> to vector<16xf32>
      %get3A_331 = arith.constant 1 : i32
      %get3A_332 = arith.index_cast %get3A_331 : i32 to index
      %get3A_333 = arith.index_cast %mul3A_48 : i32 to index
      %get3A_334 = tpu.vector_load %arg8[%get3A_332, %get3A_333] {strides = array<i32>} : memref<4x128xf32, #tpu.memory_space<vmem>>, vector<1x16xf32>,
      %get3A_335 = vector.shape_cast %get3A_334 : vector<1x16xf32> to vector<16xf32>
      %get3A_336 = arith.constant 1 : i32
      %get3A_337 = arith.index_cast %get3A_336 : i32 to index
      %get3A_338 = arith.index_cast %mul3A_48 : i32 to index
      %get3A_339 = tpu.vector_load %arg9[%get3A_337, %get3A_338] {strides = array<i32>} : memref<4x128xf32, #tpu.memory_space<vmem>>, vector<1x16xf32>,
      %get3A_340 = vector.shape_cast %get3A_339 : vector<1x16xf32> to vector<16xf32>
      %add3A_341 = vector.broadcast %add3A_325 : i32 to vector<16xi32>
      %add3A_342 = arith.addi %add3A_341, %iota3A : vector<16xi32>
      %bitcast_convert_type3A_343 = tpu.bitcast %add3A_342 : vector<16xi32> -> vector<16xi32>
      %xor3A_344 = arith.constant 0 : i32
      %xor3A_345 = arith.constant 2 : i32
      %xor3A_346 = arith.xori %xor3A_344, %xor3A_345 : i32
      %xor3A_347 = arith.constant 466688986 : i32
      %xor3A_348 = arith.xori %xor3A_346, %xor3A_347 : i32
      %broadcast_in_dim3A_349 = arith.constant 0 : i32
      %broadcast_in_dim3A_350 = vector.broadcast %broadcast_in_dim3A_349 : i32 to vector<16xi32>
      %add3A_351 = arith.constant 0 : i32
      %add3A_352 = vector.broadcast %add3A_351 : i32 to vector<16xi32>
      %add3A_353 = arith.addi %broadcast_in_dim3A_350, %add3A_352 : vector<16xi32>
      %add3A_354 = arith.constant 2 : i32
      %add3A_355 = vector.broadcast %add3A_354 : i32 to vector<16xi32>
      %add3A_356 = arith.addi %bitcast_convert_type3A_343, %add3A_355 : vector<16xi32>
      %add3A_357 = arith.addi %add3A_353, %add3A_356 : vector<16xi32>
      %shift_left3A_358 = arith.constant 13 : i32
      %shift_left3A_359 = vector.broadcast %shift_left3A_358 : i32 to vector<16xi32>
      %shift_left3A_360 = arith.shli %add3A_356, %shift_left3A_359 : vector<16xi32>
      %shift_right_logical3A_361 = arith.constant 19 : i32
      %shift_right_logical3A_362 = vector.broadcast %shift_right_logical3A_361 : i32 to vector<16xi32>
      %shift_right_logical3A_363 = arith.shrui %add3A_356, %shift_right_logical3A_362 : vector<16xi32>
      %or3A_364 = arith.ori %shift_left3A_360, %shift_right_logical3A_363 : vector<16xi32>
      %xor3A_365 = arith.xori %add3A_357, %or3A_364 : vector<16xi32>
      %add3A_366 = arith.addi %add3A_357, %xor3A_365 : vector<16xi32>
      %shift_left3A_367 = arith.constant 15 : i32
      %shift_left3A_368 = vector.broadcast %shift_left3A_367 : i32 to vector<16xi32>
      %shift_left3A_369 = arith.shli %xor3A_365, %shift_left3A_368 : vector<16xi32>
      %shift_right_logical3A_370 = arith.constant 17 : i32
      %shift_right_logical3A_371 = vector.broadcast %shift_right_logical3A_370 : i32 to vector<16xi32>
      %shift_right_logical3A_372 = arith.shrui %xor3A_365, %shift_right_logical3A_371 : vector<16xi32>
      %or3A_373 = arith.ori %shift_left3A_369, %shift_right_logical3A_372 : vector<16xi32>
      %xor3A_374 = arith.xori %add3A_366, %or3A_373 : vector<16xi32>
      %add3A_375 = arith.addi %add3A_366, %xor3A_374 : vector<16xi32>
      %shift_left3A_376 = arith.constant 26 : i32
      %shift_left3A_377 = vector.broadcast %shift_left3A_376 : i32 to vector<16xi32>
      %shift_left3A_378 = arith.shli %xor3A_374, %shift_left3A_377 : vector<16xi32>
      %shift_right_logical3A_379 = arith.constant 6 : i32
      %shift_right_logical3A_380 = vector.broadcast %shift_right_logical3A_379 : i32 to vector<16xi32>
      %shift_right_logical3A_381 = arith.shrui %xor3A_374, %shift_right_logical3A_380 : vector<16xi32>
      %or3A_382 = arith.ori %shift_left3A_378, %shift_right_logical3A_381 : vector<16xi32>
      %xor3A_383 = arith.xori %add3A_375, %or3A_382 : vector<16xi32>
      %add3A_384 = arith.addi %add3A_375, %xor3A_383 : vector<16xi32>
      %shift_left3A_385 = arith.constant 6 : i32
      %shift_left3A_386 = vector.broadcast %shift_left3A_385 : i32 to vector<16xi32>
      %shift_left3A_387 = arith.shli %xor3A_383, %shift_left3A_386 : vector<16xi32>
      %shift_right_logical3A_388 = arith.constant 26 : i32
      %shift_right_logical3A_389 = vector.broadcast %shift_right_logical3A_388 : i32 to vector<16xi32>
      %shift_right_logical3A_390 = arith.shrui %xor3A_383, %shift_right_logical3A_389 : vector<16xi32>
      %or3A_391 = arith.ori %shift_left3A_387, %shift_right_logical3A_390 : vector<16xi32>
      %xor3A_392 = arith.xori %add3A_384, %or3A_391 : vector<16xi32>
      %add3A_393 = arith.constant 2 : i32
      %add3A_394 = vector.broadcast %add3A_393 : i32 to vector<16xi32>
      %add3A_395 = arith.addi %add3A_384, %add3A_394 : vector<16xi32>
      %add3A_396 = vector.broadcast %xor3A_348 : i32 to vector<16xi32>
      %add3A_397 = arith.addi %xor3A_392, %add3A_396 : vector<16xi32>
      %add3A_398 = arith.constant 1 : i32
      %add3A_399 = vector.broadcast %add3A_398 : i32 to vector<16xi32>
      %add3A_400 = arith.addi %add3A_397, %add3A_399 : vector<16xi32>
      %add3A_401 = arith.addi %add3A_395, %add3A_400 : vector<16xi32>
      %shift_left3A_402 = arith.constant 17 : i32
      %shift_left3A_403 = vector.broadcast %shift_left3A_402 : i32 to vector<16xi32>
      %shift_left3A_404 = arith.shli %add3A_400, %shift_left3A_403 : vector<16xi32>
      %shift_right_logical3A_405 = arith.constant 15 : i32
      %shift_right_logical3A_406 = vector.broadcast %shift_right_logical3A_405 : i32 to vector<16xi32>
      %shift_right_logical3A_407 = arith.shrui %add3A_400, %shift_right_logical3A_406 : vector<16xi32>
      %or3A_408 = arith.ori %shift_left3A_404, %shift_right_logical3A_407 : vector<16xi32>
      %xor3A_409 = arith.xori %add3A_401, %or3A_408 : vector<16xi32>
      %add3A_410 = arith.addi %add3A_401, %xor3A_409 : vector<16xi32>
      %shift_left3A_411 = arith.constant 29 : i32
      %shift_left3A_412 = vector.broadcast %shift_left3A_411 : i32 to vector<16xi32>
      %shift_left3A_413 = arith.shli %xor3A_409, %shift_left3A_412 : vector<16xi32>
      %shift_right_logical3A_414 = arith.constant 3 : i32
      %shift_right_logical3A_415 = vector.broadcast %shift_right_logical3A_414 : i32 to vector<16xi32>
      %shift_right_logical3A_416 = arith.shrui %xor3A_409, %shift_right_logical3A_415 : vector<16xi32>
      %or3A_417 = arith.ori %shift_left3A_413, %shift_right_logical3A_416 : vector<16xi32>
      %xor3A_418 = arith.xori %add3A_410, %or3A_417 : vector<16xi32>
      %add3A_419 = arith.addi %add3A_410, %xor3A_418 : vector<16xi32>
      %shift_left3A_420 = arith.constant 16 : i32
      %shift_left3A_421 = vector.broadcast %shift_left3A_420 : i32 to vector<16xi32>
      %shift_left3A_422 = arith.shli %xor3A_418, %shift_left3A_421 : vector<16xi32>
      %shift_right_logical3A_423 = arith.constant 16 : i32
      %shift_right_logical3A_424 = vector.broadcast %shift_right_logical3A_423 : i32 to vector<16xi32>
      %shift_right_logical3A_425 = arith.shrui %xor3A_418, %shift_right_logical3A_424 : vector<16xi32>
      %or3A_426 = arith.ori %shift_left3A_422, %shift_right_logical3A_425 : vector<16xi32>
      %xor3A_427 = arith.xori %add3A_419, %or3A_426 : vector<16xi32>
      %add3A_428 = arith.addi %add3A_419, %xor3A_427 : vector<16xi32>
      %shift_left3A_429 = arith.constant 24 : i32
      %shift_left3A_430 = vector.broadcast %shift_left3A_429 : i32 to vector<16xi32>
      %shift_left3A_431 = arith.shli %xor3A_427, %shift_left3A_430 : vector<16xi32>
      %shift_right_logical3A_432 = arith.constant 8 : i32
      %shift_right_logical3A_433 = vector.broadcast %shift_right_logical3A_432 : i32 to vector<16xi32>
      %shift_right_logical3A_434 = arith.shrui %xor3A_427, %shift_right_logical3A_433 : vector<16xi32>
      %or3A_435 = arith.ori %shift_left3A_431, %shift_right_logical3A_434 : vector<16xi32>
      %xor3A_436 = arith.xori %add3A_428, %or3A_435 : vector<16xi32>
      %add3A_437 = vector.broadcast %xor3A_348 : i32 to vector<16xi32>
      %add3A_438 = arith.addi %add3A_428, %add3A_437 : vector<16xi32>
      %add3A_439 = arith.constant 0 : i32
      %add3A_440 = vector.broadcast %add3A_439 : i32 to vector<16xi32>
      %add3A_441 = arith.addi %xor3A_436, %add3A_440 : vector<16xi32>
      %add3A_442 = arith.constant 2 : i32
      %add3A_443 = vector.broadcast %add3A_442 : i32 to vector<16xi32>
      %add3A_444 = arith.addi %add3A_441, %add3A_443 : vector<16xi32>
      %add3A_445 = arith.addi %add3A_438, %add3A_444 : vector<16xi32>
      %shift_left3A_446 = arith.constant 13 : i32
      %shift_left3A_447 = vector.broadcast %shift_left3A_446 : i32 to vector<16xi32>
      %shift_left3A_448 = arith.shli %add3A_444, %shift_left3A_447 : vector<16xi32>
      %shift_right_logical3A_449 = arith.constant 19 : i32
      %shift_right_logical3A_450 = vector.broadcast %shift_right_logical3A_449 : i32 to vector<16xi32>
      %shift_right_logical3A_451 = arith.shrui %add3A_444, %shift_right_logical3A_450 : vector<16xi32>
      %or3A_452 = arith.ori %shift_left3A_448, %shift_right_logical3A_451 : vector<16xi32>
      %xor3A_453 = arith.xori %add3A_445, %or3A_452 : vector<16xi32>
      %add3A_454 = arith.addi %add3A_445, %xor3A_453 : vector<16xi32>
      %shift_left3A_455 = arith.constant 15 : i32
      %shift_left3A_456 = vector.broadcast %shift_left3A_455 : i32 to vector<16xi32>
      %shift_left3A_457 = arith.shli %xor3A_453, %shift_left3A_456 : vector<16xi32>
      %shift_right_logical3A_458 = arith.constant 17 : i32
      %shift_right_logical3A_459 = vector.broadcast %shift_right_logical3A_458 : i32 to vector<16xi32>
      %shift_right_logical3A_460 = arith.shrui %xor3A_453, %shift_right_logical3A_459 : vector<16xi32>
      %or3A_461 = arith.ori %shift_left3A_457, %shift_right_logical3A_460 : vector<16xi32>
      %xor3A_462 = arith.xori %add3A_454, %or3A_461 : vector<16xi32>
      %add3A_463 = arith.addi %add3A_454, %xor3A_462 : vector<16xi32>
      %shift_left3A_464 = arith.constant 26 : i32
      %shift_left3A_465 = vector.broadcast %shift_left3A_464 : i32 to vector<16xi32>
      %shift_left3A_466 = arith.shli %xor3A_462, %shift_left3A_465 : vector<16xi32>
      %shift_right_logical3A_467 = arith.constant 6 : i32
      %shift_right_logical3A_468 = vector.broadcast %shift_right_logical3A_467 : i32 to vector<16xi32>
      %shift_right_logical3A_469 = arith.shrui %xor3A_462, %shift_right_logical3A_468 : vector<16xi32>
      %or3A_470 = arith.ori %shift_left3A_466, %shift_right_logical3A_469 : vector<16xi32>
      %xor3A_471 = arith.xori %add3A_463, %or3A_470 : vector<16xi32>
      %add3A_472 = arith.addi %add3A_463, %xor3A_471 : vector<16xi32>
      %shift_left3A_473 = arith.constant 6 : i32
      %shift_left3A_474 = vector.broadcast %shift_left3A_473 : i32 to vector<16xi32>
      %shift_left3A_475 = arith.shli %xor3A_471, %shift_left3A_474 : vector<16xi32>
      %shift_right_logical3A_476 = arith.constant 26 : i32
      %shift_right_logical3A_477 = vector.broadcast %shift_right_logical3A_476 : i32 to vector<16xi32>
      %shift_right_logical3A_478 = arith.shrui %xor3A_471, %shift_right_logical3A_477 : vector<16xi32>
      %or3A_479 = arith.ori %shift_left3A_475, %shift_right_logical3A_478 : vector<16xi32>
      %xor3A_480 = arith.xori %add3A_472, %or3A_479 : vector<16xi32>
      %add3A_481 = arith.constant 0 : i32
      %add3A_482 = vector.broadcast %add3A_481 : i32 to vector<16xi32>
      %add3A_483 = arith.addi %add3A_472, %add3A_482 : vector<16xi32>
      %add3A_484 = arith.constant 2 : i32
      %add3A_485 = vector.broadcast %add3A_484 : i32 to vector<16xi32>
      %add3A_486 = arith.addi %xor3A_480, %add3A_485 : vector<16xi32>
      %add3A_487 = arith.constant 3 : i32
      %add3A_488 = vector.broadcast %add3A_487 : i32 to vector<16xi32>
      %add3A_489 = arith.addi %add3A_486, %add3A_488 : vector<16xi32>
      %add3A_490 = arith.addi %add3A_483, %add3A_489 : vector<16xi32>
      %shift_left3A_491 = arith.constant 17 : i32
      %shift_left3A_492 = vector.broadcast %shift_left3A_491 : i32 to vector<16xi32>
      %shift_left3A_493 = arith.shli %add3A_489, %shift_left3A_492 : vector<16xi32>
      %shift_right_logical3A_494 = arith.constant 15 : i32
      %shift_right_logical3A_495 = vector.broadcast %shift_right_logical3A_494 : i32 to vector<16xi32>
      %shift_right_logical3A_496 = arith.shrui %add3A_489, %shift_right_logical3A_495 : vector<16xi32>
      %or3A_497 = arith.ori %shift_left3A_493, %shift_right_logical3A_496 : vector<16xi32>
      %xor3A_498 = arith.xori %add3A_490, %or3A_497 : vector<16xi32>
      %add3A_499 = arith.addi %add3A_490, %xor3A_498 : vector<16xi32>
      %shift_left3A_500 = arith.constant 29 : i32
      %shift_left3A_501 = vector.broadcast %shift_left3A_500 : i32 to vector<16xi32>
      %shift_left3A_502 = arith.shli %xor3A_498, %shift_left3A_501 : vector<16xi32>
      %shift_right_logical3A_503 = arith.constant 3 : i32
      %shift_right_logical3A_504 = vector.broadcast %shift_right_logical3A_503 : i32 to vector<16xi32>
      %shift_right_logical3A_505 = arith.shrui %xor3A_498, %shift_right_logical3A_504 : vector<16xi32>
      %or3A_506 = arith.ori %shift_left3A_502, %shift_right_logical3A_505 : vector<16xi32>
      %xor3A_507 = arith.xori %add3A_499, %or3A_506 : vector<16xi32>
      %add3A_508 = arith.addi %add3A_499, %xor3A_507 : vector<16xi32>
      %shift_left3A_509 = arith.constant 16 : i32
      %shift_left3A_510 = vector.broadcast %shift_left3A_509 : i32 to vector<16xi32>
      %shift_left3A_511 = arith.shli %xor3A_507, %shift_left3A_510 : vector<16xi32>
      %shift_right_logical3A_512 = arith.constant 16 : i32
      %shift_right_logical3A_513 = vector.broadcast %shift_right_logical3A_512 : i32 to vector<16xi32>
      %shift_right_logical3A_514 = arith.shrui %xor3A_507, %shift_right_logical3A_513 : vector<16xi32>
      %or3A_515 = arith.ori %shift_left3A_511, %shift_right_logical3A_514 : vector<16xi32>
      %xor3A_516 = arith.xori %add3A_508, %or3A_515 : vector<16xi32>
      %add3A_517 = arith.addi %add3A_508, %xor3A_516 : vector<16xi32>
      %shift_left3A_518 = arith.constant 24 : i32
      %shift_left3A_519 = vector.broadcast %shift_left3A_518 : i32 to vector<16xi32>
      %shift_left3A_520 = arith.shli %xor3A_516, %shift_left3A_519 : vector<16xi32>
      %shift_right_logical3A_521 = arith.constant 8 : i32
      %shift_right_logical3A_522 = vector.broadcast %shift_right_logical3A_521 : i32 to vector<16xi32>
      %shift_right_logical3A_523 = arith.shrui %xor3A_516, %shift_right_logical3A_522 : vector<16xi32>
      %or3A_524 = arith.ori %shift_left3A_520, %shift_right_logical3A_523 : vector<16xi32>
      %xor3A_525 = arith.xori %add3A_517, %or3A_524 : vector<16xi32>
      %add3A_526 = arith.constant 2 : i32
      %add3A_527 = vector.broadcast %add3A_526 : i32 to vector<16xi32>
      %add3A_528 = arith.addi %add3A_517, %add3A_527 : vector<16xi32>
      %add3A_529 = vector.broadcast %xor3A_348 : i32 to vector<16xi32>
      %add3A_530 = arith.addi %xor3A_525, %add3A_529 : vector<16xi32>
      %add3A_531 = arith.constant 4 : i32
      %add3A_532 = vector.broadcast %add3A_531 : i32 to vector<16xi32>
      %add3A_533 = arith.addi %add3A_530, %add3A_532 : vector<16xi32>
      %add3A_534 = arith.addi %add3A_528, %add3A_533 : vector<16xi32>
      %shift_left3A_535 = arith.constant 13 : i32
      %shift_left3A_536 = vector.broadcast %shift_left3A_535 : i32 to vector<16xi32>
      %shift_left3A_537 = arith.shli %add3A_533, %shift_left3A_536 : vector<16xi32>
      %shift_right_logical3A_538 = arith.constant 19 : i32
      %shift_right_logical3A_539 = vector.broadcast %shift_right_logical3A_538 : i32 to vector<16xi32>
      %shift_right_logical3A_540 = arith.shrui %add3A_533, %shift_right_logical3A_539 : vector<16xi32>
      %or3A_541 = arith.ori %shift_left3A_537, %shift_right_logical3A_540 : vector<16xi32>
      %xor3A_542 = arith.xori %add3A_534, %or3A_541 : vector<16xi32>
      %add3A_543 = arith.addi %add3A_534, %xor3A_542 : vector<16xi32>
      %shift_left3A_544 = arith.constant 15 : i32
      %shift_left3A_545 = vector.broadcast %shift_left3A_544 : i32 to vector<16xi32>
      %shift_left3A_546 = arith.shli %xor3A_542, %shift_left3A_545 : vector<16xi32>
      %shift_right_logical3A_547 = arith.constant 17 : i32
      %shift_right_logical3A_548 = vector.broadcast %shift_right_logical3A_547 : i32 to vector<16xi32>
      %shift_right_logical3A_549 = arith.shrui %xor3A_542, %shift_right_logical3A_548 : vector<16xi32>
      %or3A_550 = arith.ori %shift_left3A_546, %shift_right_logical3A_549 : vector<16xi32>
      %xor3A_551 = arith.xori %add3A_543, %or3A_550 : vector<16xi32>
      %add3A_552 = arith.addi %add3A_543, %xor3A_551 : vector<16xi32>
      %shift_left3A_553 = arith.constant 26 : i32
      %shift_left3A_554 = vector.broadcast %shift_left3A_553 : i32 to vector<16xi32>
      %shift_left3A_555 = arith.shli %xor3A_551, %shift_left3A_554 : vector<16xi32>
      %shift_right_logical3A_556 = arith.constant 6 : i32
      %shift_right_logical3A_557 = vector.broadcast %shift_right_logical3A_556 : i32 to vector<16xi32>
      %shift_right_logical3A_558 = arith.shrui %xor3A_551, %shift_right_logical3A_557 : vector<16xi32>
      %or3A_559 = arith.ori %shift_left3A_555, %shift_right_logical3A_558 : vector<16xi32>
      %xor3A_560 = arith.xori %add3A_552, %or3A_559 : vector<16xi32>
      %add3A_561 = arith.addi %add3A_552, %xor3A_560 : vector<16xi32>
      %shift_left3A_562 = arith.constant 6 : i32
      %shift_left3A_563 = vector.broadcast %shift_left3A_562 : i32 to vector<16xi32>
      %shift_left3A_564 = arith.shli %xor3A_560, %shift_left3A_563 : vector<16xi32>
      %shift_right_logical3A_565 = arith.constant 26 : i32
      %shift_right_logical3A_566 = vector.broadcast %shift_right_logical3A_565 : i32 to vector<16xi32>
      %shift_right_logical3A_567 = arith.shrui %xor3A_560, %shift_right_logical3A_566 : vector<16xi32>
      %or3A_568 = arith.ori %shift_left3A_564, %shift_right_logical3A_567 : vector<16xi32>
      %xor3A_569 = arith.xori %add3A_561, %or3A_568 : vector<16xi32>
      %add3A_570 = vector.broadcast %xor3A_348 : i32 to vector<16xi32>
      %add3A_571 = arith.addi %add3A_561, %add3A_570 : vector<16xi32>
      %add3A_572 = arith.constant 0 : i32
      %add3A_573 = vector.broadcast %add3A_572 : i32 to vector<16xi32>
      %add3A_574 = arith.addi %xor3A_569, %add3A_573 : vector<16xi32>
      %add3A_575 = arith.constant 5 : i32
      %add3A_576 = vector.broadcast %add3A_575 : i32 to vector<16xi32>
      %add3A_577 = arith.addi %add3A_574, %add3A_576 : vector<16xi32>
      %xor3A_578 = arith.xori %add3A_571, %add3A_577 : vector<16xi32>
      %shift_right_logical3A_579 = arith.constant 9 : i32
      %shift_right_logical3A_580 = vector.broadcast %shift_right_logical3A_579 : i32 to vector<16xi32>
      %shift_right_logical3A_581 = arith.shrui %xor3A_578, %shift_right_logical3A_580 : vector<16xi32>
      %or3A_582 = arith.constant 1065353216 : i32
      %or3A_583 = vector.broadcast %or3A_582 : i32 to vector<16xi32>
      %or3A_584 = arith.ori %shift_right_logical3A_581, %or3A_583 : vector<16xi32>
      %bitcast_convert_type3A_585 = tpu.bitcast %or3A_584 : vector<16xi32> -> vector<16xf32>
      %sub3A_586 = arith.constant 1.000000e+00 : f32
      %sub3A_587 = vector.broadcast %sub3A_586 : f32 to vector<16xf32>
      %sub3A_588 = arith.subf %bitcast_convert_type3A_585, %sub3A_587 : vector<16xf32>
      %lt3A_589 = arith.constant 5.000000e-01 : f32
      %lt3A_590 = vector.broadcast %lt3A_589 : f32 to vector<16xf32>
      %lt3A_591 = arith.cmpf olt, %sub3A_588, %lt3A_590 : vector<16xf32>
      %select_n3A_592 = arith.select %lt3A_591, %get3A_340, %get3A_335 : vector<16xi1>, vector<16xf32>
      %broadcast_in_dim3A_593 = arith.constant 0.000000e+00 : f32
      %broadcast_in_dim3A_594 = vector.broadcast %broadcast_in_dim3A_593 : f32 to vector<16xf32>
      %select_n3A_595 = arith.select %lt3A_591, %get3A_330, %broadcast_in_dim3A_594 : vector<16xi1>, vector<16xf32>
      %swap3A_596 = arith.constant 1 : i32
      %swap3A_597 = arith.index_cast %swap3A_596 : i32 to index
      %swap3A_598 = arith.index_cast %mul3A_48 : i32 to index
      %swap3A_599 = tpu.vector_load %arg10[%swap3A_597, %swap3A_598] {strides = array<i32>} : memref<4x128xf32, #tpu.memory_space<vmem>>, vector<1x16xf32>,
      %swap3A_600 = vector.shape_cast %swap3A_599 : vector<1x16xf32> to vector<16xf32>
      %swap3A_601 = vector.shape_cast %select_n3A_592 : vector<16xf32> to vector<1x16xf32>
      tpu.vector_store %arg10[%swap3A_597, %swap3A_598], %swap3A_601 {strides = array<i32>} : memref<4x128xf32, #tpu.memory_space<vmem>>, vector<1x16xf32>,
      %swap3A_602 = arith.constant 1 : i32
      %swap3A_603 = arith.index_cast %swap3A_602 : i32 to index
      %swap3A_604 = arith.index_cast %mul3A_48 : i32 to index
      %swap3A_605 = tpu.vector_load %arg11[%swap3A_603, %swap3A_604] {strides = array<i32>} : memref<4x128xf32, #tpu.memory_space<vmem>>, vector<1x16xf32>,
      %swap3A_606 = vector.shape_cast %swap3A_605 : vector<1x16xf32> to vector<16xf32>
      %swap3A_607 = vector.shape_cast %select_n3A_595 : vector<16xf32> to vector<1x16xf32>
      tpu.vector_store %arg11[%swap3A_603, %swap3A_604], %swap3A_607 {strides = array<i32>} : memref<4x128xf32, #tpu.memory_space<vmem>>, vector<1x16xf32>,
      %add3A_608 = arith.constant 8192 : i32
      %add3A_609 = arith.addi %add3A_608, %mul3A_2 : i32
      %add3A_610 = arith.addi %add3A_609, %mul3A_48 : i32
      %get3A_611 = arith.constant 2 : i32
      %get3A_612 = arith.index_cast %get3A_611 : i32 to index
      %get3A_613 = arith.index_cast %mul3A_48 : i32 to index
      %get3A_614 = tpu.vector_load %arg7[%get3A_612, %get3A_613] {strides = array<i32>} : memref<4x128xf32, #tpu.memory_space<vmem>>, vector<1x16xf32>,
      %get3A_615 = vector.shape_cast %get3A_614 : vector<1x16xf32> to vector<16xf32>
      %get3A_616 = arith.constant 2 : i32
      %get3A_617 = arith.index_cast %get3A_616 : i32 to index
      %get3A_618 = arith.index_cast %mul3A_48 : i32 to index
      %get3A_619 = tpu.vector_load %arg8[%get3A_617, %get3A_618] {strides = array<i32>} : memref<4x128xf32, #tpu.memory_space<vmem>>, vector<1x16xf32>,
      %get3A_620 = vector.shape_cast %get3A_619 : vector<1x16xf32> to vector<16xf32>
      %get3A_621 = arith.constant 2 : i32
      %get3A_622 = arith.index_cast %get3A_621 : i32 to index
      %get3A_623 = arith.index_cast %mul3A_48 : i32 to index
      %get3A_624 = tpu.vector_load %arg9[%get3A_622, %get3A_623] {strides = array<i32>} : memref<4x128xf32, #tpu.memory_space<vmem>>, vector<1x16xf32>,
      %get3A_625 = vector.shape_cast %get3A_624 : vector<1x16xf32> to vector<16xf32>
      %add3A_626 = vector.broadcast %add3A_610 : i32 to vector<16xi32>
      %add3A_627 = arith.addi %add3A_626, %iota3A : vector<16xi32>
      %bitcast_convert_type3A_628 = tpu.bitcast %add3A_627 : vector<16xi32> -> vector<16xi32>
      %xor3A_629 = arith.constant 0 : i32
      %xor3A_630 = arith.constant 2 : i32
      %xor3A_631 = arith.xori %xor3A_629, %xor3A_630 : i32
      %xor3A_632 = arith.constant 466688986 : i32
      %xor3A_633 = arith.xori %xor3A_631, %xor3A_632 : i32
      %broadcast_in_dim3A_634 = arith.constant 0 : i32
      %broadcast_in_dim3A_635 = vector.broadcast %broadcast_in_dim3A_634 : i32 to vector<16xi32>
      %add3A_636 = arith.constant 0 : i32
      %add3A_637 = vector.broadcast %add3A_636 : i32 to vector<16xi32>
      %add3A_638 = arith.addi %broadcast_in_dim3A_635, %add3A_637 : vector<16xi32>
      %add3A_639 = arith.constant 2 : i32
      %add3A_640 = vector.broadcast %add3A_639 : i32 to vector<16xi32>
      %add3A_641 = arith.addi %bitcast_convert_type3A_628, %add3A_640 : vector<16xi32>
      %add3A_642 = arith.addi %add3A_638, %add3A_641 : vector<16xi32>
      %shift_left3A_643 = arith.constant 13 : i32
      %shift_left3A_644 = vector.broadcast %shift_left3A_643 : i32 to vector<16xi32>
      %shift_left3A_645 = arith.shli %add3A_641, %shift_left3A_644 : vector<16xi32>
      %shift_right_logical3A_646 = arith.constant 19 : i32
      %shift_right_logical3A_647 = vector.broadcast %shift_right_logical3A_646 : i32 to vector<16xi32>
      %shift_right_logical3A_648 = arith.shrui %add3A_641, %shift_right_logical3A_647 : vector<16xi32>
      %or3A_649 = arith.ori %shift_left3A_645, %shift_right_logical3A_648 : vector<16xi32>
      %xor3A_650 = arith.xori %add3A_642, %or3A_649 : vector<16xi32>
      %add3A_651 = arith.addi %add3A_642, %xor3A_650 : vector<16xi32>
      %shift_left3A_652 = arith.constant 15 : i32
      %shift_left3A_653 = vector.broadcast %shift_left3A_652 : i32 to vector<16xi32>
      %shift_left3A_654 = arith.shli %xor3A_650, %shift_left3A_653 : vector<16xi32>
      %shift_right_logical3A_655 = arith.constant 17 : i32
      %shift_right_logical3A_656 = vector.broadcast %shift_right_logical3A_655 : i32 to vector<16xi32>
      %shift_right_logical3A_657 = arith.shrui %xor3A_650, %shift_right_logical3A_656 : vector<16xi32>
      %or3A_658 = arith.ori %shift_left3A_654, %shift_right_logical3A_657 : vector<16xi32>
      %xor3A_659 = arith.xori %add3A_651, %or3A_658 : vector<16xi32>
      %add3A_660 = arith.addi %add3A_651, %xor3A_659 : vector<16xi32>
      %shift_left3A_661 = arith.constant 26 : i32
      %shift_left3A_662 = vector.broadcast %shift_left3A_661 : i32 to vector<16xi32>
      %shift_left3A_663 = arith.shli %xor3A_659, %shift_left3A_662 : vector<16xi32>
      %shift_right_logical3A_664 = arith.constant 6 : i32
      %shift_right_logical3A_665 = vector.broadcast %shift_right_logical3A_664 : i32 to vector<16xi32>
      %shift_right_logical3A_666 = arith.shrui %xor3A_659, %shift_right_logical3A_665 : vector<16xi32>
      %or3A_667 = arith.ori %shift_left3A_663, %shift_right_logical3A_666 : vector<16xi32>
      %xor3A_668 = arith.xori %add3A_660, %or3A_667 : vector<16xi32>
      %add3A_669 = arith.addi %add3A_660, %xor3A_668 : vector<16xi32>
      %shift_left3A_670 = arith.constant 6 : i32
      %shift_left3A_671 = vector.broadcast %shift_left3A_670 : i32 to vector<16xi32>
      %shift_left3A_672 = arith.shli %xor3A_668, %shift_left3A_671 : vector<16xi32>
      %shift_right_logical3A_673 = arith.constant 26 : i32
      %shift_right_logical3A_674 = vector.broadcast %shift_right_logical3A_673 : i32 to vector<16xi32>
      %shift_right_logical3A_675 = arith.shrui %xor3A_668, %shift_right_logical3A_674 : vector<16xi32>
      %or3A_676 = arith.ori %shift_left3A_672, %shift_right_logical3A_675 : vector<16xi32>
      %xor3A_677 = arith.xori %add3A_669, %or3A_676 : vector<16xi32>
      %add3A_678 = arith.constant 2 : i32
      %add3A_679 = vector.broadcast %add3A_678 : i32 to vector<16xi32>
      %add3A_680 = arith.addi %add3A_669, %add3A_679 : vector<16xi32>
      %add3A_681 = vector.broadcast %xor3A_633 : i32 to vector<16xi32>
      %add3A_682 = arith.addi %xor3A_677, %add3A_681 : vector<16xi32>
      %add3A_683 = arith.constant 1 : i32
      %add3A_684 = vector.broadcast %add3A_683 : i32 to vector<16xi32>
      %add3A_685 = arith.addi %add3A_682, %add3A_684 : vector<16xi32>
      %add3A_686 = arith.addi %add3A_680, %add3A_685 : vector<16xi32>
      %shift_left3A_687 = arith.constant 17 : i32
      %shift_left3A_688 = vector.broadcast %shift_left3A_687 : i32 to vector<16xi32>
      %shift_left3A_689 = arith.shli %add3A_685, %shift_left3A_688 : vector<16xi32>
      %shift_right_logical3A_690 = arith.constant 15 : i32
      %shift_right_logical3A_691 = vector.broadcast %shift_right_logical3A_690 : i32 to vector<16xi32>
      %shift_right_logical3A_692 = arith.shrui %add3A_685, %shift_right_logical3A_691 : vector<16xi32>
      %or3A_693 = arith.ori %shift_left3A_689, %shift_right_logical3A_692 : vector<16xi32>
      %xor3A_694 = arith.xori %add3A_686, %or3A_693 : vector<16xi32>
      %add3A_695 = arith.addi %add3A_686, %xor3A_694 : vector<16xi32>
      %shift_left3A_696 = arith.constant 29 : i32
      %shift_left3A_697 = vector.broadcast %shift_left3A_696 : i32 to vector<16xi32>
      %shift_left3A_698 = arith.shli %xor3A_694, %shift_left3A_697 : vector<16xi32>
      %shift_right_logical3A_699 = arith.constant 3 : i32
      %shift_right_logical3A_700 = vector.broadcast %shift_right_logical3A_699 : i32 to vector<16xi32>
      %shift_right_logical3A_701 = arith.shrui %xor3A_694, %shift_right_logical3A_700 : vector<16xi32>
      %or3A_702 = arith.ori %shift_left3A_698, %shift_right_logical3A_701 : vector<16xi32>
      %xor3A_703 = arith.xori %add3A_695, %or3A_702 : vector<16xi32>
      %add3A_704 = arith.addi %add3A_695, %xor3A_703 : vector<16xi32>
      %shift_left3A_705 = arith.constant 16 : i32
      %shift_left3A_706 = vector.broadcast %shift_left3A_705 : i32 to vector<16xi32>
      %shift_left3A_707 = arith.shli %xor3A_703, %shift_left3A_706 : vector<16xi32>
      %shift_right_logical3A_708 = arith.constant 16 : i32
      %shift_right_logical3A_709 = vector.broadcast %shift_right_logical3A_708 : i32 to vector<16xi32>
      %shift_right_logical3A_710 = arith.shrui %xor3A_703, %shift_right_logical3A_709 : vector<16xi32>
      %or3A_711 = arith.ori %shift_left3A_707, %shift_right_logical3A_710 : vector<16xi32>
      %xor3A_712 = arith.xori %add3A_704, %or3A_711 : vector<16xi32>
      %add3A_713 = arith.addi %add3A_704, %xor3A_712 : vector<16xi32>
      %shift_left3A_714 = arith.constant 24 : i32
      %shift_left3A_715 = vector.broadcast %shift_left3A_714 : i32 to vector<16xi32>
      %shift_left3A_716 = arith.shli %xor3A_712, %shift_left3A_715 : vector<16xi32>
      %shift_right_logical3A_717 = arith.constant 8 : i32
      %shift_right_logical3A_718 = vector.broadcast %shift_right_logical3A_717 : i32 to vector<16xi32>
      %shift_right_logical3A_719 = arith.shrui %xor3A_712, %shift_right_logical3A_718 : vector<16xi32>
      %or3A_720 = arith.ori %shift_left3A_716, %shift_right_logical3A_719 : vector<16xi32>
      %xor3A_721 = arith.xori %add3A_713, %or3A_720 : vector<16xi32>
      %add3A_722 = vector.broadcast %xor3A_633 : i32 to vector<16xi32>
      %add3A_723 = arith.addi %add3A_713, %add3A_722 : vector<16xi32>
      %add3A_724 = arith.constant 0 : i32
      %add3A_725 = vector.broadcast %add3A_724 : i32 to vector<16xi32>
      %add3A_726 = arith.addi %xor3A_721, %add3A_725 : vector<16xi32>
      %add3A_727 = arith.constant 2 : i32
      %add3A_728 = vector.broadcast %add3A_727 : i32 to vector<16xi32>
      %add3A_729 = arith.addi %add3A_726, %add3A_728 : vector<16xi32>
      %add3A_730 = arith.addi %add3A_723, %add3A_729 : vector<16xi32>
      %shift_left3A_731 = arith.constant 13 : i32
      %shift_left3A_732 = vector.broadcast %shift_left3A_731 : i32 to vector<16xi32>
      %shift_left3A_733 = arith.shli %add3A_729, %shift_left3A_732 : vector<16xi32>
      %shift_right_logical3A_734 = arith.constant 19 : i32
      %shift_right_logical3A_735 = vector.broadcast %shift_right_logical3A_734 : i32 to vector<16xi32>
      %shift_right_logical3A_736 = arith.shrui %add3A_729, %shift_right_logical3A_735 : vector<16xi32>
      %or3A_737 = arith.ori %shift_left3A_733, %shift_right_logical3A_736 : vector<16xi32>
      %xor3A_738 = arith.xori %add3A_730, %or3A_737 : vector<16xi32>
      %add3A_739 = arith.addi %add3A_730, %xor3A_738 : vector<16xi32>
      %shift_left3A_740 = arith.constant 15 : i32
      %shift_left3A_741 = vector.broadcast %shift_left3A_740 : i32 to vector<16xi32>
      %shift_left3A_742 = arith.shli %xor3A_738, %shift_left3A_741 : vector<16xi32>
      %shift_right_logical3A_743 = arith.constant 17 : i32
      %shift_right_logical3A_744 = vector.broadcast %shift_right_logical3A_743 : i32 to vector<16xi32>
      %shift_right_logical3A_745 = arith.shrui %xor3A_738, %shift_right_logical3A_744 : vector<16xi32>
      %or3A_746 = arith.ori %shift_left3A_742, %shift_right_logical3A_745 : vector<16xi32>
      %xor3A_747 = arith.xori %add3A_739, %or3A_746 : vector<16xi32>
      %add3A_748 = arith.addi %add3A_739, %xor3A_747 : vector<16xi32>
      %shift_left3A_749 = arith.constant 26 : i32
      %shift_left3A_750 = vector.broadcast %shift_left3A_749 : i32 to vector<16xi32>
      %shift_left3A_751 = arith.shli %xor3A_747, %shift_left3A_750 : vector<16xi32>
      %shift_right_logical3A_752 = arith.constant 6 : i32
      %shift_right_logical3A_753 = vector.broadcast %shift_right_logical3A_752 : i32 to vector<16xi32>
      %shift_right_logical3A_754 = arith.shrui %xor3A_747, %shift_right_logical3A_753 : vector<16xi32>
      %or3A_755 = arith.ori %shift_left3A_751, %shift_right_logical3A_754 : vector<16xi32>
      %xor3A_756 = arith.xori %add3A_748, %or3A_755 : vector<16xi32>
      %add3A_757 = arith.addi %add3A_748, %xor3A_756 : vector<16xi32>
      %shift_left3A_758 = arith.constant 6 : i32
      %shift_left3A_759 = vector.broadcast %shift_left3A_758 : i32 to vector<16xi32>
      %shift_left3A_760 = arith.shli %xor3A_756, %shift_left3A_759 : vector<16xi32>
      %shift_right_logical3A_761 = arith.constant 26 : i32
      %shift_right_logical3A_762 = vector.broadcast %shift_right_logical3A_761 : i32 to vector<16xi32>
      %shift_right_logical3A_763 = arith.shrui %xor3A_756, %shift_right_logical3A_762 : vector<16xi32>
      %or3A_764 = arith.ori %shift_left3A_760, %shift_right_logical3A_763 : vector<16xi32>
      %xor3A_765 = arith.xori %add3A_757, %or3A_764 : vector<16xi32>
      %add3A_766 = arith.constant 0 : i32
      %add3A_767 = vector.broadcast %add3A_766 : i32 to vector<16xi32>
      %add3A_768 = arith.addi %add3A_757, %add3A_767 : vector<16xi32>
      %add3A_769 = arith.constant 2 : i32
      %add3A_770 = vector.broadcast %add3A_769 : i32 to vector<16xi32>
      %add3A_771 = arith.addi %xor3A_765, %add3A_770 : vector<16xi32>
      %add3A_772 = arith.constant 3 : i32
      %add3A_773 = vector.broadcast %add3A_772 : i32 to vector<16xi32>
      %add3A_774 = arith.addi %add3A_771, %add3A_773 : vector<16xi32>
      %add3A_775 = arith.addi %add3A_768, %add3A_774 : vector<16xi32>
      %shift_left3A_776 = arith.constant 17 : i32
      %shift_left3A_777 = vector.broadcast %shift_left3A_776 : i32 to vector<16xi32>
      %shift_left3A_778 = arith.shli %add3A_774, %shift_left3A_777 : vector<16xi32>
      %shift_right_logical3A_779 = arith.constant 15 : i32
      %shift_right_logical3A_780 = vector.broadcast %shift_right_logical3A_779 : i32 to vector<16xi32>
      %shift_right_logical3A_781 = arith.shrui %add3A_774, %shift_right_logical3A_780 : vector<16xi32>
      %or3A_782 = arith.ori %shift_left3A_778, %shift_right_logical3A_781 : vector<16xi32>
      %xor3A_783 = arith.xori %add3A_775, %or3A_782 : vector<16xi32>
      %add3A_784 = arith.addi %add3A_775, %xor3A_783 : vector<16xi32>
      %shift_left3A_785 = arith.constant 29 : i32
      %shift_left3A_786 = vector.broadcast %shift_left3A_785 : i32 to vector<16xi32>
      %shift_left3A_787 = arith.shli %xor3A_783, %shift_left3A_786 : vector<16xi32>
      %shift_right_logical3A_788 = arith.constant 3 : i32
      %shift_right_logical3A_789 = vector.broadcast %shift_right_logical3A_788 : i32 to vector<16xi32>
      %shift_right_logical3A_790 = arith.shrui %xor3A_783, %shift_right_logical3A_789 : vector<16xi32>
      %or3A_791 = arith.ori %shift_left3A_787, %shift_right_logical3A_790 : vector<16xi32>
      %xor3A_792 = arith.xori %add3A_784, %or3A_791 : vector<16xi32>
      %add3A_793 = arith.addi %add3A_784, %xor3A_792 : vector<16xi32>
      %shift_left3A_794 = arith.constant 16 : i32
      %shift_left3A_795 = vector.broadcast %shift_left3A_794 : i32 to vector<16xi32>
      %shift_left3A_796 = arith.shli %xor3A_792, %shift_left3A_795 : vector<16xi32>
      %shift_right_logical3A_797 = arith.constant 16 : i32
      %shift_right_logical3A_798 = vector.broadcast %shift_right_logical3A_797 : i32 to vector<16xi32>
      %shift_right_logical3A_799 = arith.shrui %xor3A_792, %shift_right_logical3A_798 : vector<16xi32>
      %or3A_800 = arith.ori %shift_left3A_796, %shift_right_logical3A_799 : vector<16xi32>
      %xor3A_801 = arith.xori %add3A_793, %or3A_800 : vector<16xi32>
      %add3A_802 = arith.addi %add3A_793, %xor3A_801 : vector<16xi32>
      %shift_left3A_803 = arith.constant 24 : i32
      %shift_left3A_804 = vector.broadcast %shift_left3A_803 : i32 to vector<16xi32>
      %shift_left3A_805 = arith.shli %xor3A_801, %shift_left3A_804 : vector<16xi32>
      %shift_right_logical3A_806 = arith.constant 8 : i32
      %shift_right_logical3A_807 = vector.broadcast %shift_right_logical3A_806 : i32 to vector<16xi32>
      %shift_right_logical3A_808 = arith.shrui %xor3A_801, %shift_right_logical3A_807 : vector<16xi32>
      %or3A_809 = arith.ori %shift_left3A_805, %shift_right_logical3A_808 : vector<16xi32>
      %xor3A_810 = arith.xori %add3A_802, %or3A_809 : vector<16xi32>
      %add3A_811 = arith.constant 2 : i32
      %add3A_812 = vector.broadcast %add3A_811 : i32 to vector<16xi32>
      %add3A_813 = arith.addi %add3A_802, %add3A_812 : vector<16xi32>
      %add3A_814 = vector.broadcast %xor3A_633 : i32 to vector<16xi32>
      %add3A_815 = arith.addi %xor3A_810, %add3A_814 : vector<16xi32>
      %add3A_816 = arith.constant 4 : i32
      %add3A_817 = vector.broadcast %add3A_816 : i32 to vector<16xi32>
      %add3A_818 = arith.addi %add3A_815, %add3A_817 : vector<16xi32>
      %add3A_819 = arith.addi %add3A_813, %add3A_818 : vector<16xi32>
      %shift_left3A_820 = arith.constant 13 : i32
      %shift_left3A_821 = vector.broadcast %shift_left3A_820 : i32 to vector<16xi32>
      %shift_left3A_822 = arith.shli %add3A_818, %shift_left3A_821 : vector<16xi32>
      %shift_right_logical3A_823 = arith.constant 19 : i32
      %shift_right_logical3A_824 = vector.broadcast %shift_right_logical3A_823 : i32 to vector<16xi32>
      %shift_right_logical3A_825 = arith.shrui %add3A_818, %shift_right_logical3A_824 : vector<16xi32>
      %or3A_826 = arith.ori %shift_left3A_822, %shift_right_logical3A_825 : vector<16xi32>
      %xor3A_827 = arith.xori %add3A_819, %or3A_826 : vector<16xi32>
      %add3A_828 = arith.addi %add3A_819, %xor3A_827 : vector<16xi32>
      %shift_left3A_829 = arith.constant 15 : i32
      %shift_left3A_830 = vector.broadcast %shift_left3A_829 : i32 to vector<16xi32>
      %shift_left3A_831 = arith.shli %xor3A_827, %shift_left3A_830 : vector<16xi32>
      %shift_right_logical3A_832 = arith.constant 17 : i32
      %shift_right_logical3A_833 = vector.broadcast %shift_right_logical3A_832 : i32 to vector<16xi32>
      %shift_right_logical3A_834 = arith.shrui %xor3A_827, %shift_right_logical3A_833 : vector<16xi32>
      %or3A_835 = arith.ori %shift_left3A_831, %shift_right_logical3A_834 : vector<16xi32>
      %xor3A_836 = arith.xori %add3A_828, %or3A_835 : vector<16xi32>
      %add3A_837 = arith.addi %add3A_828, %xor3A_836 : vector<16xi32>
      %shift_left3A_838 = arith.constant 26 : i32
      %shift_left3A_839 = vector.broadcast %shift_left3A_838 : i32 to vector<16xi32>
      %shift_left3A_840 = arith.shli %xor3A_836, %shift_left3A_839 : vector<16xi32>
      %shift_right_logical3A_841 = arith.constant 6 : i32
      %shift_right_logical3A_842 = vector.broadcast %shift_right_logical3A_841 : i32 to vector<16xi32>
      %shift_right_logical3A_843 = arith.shrui %xor3A_836, %shift_right_logical3A_842 : vector<16xi32>
      %or3A_844 = arith.ori %shift_left3A_840, %shift_right_logical3A_843 : vector<16xi32>
      %xor3A_845 = arith.xori %add3A_837, %or3A_844 : vector<16xi32>
      %add3A_846 = arith.addi %add3A_837, %xor3A_845 : vector<16xi32>
      %shift_left3A_847 = arith.constant 6 : i32
      %shift_left3A_848 = vector.broadcast %shift_left3A_847 : i32 to vector<16xi32>
      %shift_left3A_849 = arith.shli %xor3A_845, %shift_left3A_848 : vector<16xi32>
      %shift_right_logical3A_850 = arith.constant 26 : i32
      %shift_right_logical3A_851 = vector.broadcast %shift_right_logical3A_850 : i32 to vector<16xi32>
      %shift_right_logical3A_852 = arith.shrui %xor3A_845, %shift_right_logical3A_851 : vector<16xi32>
      %or3A_853 = arith.ori %shift_left3A_849, %shift_right_logical3A_852 : vector<16xi32>
      %xor3A_854 = arith.xori %add3A_846, %or3A_853 : vector<16xi32>
      %add3A_855 = vector.broadcast %xor3A_633 : i32 to vector<16xi32>
      %add3A_856 = arith.addi %add3A_846, %add3A_855 : vector<16xi32>
      %add3A_857 = arith.constant 0 : i32
      %add3A_858 = vector.broadcast %add3A_857 : i32 to vector<16xi32>
      %add3A_859 = arith.addi %xor3A_854, %add3A_858 : vector<16xi32>
      %add3A_860 = arith.constant 5 : i32
      %add3A_861 = vector.broadcast %add3A_860 : i32 to vector<16xi32>
      %add3A_862 = arith.addi %add3A_859, %add3A_861 : vector<16xi32>
      %xor3A_863 = arith.xori %add3A_856, %add3A_862 : vector<16xi32>
      %shift_right_logical3A_864 = arith.constant 9 : i32
      %shift_right_logical3A_865 = vector.broadcast %shift_right_logical3A_864 : i32 to vector<16xi32>
      %shift_right_logical3A_866 = arith.shrui %xor3A_863, %shift_right_logical3A_865 : vector<16xi32>
      %or3A_867 = arith.constant 1065353216 : i32
      %or3A_868 = vector.broadcast %or3A_867 : i32 to vector<16xi32>
      %or3A_869 = arith.ori %shift_right_logical3A_866, %or3A_868 : vector<16xi32>
      %bitcast_convert_type3A_870 = tpu.bitcast %or3A_869 : vector<16xi32> -> vector<16xf32>
      %sub3A_871 = arith.constant 1.000000e+00 : f32
      %sub3A_872 = vector.broadcast %sub3A_871 : f32 to vector<16xf32>
      %sub3A_873 = arith.subf %bitcast_convert_type3A_870, %sub3A_872 : vector<16xf32>
      %lt3A_874 = arith.constant 5.000000e-01 : f32
      %lt3A_875 = vector.broadcast %lt3A_874 : f32 to vector<16xf32>
      %lt3A_876 = arith.cmpf olt, %sub3A_873, %lt3A_875 : vector<16xf32>
      %select_n3A_877 = arith.select %lt3A_876, %get3A_625, %get3A_620 : vector<16xi1>, vector<16xf32>
      %broadcast_in_dim3A_878 = arith.constant 0.000000e+00 : f32
      %broadcast_in_dim3A_879 = vector.broadcast %broadcast_in_dim3A_878 : f32 to vector<16xf32>
      %select_n3A_880 = arith.select %lt3A_876, %get3A_615, %broadcast_in_dim3A_879 : vector<16xi1>, vector<16xf32>
      %swap3A_881 = arith.constant 2 : i32
      %swap3A_882 = arith.index_cast %swap3A_881 : i32 to index
      %swap3A_883 = arith.index_cast %mul3A_48 : i32 to index
      %swap3A_884 = tpu.vector_load %arg10[%swap3A_882, %swap3A_883] {strides = array<i32>} : memref<4x128xf32, #tpu.memory_space<vmem>>, vector<1x16xf32>,
      %swap3A_885 = vector.shape_cast %swap3A_884 : vector<1x16xf32> to vector<16xf32>
      %swap3A_886 = vector.shape_cast %select_n3A_877 : vector<16xf32> to vector<1x16xf32>
      tpu.vector_store %arg10[%swap3A_882, %swap3A_883], %swap3A_886 {strides = array<i32>} : memref<4x128xf32, #tpu.memory_space<vmem>>, vector<1x16xf32>,
      %swap3A_887 = arith.constant 2 : i32
      %swap3A_888 = arith.index_cast %swap3A_887 : i32 to index
      %swap3A_889 = arith.index_cast %mul3A_48 : i32 to index
      %swap3A_890 = tpu.vector_load %arg11[%swap3A_888, %swap3A_889] {strides = array<i32>} : memref<4x128xf32, #tpu.memory_space<vmem>>, vector<1x16xf32>,
      %swap3A_891 = vector.shape_cast %swap3A_890 : vector<1x16xf32> to vector<16xf32>
      %swap3A_892 = vector.shape_cast %select_n3A_880 : vector<16xf32> to vector<1x16xf32>
      tpu.vector_store %arg11[%swap3A_888, %swap3A_889], %swap3A_892 {strides = array<i32>} : memref<4x128xf32, #tpu.memory_space<vmem>>, vector<1x16xf32>,
      %add3A_893 = arith.constant 12288 : i32
      %add3A_894 = arith.addi %add3A_893, %mul3A_2 : i32
      %add3A_895 = arith.addi %add3A_894, %mul3A_48 : i32
      %get3A_896 = arith.constant 3 : i32
      %get3A_897 = arith.index_cast %get3A_896 : i32 to index
      %get3A_898 = arith.index_cast %mul3A_48 : i32 to index
      %get3A_899 = tpu.vector_load %arg7[%get3A_897, %get3A_898] {strides = array<i32>} : memref<4x128xf32, #tpu.memory_space<vmem>>, vector<1x16xf32>,
      %get3A_900 = vector.shape_cast %get3A_899 : vector<1x16xf32> to vector<16xf32>
      %get3A_901 = arith.constant 3 : i32
      %get3A_902 = arith.index_cast %get3A_901 : i32 to index
      %get3A_903 = arith.index_cast %mul3A_48 : i32 to index
      %get3A_904 = tpu.vector_load %arg8[%get3A_902, %get3A_903] {strides = array<i32>} : memref<4x128xf32, #tpu.memory_space<vmem>>, vector<1x16xf32>,
      %get3A_905 = vector.shape_cast %get3A_904 : vector<1x16xf32> to vector<16xf32>
      %get3A_906 = arith.constant 3 : i32
      %get3A_907 = arith.index_cast %get3A_906 : i32 to index
      %get3A_908 = arith.index_cast %mul3A_48 : i32 to index
      %get3A_909 = tpu.vector_load %arg9[%get3A_907, %get3A_908] {strides = array<i32>} : memref<4x128xf32, #tpu.memory_space<vmem>>, vector<1x16xf32>,
      %get3A_910 = vector.shape_cast %get3A_909 : vector<1x16xf32> to vector<16xf32>
      %add3A_911 = vector.broadcast %add3A_895 : i32 to vector<16xi32>
      %add3A_912 = arith.addi %add3A_911, %iota3A : vector<16xi32>
      %bitcast_convert_type3A_913 = tpu.bitcast %add3A_912 : vector<16xi32> -> vector<16xi32>
      %xor3A_914 = arith.constant 0 : i32
      %xor3A_915 = arith.constant 2 : i32
      %xor3A_916 = arith.xori %xor3A_914, %xor3A_915 : i32
      %xor3A_917 = arith.constant 466688986 : i32
      %xor3A_918 = arith.xori %xor3A_916, %xor3A_917 : i32
      %broadcast_in_dim3A_919 = arith.constant 0 : i32
      %broadcast_in_dim3A_920 = vector.broadcast %broadcast_in_dim3A_919 : i32 to vector<16xi32>
      %add3A_921 = arith.constant 0 : i32
      %add3A_922 = vector.broadcast %add3A_921 : i32 to vector<16xi32>
      %add3A_923 = arith.addi %broadcast_in_dim3A_920, %add3A_922 : vector<16xi32>
      %add3A_924 = arith.constant 2 : i32
      %add3A_925 = vector.broadcast %add3A_924 : i32 to vector<16xi32>
      %add3A_926 = arith.addi %bitcast_convert_type3A_913, %add3A_925 : vector<16xi32>
      %add3A_927 = arith.addi %add3A_923, %add3A_926 : vector<16xi32>
      %shift_left3A_928 = arith.constant 13 : i32
      %shift_left3A_929 = vector.broadcast %shift_left3A_928 : i32 to vector<16xi32>
      %shift_left3A_930 = arith.shli %add3A_926, %shift_left3A_929 : vector<16xi32>
      %shift_right_logical3A_931 = arith.constant 19 : i32
      %shift_right_logical3A_932 = vector.broadcast %shift_right_logical3A_931 : i32 to vector<16xi32>
      %shift_right_logical3A_933 = arith.shrui %add3A_926, %shift_right_logical3A_932 : vector<16xi32>
      %or3A_934 = arith.ori %shift_left3A_930, %shift_right_logical3A_933 : vector<16xi32>
      %xor3A_935 = arith.xori %add3A_927, %or3A_934 : vector<16xi32>
      %add3A_936 = arith.addi %add3A_927, %xor3A_935 : vector<16xi32>
      %shift_left3A_937 = arith.constant 15 : i32
      %shift_left3A_938 = vector.broadcast %shift_left3A_937 : i32 to vector<16xi32>
      %shift_left3A_939 = arith.shli %xor3A_935, %shift_left3A_938 : vector<16xi32>
      %shift_right_logical3A_940 = arith.constant 17 : i32
      %shift_right_logical3A_941 = vector.broadcast %shift_right_logical3A_940 : i32 to vector<16xi32>
      %shift_right_logical3A_942 = arith.shrui %xor3A_935, %shift_right_logical3A_941 : vector<16xi32>
      %or3A_943 = arith.ori %shift_left3A_939, %shift_right_logical3A_942 : vector<16xi32>
      %xor3A_944 = arith.xori %add3A_936, %or3A_943 : vector<16xi32>
      %add3A_945 = arith.addi %add3A_936, %xor3A_944 : vector<16xi32>
      %shift_left3A_946 = arith.constant 26 : i32
      %shift_left3A_947 = vector.broadcast %shift_left3A_946 : i32 to vector<16xi32>
      %shift_left3A_948 = arith.shli %xor3A_944, %shift_left3A_947 : vector<16xi32>
      %shift_right_logical3A_949 = arith.constant 6 : i32
      %shift_right_logical3A_950 = vector.broadcast %shift_right_logical3A_949 : i32 to vector<16xi32>
      %shift_right_logical3A_951 = arith.shrui %xor3A_944, %shift_right_logical3A_950 : vector<16xi32>
      %or3A_952 = arith.ori %shift_left3A_948, %shift_right_logical3A_951 : vector<16xi32>
      %xor3A_953 = arith.xori %add3A_945, %or3A_952 : vector<16xi32>
      %add3A_954 = arith.addi %add3A_945, %xor3A_953 : vector<16xi32>
      %shift_left3A_955 = arith.constant 6 : i32
      %shift_left3A_956 = vector.broadcast %shift_left3A_955 : i32 to vector<16xi32>
      %shift_left3A_957 = arith.shli %xor3A_953, %shift_left3A_956 : vector<16xi32>
      %shift_right_logical3A_958 = arith.constant 26 : i32
      %shift_right_logical3A_959 = vector.broadcast %shift_right_logical3A_958 : i32 to vector<16xi32>
      %shift_right_logical3A_960 = arith.shrui %xor3A_953, %shift_right_logical3A_959 : vector<16xi32>
      %or3A_961 = arith.ori %shift_left3A_957, %shift_right_logical3A_960 : vector<16xi32>
      %xor3A_962 = arith.xori %add3A_954, %or3A_961 : vector<16xi32>
      %add3A_963 = arith.constant 2 : i32
      %add3A_964 = vector.broadcast %add3A_963 : i32 to vector<16xi32>
      %add3A_965 = arith.addi %add3A_954, %add3A_964 : vector<16xi32>
      %add3A_966 = vector.broadcast %xor3A_918 : i32 to vector<16xi32>
      %add3A_967 = arith.addi %xor3A_962, %add3A_966 : vector<16xi32>
      %add3A_968 = arith.constant 1 : i32
      %add3A_969 = vector.broadcast %add3A_968 : i32 to vector<16xi32>
      %add3A_970 = arith.addi %add3A_967, %add3A_969 : vector<16xi32>
      %add3A_971 = arith.addi %add3A_965, %add3A_970 : vector<16xi32>
      %shift_left3A_972 = arith.constant 17 : i32
      %shift_left3A_973 = vector.broadcast %shift_left3A_972 : i32 to vector<16xi32>
      %shift_left3A_974 = arith.shli %add3A_970, %shift_left3A_973 : vector<16xi32>
      %shift_right_logical3A_975 = arith.constant 15 : i32
      %shift_right_logical3A_976 = vector.broadcast %shift_right_logical3A_975 : i32 to vector<16xi32>
      %shift_right_logical3A_977 = arith.shrui %add3A_970, %shift_right_logical3A_976 : vector<16xi32>
      %or3A_978 = arith.ori %shift_left3A_974, %shift_right_logical3A_977 : vector<16xi32>
      %xor3A_979 = arith.xori %add3A_971, %or3A_978 : vector<16xi32>
      %add3A_980 = arith.addi %add3A_971, %xor3A_979 : vector<16xi32>
      %shift_left3A_981 = arith.constant 29 : i32
      %shift_left3A_982 = vector.broadcast %shift_left3A_981 : i32 to vector<16xi32>
      %shift_left3A_983 = arith.shli %xor3A_979, %shift_left3A_982 : vector<16xi32>
      %shift_right_logical3A_984 = arith.constant 3 : i32
      %shift_right_logical3A_985 = vector.broadcast %shift_right_logical3A_984 : i32 to vector<16xi32>
      %shift_right_logical3A_986 = arith.shrui %xor3A_979, %shift_right_logical3A_985 : vector<16xi32>
      %or3A_987 = arith.ori %shift_left3A_983, %shift_right_logical3A_986 : vector<16xi32>
      %xor3A_988 = arith.xori %add3A_980, %or3A_987 : vector<16xi32>
      %add3A_989 = arith.addi %add3A_980, %xor3A_988 : vector<16xi32>
      %shift_left3A_990 = arith.constant 16 : i32
      %shift_left3A_991 = vector.broadcast %shift_left3A_990 : i32 to vector<16xi32>
      %shift_left3A_992 = arith.shli %xor3A_988, %shift_left3A_991 : vector<16xi32>
      %shift_right_logical3A_993 = arith.constant 16 : i32
      %shift_right_logical3A_994 = vector.broadcast %shift_right_logical3A_993 : i32 to vector<16xi32>
      %shift_right_logical3A_995 = arith.shrui %xor3A_988, %shift_right_logical3A_994 : vector<16xi32>
      %or3A_996 = arith.ori %shift_left3A_992, %shift_right_logical3A_995 : vector<16xi32>
      %xor3A_997 = arith.xori %add3A_989, %or3A_996 : vector<16xi32>
      %add3A_998 = arith.addi %add3A_989, %xor3A_997 : vector<16xi32>
      %shift_left3A_999 = arith.constant 24 : i32
      %shift_left3A_1000 = vector.broadcast %shift_left3A_999 : i32 to vector<16xi32>
      %shift_left3A_1001 = arith.shli %xor3A_997, %shift_left3A_1000 : vector<16xi32>
      %shift_right_logical3A_1002 = arith.constant 8 : i32
      %shift_right_logical3A_1003 = vector.broadcast %shift_right_logical3A_1002 : i32 to vector<16xi32>
      %shift_right_logical3A_1004 = arith.shrui %xor3A_997, %shift_right_logical3A_1003 : vector<16xi32>
      %or3A_1005 = arith.ori %shift_left3A_1001, %shift_right_logical3A_1004 : vector<16xi32>
      %xor3A_1006 = arith.xori %add3A_998, %or3A_1005 : vector<16xi32>
      %add3A_1007 = vector.broadcast %xor3A_918 : i32 to vector<16xi32>
      %add3A_1008 = arith.addi %add3A_998, %add3A_1007 : vector<16xi32>
      %add3A_1009 = arith.constant 0 : i32
      %add3A_1010 = vector.broadcast %add3A_1009 : i32 to vector<16xi32>
      %add3A_1011 = arith.addi %xor3A_1006, %add3A_1010 : vector<16xi32>
      %add3A_1012 = arith.constant 2 : i32
      %add3A_1013 = vector.broadcast %add3A_1012 : i32 to vector<16xi32>
      %add3A_1014 = arith.addi %add3A_1011, %add3A_1013 : vector<16xi32>
      %add3A_1015 = arith.addi %add3A_1008, %add3A_1014 : vector<16xi32>
      %shift_left3A_1016 = arith.constant 13 : i32
      %shift_left3A_1017 = vector.broadcast %shift_left3A_1016 : i32 to vector<16xi32>
      %shift_left3A_1018 = arith.shli %add3A_1014, %shift_left3A_1017 : vector<16xi32>
      %shift_right_logical3A_1019 = arith.constant 19 : i32
      %shift_right_logical3A_1020 = vector.broadcast %shift_right_logical3A_1019 : i32 to vector<16xi32>
      %shift_right_logical3A_1021 = arith.shrui %add3A_1014, %shift_right_logical3A_1020 : vector<16xi32>
      %or3A_1022 = arith.ori %shift_left3A_1018, %shift_right_logical3A_1021 : vector<16xi32>
      %xor3A_1023 = arith.xori %add3A_1015, %or3A_1022 : vector<16xi32>
      %add3A_1024 = arith.addi %add3A_1015, %xor3A_1023 : vector<16xi32>
      %shift_left3A_1025 = arith.constant 15 : i32
      %shift_left3A_1026 = vector.broadcast %shift_left3A_1025 : i32 to vector<16xi32>
      %shift_left3A_1027 = arith.shli %xor3A_1023, %shift_left3A_1026 : vector<16xi32>
      %shift_right_logical3A_1028 = arith.constant 17 : i32
      %shift_right_logical3A_1029 = vector.broadcast %shift_right_logical3A_1028 : i32 to vector<16xi32>
      %shift_right_logical3A_1030 = arith.shrui %xor3A_1023, %shift_right_logical3A_1029 : vector<16xi32>
      %or3A_1031 = arith.ori %shift_left3A_1027, %shift_right_logical3A_1030 : vector<16xi32>
      %xor3A_1032 = arith.xori %add3A_1024, %or3A_1031 : vector<16xi32>
      %add3A_1033 = arith.addi %add3A_1024, %xor3A_1032 : vector<16xi32>
      %shift_left3A_1034 = arith.constant 26 : i32
      %shift_left3A_1035 = vector.broadcast %shift_left3A_1034 : i32 to vector<16xi32>
      %shift_left3A_1036 = arith.shli %xor3A_1032, %shift_left3A_1035 : vector<16xi32>
      %shift_right_logical3A_1037 = arith.constant 6 : i32
      %shift_right_logical3A_1038 = vector.broadcast %shift_right_logical3A_1037 : i32 to vector<16xi32>
      %shift_right_logical3A_1039 = arith.shrui %xor3A_1032, %shift_right_logical3A_1038 : vector<16xi32>
      %or3A_1040 = arith.ori %shift_left3A_1036, %shift_right_logical3A_1039 : vector<16xi32>
      %xor3A_1041 = arith.xori %add3A_1033, %or3A_1040 : vector<16xi32>
      %add3A_1042 = arith.addi %add3A_1033, %xor3A_1041 : vector<16xi32>
      %shift_left3A_1043 = arith.constant 6 : i32
      %shift_left3A_1044 = vector.broadcast %shift_left3A_1043 : i32 to vector<16xi32>
      %shift_left3A_1045 = arith.shli %xor3A_1041, %shift_left3A_1044 : vector<16xi32>
      %shift_right_logical3A_1046 = arith.constant 26 : i32
      %shift_right_logical3A_1047 = vector.broadcast %shift_right_logical3A_1046 : i32 to vector<16xi32>
      %shift_right_logical3A_1048 = arith.shrui %xor3A_1041, %shift_right_logical3A_1047 : vector<16xi32>
      %or3A_1049 = arith.ori %shift_left3A_1045, %shift_right_logical3A_1048 : vector<16xi32>
      %xor3A_1050 = arith.xori %add3A_1042, %or3A_1049 : vector<16xi32>
      %add3A_1051 = arith.constant 0 : i32
      %add3A_1052 = vector.broadcast %add3A_1051 : i32 to vector<16xi32>
      %add3A_1053 = arith.addi %add3A_1042, %add3A_1052 : vector<16xi32>
      %add3A_1054 = arith.constant 2 : i32
      %add3A_1055 = vector.broadcast %add3A_1054 : i32 to vector<16xi32>
      %add3A_1056 = arith.addi %xor3A_1050, %add3A_1055 : vector<16xi32>
      %add3A_1057 = arith.constant 3 : i32
      %add3A_1058 = vector.broadcast %add3A_1057 : i32 to vector<16xi32>
      %add3A_1059 = arith.addi %add3A_1056, %add3A_1058 : vector<16xi32>
      %add3A_1060 = arith.addi %add3A_1053, %add3A_1059 : vector<16xi32>
      %shift_left3A_1061 = arith.constant 17 : i32
      %shift_left3A_1062 = vector.broadcast %shift_left3A_1061 : i32 to vector<16xi32>
      %shift_left3A_1063 = arith.shli %add3A_1059, %shift_left3A_1062 : vector<16xi32>
      %shift_right_logical3A_1064 = arith.constant 15 : i32
      %shift_right_logical3A_1065 = vector.broadcast %shift_right_logical3A_1064 : i32 to vector<16xi32>
      %shift_right_logical3A_1066 = arith.shrui %add3A_1059, %shift_right_logical3A_1065 : vector<16xi32>
      %or3A_1067 = arith.ori %shift_left3A_1063, %shift_right_logical3A_1066 : vector<16xi32>
      %xor3A_1068 = arith.xori %add3A_1060, %or3A_1067 : vector<16xi32>
      %add3A_1069 = arith.addi %add3A_1060, %xor3A_1068 : vector<16xi32>
      %shift_left3A_1070 = arith.constant 29 : i32
      %shift_left3A_1071 = vector.broadcast %shift_left3A_1070 : i32 to vector<16xi32>
      %shift_left3A_1072 = arith.shli %xor3A_1068, %shift_left3A_1071 : vector<16xi32>
      %shift_right_logical3A_1073 = arith.constant 3 : i32
      %shift_right_logical3A_1074 = vector.broadcast %shift_right_logical3A_1073 : i32 to vector<16xi32>
      %shift_right_logical3A_1075 = arith.shrui %xor3A_1068, %shift_right_logical3A_1074 : vector<16xi32>
      %or3A_1076 = arith.ori %shift_left3A_1072, %shift_right_logical3A_1075 : vector<16xi32>
      %xor3A_1077 = arith.xori %add3A_1069, %or3A_1076 : vector<16xi32>
      %add3A_1078 = arith.addi %add3A_1069, %xor3A_1077 : vector<16xi32>
      %shift_left3A_1079 = arith.constant 16 : i32
      %shift_left3A_1080 = vector.broadcast %shift_left3A_1079 : i32 to vector<16xi32>
      %shift_left3A_1081 = arith.shli %xor3A_1077, %shift_left3A_1080 : vector<16xi32>
      %shift_right_logical3A_1082 = arith.constant 16 : i32
      %shift_right_logical3A_1083 = vector.broadcast %shift_right_logical3A_1082 : i32 to vector<16xi32>
      %shift_right_logical3A_1084 = arith.shrui %xor3A_1077, %shift_right_logical3A_1083 : vector<16xi32>
      %or3A_1085 = arith.ori %shift_left3A_1081, %shift_right_logical3A_1084 : vector<16xi32>
      %xor3A_1086 = arith.xori %add3A_1078, %or3A_1085 : vector<16xi32>
      %add3A_1087 = arith.addi %add3A_1078, %xor3A_1086 : vector<16xi32>
      %shift_left3A_1088 = arith.constant 24 : i32
      %shift_left3A_1089 = vector.broadcast %shift_left3A_1088 : i32 to vector<16xi32>
      %shift_left3A_1090 = arith.shli %xor3A_1086, %shift_left3A_1089 : vector<16xi32>
      %shift_right_logical3A_1091 = arith.constant 8 : i32
      %shift_right_logical3A_1092 = vector.broadcast %shift_right_logical3A_1091 : i32 to vector<16xi32>
      %shift_right_logical3A_1093 = arith.shrui %xor3A_1086, %shift_right_logical3A_1092 : vector<16xi32>
      %or3A_1094 = arith.ori %shift_left3A_1090, %shift_right_logical3A_1093 : vector<16xi32>
      %xor3A_1095 = arith.xori %add3A_1087, %or3A_1094 : vector<16xi32>
      %add3A_1096 = arith.constant 2 : i32
      %add3A_1097 = vector.broadcast %add3A_1096 : i32 to vector<16xi32>
      %add3A_1098 = arith.addi %add3A_1087, %add3A_1097 : vector<16xi32>
      %add3A_1099 = vector.broadcast %xor3A_918 : i32 to vector<16xi32>
      %add3A_1100 = arith.addi %xor3A_1095, %add3A_1099 : vector<16xi32>
      %add3A_1101 = arith.constant 4 : i32
      %add3A_1102 = vector.broadcast %add3A_1101 : i32 to vector<16xi32>
      %add3A_1103 = arith.addi %add3A_1100, %add3A_1102 : vector<16xi32>
      %add3A_1104 = arith.addi %add3A_1098, %add3A_1103 : vector<16xi32>
      %shift_left3A_1105 = arith.constant 13 : i32
      %shift_left3A_1106 = vector.broadcast %shift_left3A_1105 : i32 to vector<16xi32>
      %shift_left3A_1107 = arith.shli %add3A_1103, %shift_left3A_1106 : vector<16xi32>
      %shift_right_logical3A_1108 = arith.constant 19 : i32
      %shift_right_logical3A_1109 = vector.broadcast %shift_right_logical3A_1108 : i32 to vector<16xi32>
      %shift_right_logical3A_1110 = arith.shrui %add3A_1103, %shift_right_logical3A_1109 : vector<16xi32>
      %or3A_1111 = arith.ori %shift_left3A_1107, %shift_right_logical3A_1110 : vector<16xi32>
      %xor3A_1112 = arith.xori %add3A_1104, %or3A_1111 : vector<16xi32>
      %add3A_1113 = arith.addi %add3A_1104, %xor3A_1112 : vector<16xi32>
      %shift_left3A_1114 = arith.constant 15 : i32
      %shift_left3A_1115 = vector.broadcast %shift_left3A_1114 : i32 to vector<16xi32>
      %shift_left3A_1116 = arith.shli %xor3A_1112, %shift_left3A_1115 : vector<16xi32>
      %shift_right_logical3A_1117 = arith.constant 17 : i32
      %shift_right_logical3A_1118 = vector.broadcast %shift_right_logical3A_1117 : i32 to vector<16xi32>
      %shift_right_logical3A_1119 = arith.shrui %xor3A_1112, %shift_right_logical3A_1118 : vector<16xi32>
      %or3A_1120 = arith.ori %shift_left3A_1116, %shift_right_logical3A_1119 : vector<16xi32>
      %xor3A_1121 = arith.xori %add3A_1113, %or3A_1120 : vector<16xi32>
      %add3A_1122 = arith.addi %add3A_1113, %xor3A_1121 : vector<16xi32>
      %shift_left3A_1123 = arith.constant 26 : i32
      %shift_left3A_1124 = vector.broadcast %shift_left3A_1123 : i32 to vector<16xi32>
      %shift_left3A_1125 = arith.shli %xor3A_1121, %shift_left3A_1124 : vector<16xi32>
      %shift_right_logical3A_1126 = arith.constant 6 : i32
      %shift_right_logical3A_1127 = vector.broadcast %shift_right_logical3A_1126 : i32 to vector<16xi32>
      %shift_right_logical3A_1128 = arith.shrui %xor3A_1121, %shift_right_logical3A_1127 : vector<16xi32>
      %or3A_1129 = arith.ori %shift_left3A_1125, %shift_right_logical3A_1128 : vector<16xi32>
      %xor3A_1130 = arith.xori %add3A_1122, %or3A_1129 : vector<16xi32>
      %add3A_1131 = arith.addi %add3A_1122, %xor3A_1130 : vector<16xi32>
      %shift_left3A_1132 = arith.constant 6 : i32
      %shift_left3A_1133 = vector.broadcast %shift_left3A_1132 : i32 to vector<16xi32>
      %shift_left3A_1134 = arith.shli %xor3A_1130, %shift_left3A_1133 : vector<16xi32>
      %shift_right_logical3A_1135 = arith.constant 26 : i32
      %shift_right_logical3A_1136 = vector.broadcast %shift_right_logical3A_1135 : i32 to vector<16xi32>
      %shift_right_logical3A_1137 = arith.shrui %xor3A_1130, %shift_right_logical3A_1136 : vector<16xi32>
      %or3A_1138 = arith.ori %shift_left3A_1134, %shift_right_logical3A_1137 : vector<16xi32>
      %xor3A_1139 = arith.xori %add3A_1131, %or3A_1138 : vector<16xi32>
      %add3A_1140 = vector.broadcast %xor3A_918 : i32 to vector<16xi32>
      %add3A_1141 = arith.addi %add3A_1131, %add3A_1140 : vector<16xi32>
      %add3A_1142 = arith.constant 0 : i32
      %add3A_1143 = vector.broadcast %add3A_1142 : i32 to vector<16xi32>
      %add3A_1144 = arith.addi %xor3A_1139, %add3A_1143 : vector<16xi32>
      %add3A_1145 = arith.constant 5 : i32
      %add3A_1146 = vector.broadcast %add3A_1145 : i32 to vector<16xi32>
      %add3A_1147 = arith.addi %add3A_1144, %add3A_1146 : vector<16xi32>
      %xor3A_1148 = arith.xori %add3A_1141, %add3A_1147 : vector<16xi32>
      %shift_right_logical3A_1149 = arith.constant 9 : i32
      %shift_right_logical3A_1150 = vector.broadcast %shift_right_logical3A_1149 : i32 to vector<16xi32>
      %shift_right_logical3A_1151 = arith.shrui %xor3A_1148, %shift_right_logical3A_1150 : vector<16xi32>
      %or3A_1152 = arith.constant 1065353216 : i32
      %or3A_1153 = vector.broadcast %or3A_1152 : i32 to vector<16xi32>
      %or3A_1154 = arith.ori %shift_right_logical3A_1151, %or3A_1153 : vector<16xi32>
      %bitcast_convert_type3A_1155 = tpu.bitcast %or3A_1154 : vector<16xi32> -> vector<16xf32>
      %sub3A_1156 = arith.constant 1.000000e+00 : f32
      %sub3A_1157 = vector.broadcast %sub3A_1156 : f32 to vector<16xf32>
      %sub3A_1158 = arith.subf %bitcast_convert_type3A_1155, %sub3A_1157 : vector<16xf32>
      %lt3A_1159 = arith.constant 5.000000e-01 : f32
      %lt3A_1160 = vector.broadcast %lt3A_1159 : f32 to vector<16xf32>
      %lt3A_1161 = arith.cmpf olt, %sub3A_1158, %lt3A_1160 : vector<16xf32>
      %select_n3A_1162 = arith.select %lt3A_1161, %get3A_910, %get3A_905 : vector<16xi1>, vector<16xf32>
      %broadcast_in_dim3A_1163 = arith.constant 0.000000e+00 : f32
      %broadcast_in_dim3A_1164 = vector.broadcast %broadcast_in_dim3A_1163 : f32 to vector<16xf32>
      %select_n3A_1165 = arith.select %lt3A_1161, %get3A_900, %broadcast_in_dim3A_1164 : vector<16xi1>, vector<16xf32>
      %swap3A_1166 = arith.constant 3 : i32
      %swap3A_1167 = arith.index_cast %swap3A_1166 : i32 to index
      %swap3A_1168 = arith.index_cast %mul3A_48 : i32 to index
      %swap3A_1169 = tpu.vector_load %arg10[%swap3A_1167, %swap3A_1168] {strides = array<i32>} : memref<4x128xf32, #tpu.memory_space<vmem>>, vector<1x16xf32>,
      %swap3A_1170 = vector.shape_cast %swap3A_1169 : vector<1x16xf32> to vector<16xf32>
      %swap3A_1171 = vector.shape_cast %select_n3A_1162 : vector<16xf32> to vector<1x16xf32>
      tpu.vector_store %arg10[%swap3A_1167, %swap3A_1168], %swap3A_1171 {strides = array<i32>} : memref<4x128xf32, #tpu.memory_space<vmem>>, vector<1x16xf32>,
      %swap3A_1172 = arith.constant 3 : i32
      %swap3A_1173 = arith.index_cast %swap3A_1172 : i32 to index
      %swap3A_1174 = arith.index_cast %mul3A_48 : i32 to index
      %swap3A_1175 = tpu.vector_load %arg11[%swap3A_1173, %swap3A_1174] {strides = array<i32>} : memref<4x128xf32, #tpu.memory_space<vmem>>, vector<1x16xf32>,
      %swap3A_1176 = vector.shape_cast %swap3A_1175 : vector<1x16xf32> to vector<16xf32>
      %swap3A_1177 = vector.shape_cast %select_n3A_1165 : vector<16xf32> to vector<1x16xf32>
      tpu.vector_store %arg11[%swap3A_1173, %swap3A_1174], %swap3A_1177 {strides = array<i32>} : memref<4x128xf32, #tpu.memory_space<vmem>>, vector<1x16xf32>,
    }
    %scan3A_29 = arith.constant 8 : i32
    %dma_start3A_30 = arith.constant 0 : i32
    %dma_start3A_31 = tpu.memref_slice %arg5[%dma_start3A_30, %mul3A_2] : memref<4x4096xf32, #tpu.memory_space<hbm>> -> memref<4x128xf32, #tpu.memory_space<hbm>>
    %dma_start3A_32 = arith.constant 0 : i32
    %dma_start3A_33 = tpu.memref_slice %arg5[%dma_start3A_32, %mul3A_2] : memref<4x4096xf32, #tpu.memory_space<hbm>> -> memref<4x128xf32, #tpu.memory_space<hbm>>
    tpu.enqueue_dma source(%arg10 : memref<4x128xf32, #tpu.memory_space<vmem>>) target(%dma_start3A_33 : memref<4x128xf32, #tpu.memory_space<hbm>>) target_semaphore(%arg12 : memref<!tpu.dma_semaphore, #tpu.memory_space<semaphore_mem>>)
    %dma_start3A_34 = arith.constant 0 : i32
    %dma_start3A_35 = tpu.memref_slice %arg6[%dma_start3A_34, %mul3A_2] : memref<4x4096xf32, #tpu.memory_space<hbm>> -> memref<4x128xf32, #tpu.memory_space<hbm>>
    %dma_start3A_36 = arith.constant 0 : i32
    %dma_start3A_37 = tpu.memref_slice %arg6[%dma_start3A_36, %mul3A_2] : memref<4x4096xf32, #tpu.memory_space<hbm>> -> memref<4x128xf32, #tpu.memory_space<hbm>>
    tpu.enqueue_dma source(%arg11 : memref<4x128xf32, #tpu.memory_space<vmem>>) target(%dma_start3A_37 : memref<4x128xf32, #tpu.memory_space<hbm>>) target_semaphore(%arg12 : memref<!tpu.dma_semaphore, #tpu.memory_space<semaphore_mem>>)
    %dma_wait3A_38 = arith.constant 0 : i32
    %dma_wait3A_39 = tpu.memref_slice %arg5[%dma_wait3A_38, %mul3A_2] : memref<4x4096xf32, #tpu.memory_space<hbm>> -> memref<4x128xf32, #tpu.memory_space<hbm>>
    %dma_wait3A_40 = arith.constant 0 : i32
    %dma_wait3A_41 = tpu.memref_slice %arg5[%dma_wait3A_40, %mul3A_2] : memref<4x4096xf32, #tpu.memory_space<hbm>> -> memref<4x128xf32, #tpu.memory_space<hbm>>
    tpu.wait_dma2 semaphore(%arg12 : memref<!tpu.dma_semaphore, #tpu.memory_space<semaphore_mem>>) src(%arg10 : memref<4x128xf32, #tpu.memory_space<vmem>>) dst(%dma_wait3A_41 : memref<4x128xf32, #tpu.memory_space<hbm>>)
    %dma_wait3A_42 = arith.constant 0 : i32
    %dma_wait3A_43 = tpu.memref_slice %arg6[%dma_wait3A_42, %mul3A_2] : memref<4x4096xf32, #tpu.memory_space<hbm>> -> memref<4x128xf32, #tpu.memory_space<hbm>>
    %dma_wait3A_44 = arith.constant 0 : i32
    %dma_wait3A_45 = tpu.memref_slice %arg6[%dma_wait3A_44, %mul3A_2] : memref<4x4096xf32, #tpu.memory_space<hbm>> -> memref<4x128xf32, #tpu.memory_space<hbm>>
    tpu.wait_dma2 semaphore(%arg12 : memref<!tpu.dma_semaphore, #tpu.memory_space<semaphore_mem>>) src(%arg11 : memref<4x128xf32, #tpu.memory_space<vmem>>) dst(%dma_wait3A_45 : memref<4x128xf32, #tpu.memory_space<hbm>>)
    return
  }
}

module attributes {stable_mosaic.version = 14 : i64} {
  func.func @_tc_policy_body(%arg0: memref<4x4096xf32, #tpu.memory_space<vmem>>, %arg1: memref<4x4096xf32, #tpu.memory_space<vmem>>) attributes {dimension_semantics = [], scalar_prefetch = 0 : i64, scratch_operands = 0 : i64, tpu.core_type = #tpu.core_type<tc>} {
    %iota3A = tpu.iota {dimensions = array<i32: 0>} : vector<4x4096xi32>
    %iota3A_0 = tpu.iota {dimensions = array<i32: 1>} : vector<4x4096xi32>
    %mul3A = arith.constant 4096 : i32
    %mul3A_1 = vector.broadcast %mul3A : i32 to vector<4x4096xi32>
    %mul3A_2 = arith.muli %iota3A, %mul3A_1 : vector<4x4096xi32>
    %add3A = arith.addi %mul3A_2, %iota3A_0 : vector<4x4096xi32>
    %mul3A_3 = arith.constant 2 : i32
    %mul3A_4 = vector.broadcast %mul3A_3 : i32 to vector<4x4096xi32>
    %mul3A_5 = arith.muli %add3A, %mul3A_4 : vector<4x4096xi32>
    %bitcast_convert_type3A = tpu.bitcast %mul3A_5 : vector<4x4096xi32> -> vector<4x4096xi32>
    %xor3A = arith.constant 0 : i32
    %xor3A_6 = arith.constant 1 : i32
    %xor3A_7 = arith.xori %xor3A, %xor3A_6 : i32
    %xor3A_8 = arith.constant 466688986 : i32
    %xor3A_9 = arith.xori %xor3A_7, %xor3A_8 : i32
    %broadcast_in_dim3A = arith.constant 0 : i32
    %broadcast_in_dim3A_10 = vector.broadcast %broadcast_in_dim3A : i32 to vector<4x4096xi32>
    %add3A_11 = arith.constant 0 : i32
    %add3A_12 = vector.broadcast %add3A_11 : i32 to vector<4x4096xi32>
    %add3A_13 = arith.addi %broadcast_in_dim3A_10, %add3A_12 : vector<4x4096xi32>
    %add3A_14 = arith.constant 1 : i32
    %add3A_15 = vector.broadcast %add3A_14 : i32 to vector<4x4096xi32>
    %add3A_16 = arith.addi %bitcast_convert_type3A, %add3A_15 : vector<4x4096xi32>
    %add3A_17 = arith.addi %add3A_13, %add3A_16 : vector<4x4096xi32>
    %shift_left3A = arith.constant 13 : i32
    %shift_left3A_18 = vector.broadcast %shift_left3A : i32 to vector<4x4096xi32>
    %shift_left3A_19 = arith.shli %add3A_16, %shift_left3A_18 : vector<4x4096xi32>
    %shift_right_logical3A = arith.constant 19 : i32
    %shift_right_logical3A_20 = vector.broadcast %shift_right_logical3A : i32 to vector<4x4096xi32>
    %shift_right_logical3A_21 = arith.shrui %add3A_16, %shift_right_logical3A_20 : vector<4x4096xi32>
    %or3A = arith.ori %shift_left3A_19, %shift_right_logical3A_21 : vector<4x4096xi32>
    %xor3A_22 = arith.xori %add3A_17, %or3A : vector<4x4096xi32>
    %add3A_23 = arith.addi %add3A_17, %xor3A_22 : vector<4x4096xi32>
    %shift_left3A_24 = arith.constant 15 : i32
    %shift_left3A_25 = vector.broadcast %shift_left3A_24 : i32 to vector<4x4096xi32>
    %shift_left3A_26 = arith.shli %xor3A_22, %shift_left3A_25 : vector<4x4096xi32>
    %shift_right_logical3A_27 = arith.constant 17 : i32
    %shift_right_logical3A_28 = vector.broadcast %shift_right_logical3A_27 : i32 to vector<4x4096xi32>
    %shift_right_logical3A_29 = arith.shrui %xor3A_22, %shift_right_logical3A_28 : vector<4x4096xi32>
    %or3A_30 = arith.ori %shift_left3A_26, %shift_right_logical3A_29 : vector<4x4096xi32>
    %xor3A_31 = arith.xori %add3A_23, %or3A_30 : vector<4x4096xi32>
    %add3A_32 = arith.addi %add3A_23, %xor3A_31 : vector<4x4096xi32>
    %shift_left3A_33 = arith.constant 26 : i32
    %shift_left3A_34 = vector.broadcast %shift_left3A_33 : i32 to vector<4x4096xi32>
    %shift_left3A_35 = arith.shli %xor3A_31, %shift_left3A_34 : vector<4x4096xi32>
    %shift_right_logical3A_36 = arith.constant 6 : i32
    %shift_right_logical3A_37 = vector.broadcast %shift_right_logical3A_36 : i32 to vector<4x4096xi32>
    %shift_right_logical3A_38 = arith.shrui %xor3A_31, %shift_right_logical3A_37 : vector<4x4096xi32>
    %or3A_39 = arith.ori %shift_left3A_35, %shift_right_logical3A_38 : vector<4x4096xi32>
    %xor3A_40 = arith.xori %add3A_32, %or3A_39 : vector<4x4096xi32>
    %add3A_41 = arith.addi %add3A_32, %xor3A_40 : vector<4x4096xi32>
    %shift_left3A_42 = arith.constant 6 : i32
    %shift_left3A_43 = vector.broadcast %shift_left3A_42 : i32 to vector<4x4096xi32>
    %shift_left3A_44 = arith.shli %xor3A_40, %shift_left3A_43 : vector<4x4096xi32>
    %shift_right_logical3A_45 = arith.constant 26 : i32
    %shift_right_logical3A_46 = vector.broadcast %shift_right_logical3A_45 : i32 to vector<4x4096xi32>
    %shift_right_logical3A_47 = arith.shrui %xor3A_40, %shift_right_logical3A_46 : vector<4x4096xi32>
    %or3A_48 = arith.ori %shift_left3A_44, %shift_right_logical3A_47 : vector<4x4096xi32>
    %xor3A_49 = arith.xori %add3A_41, %or3A_48 : vector<4x4096xi32>
    %add3A_50 = arith.constant 1 : i32
    %add3A_51 = vector.broadcast %add3A_50 : i32 to vector<4x4096xi32>
    %add3A_52 = arith.addi %add3A_41, %add3A_51 : vector<4x4096xi32>
    %add3A_53 = vector.broadcast %xor3A_9 : i32 to vector<4x4096xi32>
    %add3A_54 = arith.addi %xor3A_49, %add3A_53 : vector<4x4096xi32>
    %add3A_55 = arith.constant 1 : i32
    %add3A_56 = vector.broadcast %add3A_55 : i32 to vector<4x4096xi32>
    %add3A_57 = arith.addi %add3A_54, %add3A_56 : vector<4x4096xi32>
    %add3A_58 = arith.addi %add3A_52, %add3A_57 : vector<4x4096xi32>
    %shift_left3A_59 = arith.constant 17 : i32
    %shift_left3A_60 = vector.broadcast %shift_left3A_59 : i32 to vector<4x4096xi32>
    %shift_left3A_61 = arith.shli %add3A_57, %shift_left3A_60 : vector<4x4096xi32>
    %shift_right_logical3A_62 = arith.constant 15 : i32
    %shift_right_logical3A_63 = vector.broadcast %shift_right_logical3A_62 : i32 to vector<4x4096xi32>
    %shift_right_logical3A_64 = arith.shrui %add3A_57, %shift_right_logical3A_63 : vector<4x4096xi32>
    %or3A_65 = arith.ori %shift_left3A_61, %shift_right_logical3A_64 : vector<4x4096xi32>
    %xor3A_66 = arith.xori %add3A_58, %or3A_65 : vector<4x4096xi32>
    %add3A_67 = arith.addi %add3A_58, %xor3A_66 : vector<4x4096xi32>
    %shift_left3A_68 = arith.constant 29 : i32
    %shift_left3A_69 = vector.broadcast %shift_left3A_68 : i32 to vector<4x4096xi32>
    %shift_left3A_70 = arith.shli %xor3A_66, %shift_left3A_69 : vector<4x4096xi32>
    %shift_right_logical3A_71 = arith.constant 3 : i32
    %shift_right_logical3A_72 = vector.broadcast %shift_right_logical3A_71 : i32 to vector<4x4096xi32>
    %shift_right_logical3A_73 = arith.shrui %xor3A_66, %shift_right_logical3A_72 : vector<4x4096xi32>
    %or3A_74 = arith.ori %shift_left3A_70, %shift_right_logical3A_73 : vector<4x4096xi32>
    %xor3A_75 = arith.xori %add3A_67, %or3A_74 : vector<4x4096xi32>
    %add3A_76 = arith.addi %add3A_67, %xor3A_75 : vector<4x4096xi32>
    %shift_left3A_77 = arith.constant 16 : i32
    %shift_left3A_78 = vector.broadcast %shift_left3A_77 : i32 to vector<4x4096xi32>
    %shift_left3A_79 = arith.shli %xor3A_75, %shift_left3A_78 : vector<4x4096xi32>
    %shift_right_logical3A_80 = arith.constant 16 : i32
    %shift_right_logical3A_81 = vector.broadcast %shift_right_logical3A_80 : i32 to vector<4x4096xi32>
    %shift_right_logical3A_82 = arith.shrui %xor3A_75, %shift_right_logical3A_81 : vector<4x4096xi32>
    %or3A_83 = arith.ori %shift_left3A_79, %shift_right_logical3A_82 : vector<4x4096xi32>
    %xor3A_84 = arith.xori %add3A_76, %or3A_83 : vector<4x4096xi32>
    %add3A_85 = arith.addi %add3A_76, %xor3A_84 : vector<4x4096xi32>
    %shift_left3A_86 = arith.constant 24 : i32
    %shift_left3A_87 = vector.broadcast %shift_left3A_86 : i32 to vector<4x4096xi32>
    %shift_left3A_88 = arith.shli %xor3A_84, %shift_left3A_87 : vector<4x4096xi32>
    %shift_right_logical3A_89 = arith.constant 8 : i32
    %shift_right_logical3A_90 = vector.broadcast %shift_right_logical3A_89 : i32 to vector<4x4096xi32>
    %shift_right_logical3A_91 = arith.shrui %xor3A_84, %shift_right_logical3A_90 : vector<4x4096xi32>
    %or3A_92 = arith.ori %shift_left3A_88, %shift_right_logical3A_91 : vector<4x4096xi32>
    %xor3A_93 = arith.xori %add3A_85, %or3A_92 : vector<4x4096xi32>
    %add3A_94 = vector.broadcast %xor3A_9 : i32 to vector<4x4096xi32>
    %add3A_95 = arith.addi %add3A_85, %add3A_94 : vector<4x4096xi32>
    %add3A_96 = arith.constant 0 : i32
    %add3A_97 = vector.broadcast %add3A_96 : i32 to vector<4x4096xi32>
    %add3A_98 = arith.addi %xor3A_93, %add3A_97 : vector<4x4096xi32>
    %add3A_99 = arith.constant 2 : i32
    %add3A_100 = vector.broadcast %add3A_99 : i32 to vector<4x4096xi32>
    %add3A_101 = arith.addi %add3A_98, %add3A_100 : vector<4x4096xi32>
    %add3A_102 = arith.addi %add3A_95, %add3A_101 : vector<4x4096xi32>
    %shift_left3A_103 = arith.constant 13 : i32
    %shift_left3A_104 = vector.broadcast %shift_left3A_103 : i32 to vector<4x4096xi32>
    %shift_left3A_105 = arith.shli %add3A_101, %shift_left3A_104 : vector<4x4096xi32>
    %shift_right_logical3A_106 = arith.constant 19 : i32
    %shift_right_logical3A_107 = vector.broadcast %shift_right_logical3A_106 : i32 to vector<4x4096xi32>
    %shift_right_logical3A_108 = arith.shrui %add3A_101, %shift_right_logical3A_107 : vector<4x4096xi32>
    %or3A_109 = arith.ori %shift_left3A_105, %shift_right_logical3A_108 : vector<4x4096xi32>
    %xor3A_110 = arith.xori %add3A_102, %or3A_109 : vector<4x4096xi32>
    %add3A_111 = arith.addi %add3A_102, %xor3A_110 : vector<4x4096xi32>
    %shift_left3A_112 = arith.constant 15 : i32
    %shift_left3A_113 = vector.broadcast %shift_left3A_112 : i32 to vector<4x4096xi32>
    %shift_left3A_114 = arith.shli %xor3A_110, %shift_left3A_113 : vector<4x4096xi32>
    %shift_right_logical3A_115 = arith.constant 17 : i32
    %shift_right_logical3A_116 = vector.broadcast %shift_right_logical3A_115 : i32 to vector<4x4096xi32>
    %shift_right_logical3A_117 = arith.shrui %xor3A_110, %shift_right_logical3A_116 : vector<4x4096xi32>
    %or3A_118 = arith.ori %shift_left3A_114, %shift_right_logical3A_117 : vector<4x4096xi32>
    %xor3A_119 = arith.xori %add3A_111, %or3A_118 : vector<4x4096xi32>
    %add3A_120 = arith.addi %add3A_111, %xor3A_119 : vector<4x4096xi32>
    %shift_left3A_121 = arith.constant 26 : i32
    %shift_left3A_122 = vector.broadcast %shift_left3A_121 : i32 to vector<4x4096xi32>
    %shift_left3A_123 = arith.shli %xor3A_119, %shift_left3A_122 : vector<4x4096xi32>
    %shift_right_logical3A_124 = arith.constant 6 : i32
    %shift_right_logical3A_125 = vector.broadcast %shift_right_logical3A_124 : i32 to vector<4x4096xi32>
    %shift_right_logical3A_126 = arith.shrui %xor3A_119, %shift_right_logical3A_125 : vector<4x4096xi32>
    %or3A_127 = arith.ori %shift_left3A_123, %shift_right_logical3A_126 : vector<4x4096xi32>
    %xor3A_128 = arith.xori %add3A_120, %or3A_127 : vector<4x4096xi32>
    %add3A_129 = arith.addi %add3A_120, %xor3A_128 : vector<4x4096xi32>
    %shift_left3A_130 = arith.constant 6 : i32
    %shift_left3A_131 = vector.broadcast %shift_left3A_130 : i32 to vector<4x4096xi32>
    %shift_left3A_132 = arith.shli %xor3A_128, %shift_left3A_131 : vector<4x4096xi32>
    %shift_right_logical3A_133 = arith.constant 26 : i32
    %shift_right_logical3A_134 = vector.broadcast %shift_right_logical3A_133 : i32 to vector<4x4096xi32>
    %shift_right_logical3A_135 = arith.shrui %xor3A_128, %shift_right_logical3A_134 : vector<4x4096xi32>
    %or3A_136 = arith.ori %shift_left3A_132, %shift_right_logical3A_135 : vector<4x4096xi32>
    %xor3A_137 = arith.xori %add3A_129, %or3A_136 : vector<4x4096xi32>
    %add3A_138 = arith.constant 0 : i32
    %add3A_139 = vector.broadcast %add3A_138 : i32 to vector<4x4096xi32>
    %add3A_140 = arith.addi %add3A_129, %add3A_139 : vector<4x4096xi32>
    %add3A_141 = arith.constant 1 : i32
    %add3A_142 = vector.broadcast %add3A_141 : i32 to vector<4x4096xi32>
    %add3A_143 = arith.addi %xor3A_137, %add3A_142 : vector<4x4096xi32>
    %add3A_144 = arith.constant 3 : i32
    %add3A_145 = vector.broadcast %add3A_144 : i32 to vector<4x4096xi32>
    %add3A_146 = arith.addi %add3A_143, %add3A_145 : vector<4x4096xi32>
    %add3A_147 = arith.addi %add3A_140, %add3A_146 : vector<4x4096xi32>
    %shift_left3A_148 = arith.constant 17 : i32
    %shift_left3A_149 = vector.broadcast %shift_left3A_148 : i32 to vector<4x4096xi32>
    %shift_left3A_150 = arith.shli %add3A_146, %shift_left3A_149 : vector<4x4096xi32>
    %shift_right_logical3A_151 = arith.constant 15 : i32
    %shift_right_logical3A_152 = vector.broadcast %shift_right_logical3A_151 : i32 to vector<4x4096xi32>
    %shift_right_logical3A_153 = arith.shrui %add3A_146, %shift_right_logical3A_152 : vector<4x4096xi32>
    %or3A_154 = arith.ori %shift_left3A_150, %shift_right_logical3A_153 : vector<4x4096xi32>
    %xor3A_155 = arith.xori %add3A_147, %or3A_154 : vector<4x4096xi32>
    %add3A_156 = arith.addi %add3A_147, %xor3A_155 : vector<4x4096xi32>
    %shift_left3A_157 = arith.constant 29 : i32
    %shift_left3A_158 = vector.broadcast %shift_left3A_157 : i32 to vector<4x4096xi32>
    %shift_left3A_159 = arith.shli %xor3A_155, %shift_left3A_158 : vector<4x4096xi32>
    %shift_right_logical3A_160 = arith.constant 3 : i32
    %shift_right_logical3A_161 = vector.broadcast %shift_right_logical3A_160 : i32 to vector<4x4096xi32>
    %shift_right_logical3A_162 = arith.shrui %xor3A_155, %shift_right_logical3A_161 : vector<4x4096xi32>
    %or3A_163 = arith.ori %shift_left3A_159, %shift_right_logical3A_162 : vector<4x4096xi32>
    %xor3A_164 = arith.xori %add3A_156, %or3A_163 : vector<4x4096xi32>
    %add3A_165 = arith.addi %add3A_156, %xor3A_164 : vector<4x4096xi32>
    %shift_left3A_166 = arith.constant 16 : i32
    %shift_left3A_167 = vector.broadcast %shift_left3A_166 : i32 to vector<4x4096xi32>
    %shift_left3A_168 = arith.shli %xor3A_164, %shift_left3A_167 : vector<4x4096xi32>
    %shift_right_logical3A_169 = arith.constant 16 : i32
    %shift_right_logical3A_170 = vector.broadcast %shift_right_logical3A_169 : i32 to vector<4x4096xi32>
    %shift_right_logical3A_171 = arith.shrui %xor3A_164, %shift_right_logical3A_170 : vector<4x4096xi32>
    %or3A_172 = arith.ori %shift_left3A_168, %shift_right_logical3A_171 : vector<4x4096xi32>
    %xor3A_173 = arith.xori %add3A_165, %or3A_172 : vector<4x4096xi32>
    %add3A_174 = arith.addi %add3A_165, %xor3A_173 : vector<4x4096xi32>
    %shift_left3A_175 = arith.constant 24 : i32
    %shift_left3A_176 = vector.broadcast %shift_left3A_175 : i32 to vector<4x4096xi32>
    %shift_left3A_177 = arith.shli %xor3A_173, %shift_left3A_176 : vector<4x4096xi32>
    %shift_right_logical3A_178 = arith.constant 8 : i32
    %shift_right_logical3A_179 = vector.broadcast %shift_right_logical3A_178 : i32 to vector<4x4096xi32>
    %shift_right_logical3A_180 = arith.shrui %xor3A_173, %shift_right_logical3A_179 : vector<4x4096xi32>
    %or3A_181 = arith.ori %shift_left3A_177, %shift_right_logical3A_180 : vector<4x4096xi32>
    %xor3A_182 = arith.xori %add3A_174, %or3A_181 : vector<4x4096xi32>
    %add3A_183 = arith.constant 1 : i32
    %add3A_184 = vector.broadcast %add3A_183 : i32 to vector<4x4096xi32>
    %add3A_185 = arith.addi %add3A_174, %add3A_184 : vector<4x4096xi32>
    %add3A_186 = vector.broadcast %xor3A_9 : i32 to vector<4x4096xi32>
    %add3A_187 = arith.addi %xor3A_182, %add3A_186 : vector<4x4096xi32>
    %add3A_188 = arith.constant 4 : i32
    %add3A_189 = vector.broadcast %add3A_188 : i32 to vector<4x4096xi32>
    %add3A_190 = arith.addi %add3A_187, %add3A_189 : vector<4x4096xi32>
    %add3A_191 = arith.addi %add3A_185, %add3A_190 : vector<4x4096xi32>
    %shift_left3A_192 = arith.constant 13 : i32
    %shift_left3A_193 = vector.broadcast %shift_left3A_192 : i32 to vector<4x4096xi32>
    %shift_left3A_194 = arith.shli %add3A_190, %shift_left3A_193 : vector<4x4096xi32>
    %shift_right_logical3A_195 = arith.constant 19 : i32
    %shift_right_logical3A_196 = vector.broadcast %shift_right_logical3A_195 : i32 to vector<4x4096xi32>
    %shift_right_logical3A_197 = arith.shrui %add3A_190, %shift_right_logical3A_196 : vector<4x4096xi32>
    %or3A_198 = arith.ori %shift_left3A_194, %shift_right_logical3A_197 : vector<4x4096xi32>
    %xor3A_199 = arith.xori %add3A_191, %or3A_198 : vector<4x4096xi32>
    %add3A_200 = arith.addi %add3A_191, %xor3A_199 : vector<4x4096xi32>
    %shift_left3A_201 = arith.constant 15 : i32
    %shift_left3A_202 = vector.broadcast %shift_left3A_201 : i32 to vector<4x4096xi32>
    %shift_left3A_203 = arith.shli %xor3A_199, %shift_left3A_202 : vector<4x4096xi32>
    %shift_right_logical3A_204 = arith.constant 17 : i32
    %shift_right_logical3A_205 = vector.broadcast %shift_right_logical3A_204 : i32 to vector<4x4096xi32>
    %shift_right_logical3A_206 = arith.shrui %xor3A_199, %shift_right_logical3A_205 : vector<4x4096xi32>
    %or3A_207 = arith.ori %shift_left3A_203, %shift_right_logical3A_206 : vector<4x4096xi32>
    %xor3A_208 = arith.xori %add3A_200, %or3A_207 : vector<4x4096xi32>
    %add3A_209 = arith.addi %add3A_200, %xor3A_208 : vector<4x4096xi32>
    %shift_left3A_210 = arith.constant 26 : i32
    %shift_left3A_211 = vector.broadcast %shift_left3A_210 : i32 to vector<4x4096xi32>
    %shift_left3A_212 = arith.shli %xor3A_208, %shift_left3A_211 : vector<4x4096xi32>
    %shift_right_logical3A_213 = arith.constant 6 : i32
    %shift_right_logical3A_214 = vector.broadcast %shift_right_logical3A_213 : i32 to vector<4x4096xi32>
    %shift_right_logical3A_215 = arith.shrui %xor3A_208, %shift_right_logical3A_214 : vector<4x4096xi32>
    %or3A_216 = arith.ori %shift_left3A_212, %shift_right_logical3A_215 : vector<4x4096xi32>
    %xor3A_217 = arith.xori %add3A_209, %or3A_216 : vector<4x4096xi32>
    %add3A_218 = arith.addi %add3A_209, %xor3A_217 : vector<4x4096xi32>
    %shift_left3A_219 = arith.constant 6 : i32
    %shift_left3A_220 = vector.broadcast %shift_left3A_219 : i32 to vector<4x4096xi32>
    %shift_left3A_221 = arith.shli %xor3A_217, %shift_left3A_220 : vector<4x4096xi32>
    %shift_right_logical3A_222 = arith.constant 26 : i32
    %shift_right_logical3A_223 = vector.broadcast %shift_right_logical3A_222 : i32 to vector<4x4096xi32>
    %shift_right_logical3A_224 = arith.shrui %xor3A_217, %shift_right_logical3A_223 : vector<4x4096xi32>
    %or3A_225 = arith.ori %shift_left3A_221, %shift_right_logical3A_224 : vector<4x4096xi32>
    %xor3A_226 = arith.xori %add3A_218, %or3A_225 : vector<4x4096xi32>
    %add3A_227 = vector.broadcast %xor3A_9 : i32 to vector<4x4096xi32>
    %add3A_228 = arith.addi %add3A_218, %add3A_227 : vector<4x4096xi32>
    %add3A_229 = arith.constant 0 : i32
    %add3A_230 = vector.broadcast %add3A_229 : i32 to vector<4x4096xi32>
    %add3A_231 = arith.addi %xor3A_226, %add3A_230 : vector<4x4096xi32>
    %add3A_232 = arith.constant 5 : i32
    %add3A_233 = vector.broadcast %add3A_232 : i32 to vector<4x4096xi32>
    %add3A_234 = arith.addi %add3A_231, %add3A_233 : vector<4x4096xi32>
    %xor3A_235 = arith.xori %add3A_228, %add3A_234 : vector<4x4096xi32>
    %shift_right_logical3A_236 = arith.constant 9 : i32
    %shift_right_logical3A_237 = vector.broadcast %shift_right_logical3A_236 : i32 to vector<4x4096xi32>
    %shift_right_logical3A_238 = arith.shrui %xor3A_235, %shift_right_logical3A_237 : vector<4x4096xi32>
    %or3A_239 = arith.constant 1065353216 : i32
    %or3A_240 = vector.broadcast %or3A_239 : i32 to vector<4x4096xi32>
    %or3A_241 = arith.ori %shift_right_logical3A_238, %or3A_240 : vector<4x4096xi32>
    %bitcast_convert_type3A_242 = tpu.bitcast %or3A_241 : vector<4x4096xi32> -> vector<4x4096xf32>
    %sub3A = arith.constant 1.000000e+00 : f32
    %sub3A_243 = vector.broadcast %sub3A : f32 to vector<4x4096xf32>
    %sub3A_244 = arith.subf %bitcast_convert_type3A_242, %sub3A_243 : vector<4x4096xf32>
    %mul3A_245 = arith.constant 2 : i32
    %mul3A_246 = vector.broadcast %mul3A_245 : i32 to vector<4x4096xi32>
    %mul3A_247 = arith.muli %add3A, %mul3A_246 : vector<4x4096xi32>
    %add3A_248 = arith.constant 1 : i32
    %add3A_249 = vector.broadcast %add3A_248 : i32 to vector<4x4096xi32>
    %add3A_250 = arith.addi %mul3A_247, %add3A_249 : vector<4x4096xi32>
    %bitcast_convert_type3A_251 = tpu.bitcast %add3A_250 : vector<4x4096xi32> -> vector<4x4096xi32>
    %xor3A_252 = arith.constant 0 : i32
    %xor3A_253 = arith.constant 1 : i32
    %xor3A_254 = arith.xori %xor3A_252, %xor3A_253 : i32
    %xor3A_255 = arith.constant 466688986 : i32
    %xor3A_256 = arith.xori %xor3A_254, %xor3A_255 : i32
    %broadcast_in_dim3A_257 = arith.constant 0 : i32
    %broadcast_in_dim3A_258 = vector.broadcast %broadcast_in_dim3A_257 : i32 to vector<4x4096xi32>
    %add3A_259 = arith.constant 0 : i32
    %add3A_260 = vector.broadcast %add3A_259 : i32 to vector<4x4096xi32>
    %add3A_261 = arith.addi %broadcast_in_dim3A_258, %add3A_260 : vector<4x4096xi32>
    %add3A_262 = arith.constant 1 : i32
    %add3A_263 = vector.broadcast %add3A_262 : i32 to vector<4x4096xi32>
    %add3A_264 = arith.addi %bitcast_convert_type3A_251, %add3A_263 : vector<4x4096xi32>
    %add3A_265 = arith.addi %add3A_261, %add3A_264 : vector<4x4096xi32>
    %shift_left3A_266 = arith.constant 13 : i32
    %shift_left3A_267 = vector.broadcast %shift_left3A_266 : i32 to vector<4x4096xi32>
    %shift_left3A_268 = arith.shli %add3A_264, %shift_left3A_267 : vector<4x4096xi32>
    %shift_right_logical3A_269 = arith.constant 19 : i32
    %shift_right_logical3A_270 = vector.broadcast %shift_right_logical3A_269 : i32 to vector<4x4096xi32>
    %shift_right_logical3A_271 = arith.shrui %add3A_264, %shift_right_logical3A_270 : vector<4x4096xi32>
    %or3A_272 = arith.ori %shift_left3A_268, %shift_right_logical3A_271 : vector<4x4096xi32>
    %xor3A_273 = arith.xori %add3A_265, %or3A_272 : vector<4x4096xi32>
    %add3A_274 = arith.addi %add3A_265, %xor3A_273 : vector<4x4096xi32>
    %shift_left3A_275 = arith.constant 15 : i32
    %shift_left3A_276 = vector.broadcast %shift_left3A_275 : i32 to vector<4x4096xi32>
    %shift_left3A_277 = arith.shli %xor3A_273, %shift_left3A_276 : vector<4x4096xi32>
    %shift_right_logical3A_278 = arith.constant 17 : i32
    %shift_right_logical3A_279 = vector.broadcast %shift_right_logical3A_278 : i32 to vector<4x4096xi32>
    %shift_right_logical3A_280 = arith.shrui %xor3A_273, %shift_right_logical3A_279 : vector<4x4096xi32>
    %or3A_281 = arith.ori %shift_left3A_277, %shift_right_logical3A_280 : vector<4x4096xi32>
    %xor3A_282 = arith.xori %add3A_274, %or3A_281 : vector<4x4096xi32>
    %add3A_283 = arith.addi %add3A_274, %xor3A_282 : vector<4x4096xi32>
    %shift_left3A_284 = arith.constant 26 : i32
    %shift_left3A_285 = vector.broadcast %shift_left3A_284 : i32 to vector<4x4096xi32>
    %shift_left3A_286 = arith.shli %xor3A_282, %shift_left3A_285 : vector<4x4096xi32>
    %shift_right_logical3A_287 = arith.constant 6 : i32
    %shift_right_logical3A_288 = vector.broadcast %shift_right_logical3A_287 : i32 to vector<4x4096xi32>
    %shift_right_logical3A_289 = arith.shrui %xor3A_282, %shift_right_logical3A_288 : vector<4x4096xi32>
    %or3A_290 = arith.ori %shift_left3A_286, %shift_right_logical3A_289 : vector<4x4096xi32>
    %xor3A_291 = arith.xori %add3A_283, %or3A_290 : vector<4x4096xi32>
    %add3A_292 = arith.addi %add3A_283, %xor3A_291 : vector<4x4096xi32>
    %shift_left3A_293 = arith.constant 6 : i32
    %shift_left3A_294 = vector.broadcast %shift_left3A_293 : i32 to vector<4x4096xi32>
    %shift_left3A_295 = arith.shli %xor3A_291, %shift_left3A_294 : vector<4x4096xi32>
    %shift_right_logical3A_296 = arith.constant 26 : i32
    %shift_right_logical3A_297 = vector.broadcast %shift_right_logical3A_296 : i32 to vector<4x4096xi32>
    %shift_right_logical3A_298 = arith.shrui %xor3A_291, %shift_right_logical3A_297 : vector<4x4096xi32>
    %or3A_299 = arith.ori %shift_left3A_295, %shift_right_logical3A_298 : vector<4x4096xi32>
    %xor3A_300 = arith.xori %add3A_292, %or3A_299 : vector<4x4096xi32>
    %add3A_301 = arith.constant 1 : i32
    %add3A_302 = vector.broadcast %add3A_301 : i32 to vector<4x4096xi32>
    %add3A_303 = arith.addi %add3A_292, %add3A_302 : vector<4x4096xi32>
    %add3A_304 = vector.broadcast %xor3A_256 : i32 to vector<4x4096xi32>
    %add3A_305 = arith.addi %xor3A_300, %add3A_304 : vector<4x4096xi32>
    %add3A_306 = arith.constant 1 : i32
    %add3A_307 = vector.broadcast %add3A_306 : i32 to vector<4x4096xi32>
    %add3A_308 = arith.addi %add3A_305, %add3A_307 : vector<4x4096xi32>
    %add3A_309 = arith.addi %add3A_303, %add3A_308 : vector<4x4096xi32>
    %shift_left3A_310 = arith.constant 17 : i32
    %shift_left3A_311 = vector.broadcast %shift_left3A_310 : i32 to vector<4x4096xi32>
    %shift_left3A_312 = arith.shli %add3A_308, %shift_left3A_311 : vector<4x4096xi32>
    %shift_right_logical3A_313 = arith.constant 15 : i32
    %shift_right_logical3A_314 = vector.broadcast %shift_right_logical3A_313 : i32 to vector<4x4096xi32>
    %shift_right_logical3A_315 = arith.shrui %add3A_308, %shift_right_logical3A_314 : vector<4x4096xi32>
    %or3A_316 = arith.ori %shift_left3A_312, %shift_right_logical3A_315 : vector<4x4096xi32>
    %xor3A_317 = arith.xori %add3A_309, %or3A_316 : vector<4x4096xi32>
    %add3A_318 = arith.addi %add3A_309, %xor3A_317 : vector<4x4096xi32>
    %shift_left3A_319 = arith.constant 29 : i32
    %shift_left3A_320 = vector.broadcast %shift_left3A_319 : i32 to vector<4x4096xi32>
    %shift_left3A_321 = arith.shli %xor3A_317, %shift_left3A_320 : vector<4x4096xi32>
    %shift_right_logical3A_322 = arith.constant 3 : i32
    %shift_right_logical3A_323 = vector.broadcast %shift_right_logical3A_322 : i32 to vector<4x4096xi32>
    %shift_right_logical3A_324 = arith.shrui %xor3A_317, %shift_right_logical3A_323 : vector<4x4096xi32>
    %or3A_325 = arith.ori %shift_left3A_321, %shift_right_logical3A_324 : vector<4x4096xi32>
    %xor3A_326 = arith.xori %add3A_318, %or3A_325 : vector<4x4096xi32>
    %add3A_327 = arith.addi %add3A_318, %xor3A_326 : vector<4x4096xi32>
    %shift_left3A_328 = arith.constant 16 : i32
    %shift_left3A_329 = vector.broadcast %shift_left3A_328 : i32 to vector<4x4096xi32>
    %shift_left3A_330 = arith.shli %xor3A_326, %shift_left3A_329 : vector<4x4096xi32>
    %shift_right_logical3A_331 = arith.constant 16 : i32
    %shift_right_logical3A_332 = vector.broadcast %shift_right_logical3A_331 : i32 to vector<4x4096xi32>
    %shift_right_logical3A_333 = arith.shrui %xor3A_326, %shift_right_logical3A_332 : vector<4x4096xi32>
    %or3A_334 = arith.ori %shift_left3A_330, %shift_right_logical3A_333 : vector<4x4096xi32>
    %xor3A_335 = arith.xori %add3A_327, %or3A_334 : vector<4x4096xi32>
    %add3A_336 = arith.addi %add3A_327, %xor3A_335 : vector<4x4096xi32>
    %shift_left3A_337 = arith.constant 24 : i32
    %shift_left3A_338 = vector.broadcast %shift_left3A_337 : i32 to vector<4x4096xi32>
    %shift_left3A_339 = arith.shli %xor3A_335, %shift_left3A_338 : vector<4x4096xi32>
    %shift_right_logical3A_340 = arith.constant 8 : i32
    %shift_right_logical3A_341 = vector.broadcast %shift_right_logical3A_340 : i32 to vector<4x4096xi32>
    %shift_right_logical3A_342 = arith.shrui %xor3A_335, %shift_right_logical3A_341 : vector<4x4096xi32>
    %or3A_343 = arith.ori %shift_left3A_339, %shift_right_logical3A_342 : vector<4x4096xi32>
    %xor3A_344 = arith.xori %add3A_336, %or3A_343 : vector<4x4096xi32>
    %add3A_345 = vector.broadcast %xor3A_256 : i32 to vector<4x4096xi32>
    %add3A_346 = arith.addi %add3A_336, %add3A_345 : vector<4x4096xi32>
    %add3A_347 = arith.constant 0 : i32
    %add3A_348 = vector.broadcast %add3A_347 : i32 to vector<4x4096xi32>
    %add3A_349 = arith.addi %xor3A_344, %add3A_348 : vector<4x4096xi32>
    %add3A_350 = arith.constant 2 : i32
    %add3A_351 = vector.broadcast %add3A_350 : i32 to vector<4x4096xi32>
    %add3A_352 = arith.addi %add3A_349, %add3A_351 : vector<4x4096xi32>
    %add3A_353 = arith.addi %add3A_346, %add3A_352 : vector<4x4096xi32>
    %shift_left3A_354 = arith.constant 13 : i32
    %shift_left3A_355 = vector.broadcast %shift_left3A_354 : i32 to vector<4x4096xi32>
    %shift_left3A_356 = arith.shli %add3A_352, %shift_left3A_355 : vector<4x4096xi32>
    %shift_right_logical3A_357 = arith.constant 19 : i32
    %shift_right_logical3A_358 = vector.broadcast %shift_right_logical3A_357 : i32 to vector<4x4096xi32>
    %shift_right_logical3A_359 = arith.shrui %add3A_352, %shift_right_logical3A_358 : vector<4x4096xi32>
    %or3A_360 = arith.ori %shift_left3A_356, %shift_right_logical3A_359 : vector<4x4096xi32>
    %xor3A_361 = arith.xori %add3A_353, %or3A_360 : vector<4x4096xi32>
    %add3A_362 = arith.addi %add3A_353, %xor3A_361 : vector<4x4096xi32>
    %shift_left3A_363 = arith.constant 15 : i32
    %shift_left3A_364 = vector.broadcast %shift_left3A_363 : i32 to vector<4x4096xi32>
    %shift_left3A_365 = arith.shli %xor3A_361, %shift_left3A_364 : vector<4x4096xi32>
    %shift_right_logical3A_366 = arith.constant 17 : i32
    %shift_right_logical3A_367 = vector.broadcast %shift_right_logical3A_366 : i32 to vector<4x4096xi32>
    %shift_right_logical3A_368 = arith.shrui %xor3A_361, %shift_right_logical3A_367 : vector<4x4096xi32>
    %or3A_369 = arith.ori %shift_left3A_365, %shift_right_logical3A_368 : vector<4x4096xi32>
    %xor3A_370 = arith.xori %add3A_362, %or3A_369 : vector<4x4096xi32>
    %add3A_371 = arith.addi %add3A_362, %xor3A_370 : vector<4x4096xi32>
    %shift_left3A_372 = arith.constant 26 : i32
    %shift_left3A_373 = vector.broadcast %shift_left3A_372 : i32 to vector<4x4096xi32>
    %shift_left3A_374 = arith.shli %xor3A_370, %shift_left3A_373 : vector<4x4096xi32>
    %shift_right_logical3A_375 = arith.constant 6 : i32
    %shift_right_logical3A_376 = vector.broadcast %shift_right_logical3A_375 : i32 to vector<4x4096xi32>
    %shift_right_logical3A_377 = arith.shrui %xor3A_370, %shift_right_logical3A_376 : vector<4x4096xi32>
    %or3A_378 = arith.ori %shift_left3A_374, %shift_right_logical3A_377 : vector<4x4096xi32>
    %xor3A_379 = arith.xori %add3A_371, %or3A_378 : vector<4x4096xi32>
    %add3A_380 = arith.addi %add3A_371, %xor3A_379 : vector<4x4096xi32>
    %shift_left3A_381 = arith.constant 6 : i32
    %shift_left3A_382 = vector.broadcast %shift_left3A_381 : i32 to vector<4x4096xi32>
    %shift_left3A_383 = arith.shli %xor3A_379, %shift_left3A_382 : vector<4x4096xi32>
    %shift_right_logical3A_384 = arith.constant 26 : i32
    %shift_right_logical3A_385 = vector.broadcast %shift_right_logical3A_384 : i32 to vector<4x4096xi32>
    %shift_right_logical3A_386 = arith.shrui %xor3A_379, %shift_right_logical3A_385 : vector<4x4096xi32>
    %or3A_387 = arith.ori %shift_left3A_383, %shift_right_logical3A_386 : vector<4x4096xi32>
    %xor3A_388 = arith.xori %add3A_380, %or3A_387 : vector<4x4096xi32>
    %add3A_389 = arith.constant 0 : i32
    %add3A_390 = vector.broadcast %add3A_389 : i32 to vector<4x4096xi32>
    %add3A_391 = arith.addi %add3A_380, %add3A_390 : vector<4x4096xi32>
    %add3A_392 = arith.constant 1 : i32
    %add3A_393 = vector.broadcast %add3A_392 : i32 to vector<4x4096xi32>
    %add3A_394 = arith.addi %xor3A_388, %add3A_393 : vector<4x4096xi32>
    %add3A_395 = arith.constant 3 : i32
    %add3A_396 = vector.broadcast %add3A_395 : i32 to vector<4x4096xi32>
    %add3A_397 = arith.addi %add3A_394, %add3A_396 : vector<4x4096xi32>
    %add3A_398 = arith.addi %add3A_391, %add3A_397 : vector<4x4096xi32>
    %shift_left3A_399 = arith.constant 17 : i32
    %shift_left3A_400 = vector.broadcast %shift_left3A_399 : i32 to vector<4x4096xi32>
    %shift_left3A_401 = arith.shli %add3A_397, %shift_left3A_400 : vector<4x4096xi32>
    %shift_right_logical3A_402 = arith.constant 15 : i32
    %shift_right_logical3A_403 = vector.broadcast %shift_right_logical3A_402 : i32 to vector<4x4096xi32>
    %shift_right_logical3A_404 = arith.shrui %add3A_397, %shift_right_logical3A_403 : vector<4x4096xi32>
    %or3A_405 = arith.ori %shift_left3A_401, %shift_right_logical3A_404 : vector<4x4096xi32>
    %xor3A_406 = arith.xori %add3A_398, %or3A_405 : vector<4x4096xi32>
    %add3A_407 = arith.addi %add3A_398, %xor3A_406 : vector<4x4096xi32>
    %shift_left3A_408 = arith.constant 29 : i32
    %shift_left3A_409 = vector.broadcast %shift_left3A_408 : i32 to vector<4x4096xi32>
    %shift_left3A_410 = arith.shli %xor3A_406, %shift_left3A_409 : vector<4x4096xi32>
    %shift_right_logical3A_411 = arith.constant 3 : i32
    %shift_right_logical3A_412 = vector.broadcast %shift_right_logical3A_411 : i32 to vector<4x4096xi32>
    %shift_right_logical3A_413 = arith.shrui %xor3A_406, %shift_right_logical3A_412 : vector<4x4096xi32>
    %or3A_414 = arith.ori %shift_left3A_410, %shift_right_logical3A_413 : vector<4x4096xi32>
    %xor3A_415 = arith.xori %add3A_407, %or3A_414 : vector<4x4096xi32>
    %add3A_416 = arith.addi %add3A_407, %xor3A_415 : vector<4x4096xi32>
    %shift_left3A_417 = arith.constant 16 : i32
    %shift_left3A_418 = vector.broadcast %shift_left3A_417 : i32 to vector<4x4096xi32>
    %shift_left3A_419 = arith.shli %xor3A_415, %shift_left3A_418 : vector<4x4096xi32>
    %shift_right_logical3A_420 = arith.constant 16 : i32
    %shift_right_logical3A_421 = vector.broadcast %shift_right_logical3A_420 : i32 to vector<4x4096xi32>
    %shift_right_logical3A_422 = arith.shrui %xor3A_415, %shift_right_logical3A_421 : vector<4x4096xi32>
    %or3A_423 = arith.ori %shift_left3A_419, %shift_right_logical3A_422 : vector<4x4096xi32>
    %xor3A_424 = arith.xori %add3A_416, %or3A_423 : vector<4x4096xi32>
    %add3A_425 = arith.addi %add3A_416, %xor3A_424 : vector<4x4096xi32>
    %shift_left3A_426 = arith.constant 24 : i32
    %shift_left3A_427 = vector.broadcast %shift_left3A_426 : i32 to vector<4x4096xi32>
    %shift_left3A_428 = arith.shli %xor3A_424, %shift_left3A_427 : vector<4x4096xi32>
    %shift_right_logical3A_429 = arith.constant 8 : i32
    %shift_right_logical3A_430 = vector.broadcast %shift_right_logical3A_429 : i32 to vector<4x4096xi32>
    %shift_right_logical3A_431 = arith.shrui %xor3A_424, %shift_right_logical3A_430 : vector<4x4096xi32>
    %or3A_432 = arith.ori %shift_left3A_428, %shift_right_logical3A_431 : vector<4x4096xi32>
    %xor3A_433 = arith.xori %add3A_425, %or3A_432 : vector<4x4096xi32>
    %add3A_434 = arith.constant 1 : i32
    %add3A_435 = vector.broadcast %add3A_434 : i32 to vector<4x4096xi32>
    %add3A_436 = arith.addi %add3A_425, %add3A_435 : vector<4x4096xi32>
    %add3A_437 = vector.broadcast %xor3A_256 : i32 to vector<4x4096xi32>
    %add3A_438 = arith.addi %xor3A_433, %add3A_437 : vector<4x4096xi32>
    %add3A_439 = arith.constant 4 : i32
    %add3A_440 = vector.broadcast %add3A_439 : i32 to vector<4x4096xi32>
    %add3A_441 = arith.addi %add3A_438, %add3A_440 : vector<4x4096xi32>
    %add3A_442 = arith.addi %add3A_436, %add3A_441 : vector<4x4096xi32>
    %shift_left3A_443 = arith.constant 13 : i32
    %shift_left3A_444 = vector.broadcast %shift_left3A_443 : i32 to vector<4x4096xi32>
    %shift_left3A_445 = arith.shli %add3A_441, %shift_left3A_444 : vector<4x4096xi32>
    %shift_right_logical3A_446 = arith.constant 19 : i32
    %shift_right_logical3A_447 = vector.broadcast %shift_right_logical3A_446 : i32 to vector<4x4096xi32>
    %shift_right_logical3A_448 = arith.shrui %add3A_441, %shift_right_logical3A_447 : vector<4x4096xi32>
    %or3A_449 = arith.ori %shift_left3A_445, %shift_right_logical3A_448 : vector<4x4096xi32>
    %xor3A_450 = arith.xori %add3A_442, %or3A_449 : vector<4x4096xi32>
    %add3A_451 = arith.addi %add3A_442, %xor3A_450 : vector<4x4096xi32>
    %shift_left3A_452 = arith.constant 15 : i32
    %shift_left3A_453 = vector.broadcast %shift_left3A_452 : i32 to vector<4x4096xi32>
    %shift_left3A_454 = arith.shli %xor3A_450, %shift_left3A_453 : vector<4x4096xi32>
    %shift_right_logical3A_455 = arith.constant 17 : i32
    %shift_right_logical3A_456 = vector.broadcast %shift_right_logical3A_455 : i32 to vector<4x4096xi32>
    %shift_right_logical3A_457 = arith.shrui %xor3A_450, %shift_right_logical3A_456 : vector<4x4096xi32>
    %or3A_458 = arith.ori %shift_left3A_454, %shift_right_logical3A_457 : vector<4x4096xi32>
    %xor3A_459 = arith.xori %add3A_451, %or3A_458 : vector<4x4096xi32>
    %add3A_460 = arith.addi %add3A_451, %xor3A_459 : vector<4x4096xi32>
    %shift_left3A_461 = arith.constant 26 : i32
    %shift_left3A_462 = vector.broadcast %shift_left3A_461 : i32 to vector<4x4096xi32>
    %shift_left3A_463 = arith.shli %xor3A_459, %shift_left3A_462 : vector<4x4096xi32>
    %shift_right_logical3A_464 = arith.constant 6 : i32
    %shift_right_logical3A_465 = vector.broadcast %shift_right_logical3A_464 : i32 to vector<4x4096xi32>
    %shift_right_logical3A_466 = arith.shrui %xor3A_459, %shift_right_logical3A_465 : vector<4x4096xi32>
    %or3A_467 = arith.ori %shift_left3A_463, %shift_right_logical3A_466 : vector<4x4096xi32>
    %xor3A_468 = arith.xori %add3A_460, %or3A_467 : vector<4x4096xi32>
    %add3A_469 = arith.addi %add3A_460, %xor3A_468 : vector<4x4096xi32>
    %shift_left3A_470 = arith.constant 6 : i32
    %shift_left3A_471 = vector.broadcast %shift_left3A_470 : i32 to vector<4x4096xi32>
    %shift_left3A_472 = arith.shli %xor3A_468, %shift_left3A_471 : vector<4x4096xi32>
    %shift_right_logical3A_473 = arith.constant 26 : i32
    %shift_right_logical3A_474 = vector.broadcast %shift_right_logical3A_473 : i32 to vector<4x4096xi32>
    %shift_right_logical3A_475 = arith.shrui %xor3A_468, %shift_right_logical3A_474 : vector<4x4096xi32>
    %or3A_476 = arith.ori %shift_left3A_472, %shift_right_logical3A_475 : vector<4x4096xi32>
    %xor3A_477 = arith.xori %add3A_469, %or3A_476 : vector<4x4096xi32>
    %add3A_478 = vector.broadcast %xor3A_256 : i32 to vector<4x4096xi32>
    %add3A_479 = arith.addi %add3A_469, %add3A_478 : vector<4x4096xi32>
    %add3A_480 = arith.constant 0 : i32
    %add3A_481 = vector.broadcast %add3A_480 : i32 to vector<4x4096xi32>
    %add3A_482 = arith.addi %xor3A_477, %add3A_481 : vector<4x4096xi32>
    %add3A_483 = arith.constant 5 : i32
    %add3A_484 = vector.broadcast %add3A_483 : i32 to vector<4x4096xi32>
    %add3A_485 = arith.addi %add3A_482, %add3A_484 : vector<4x4096xi32>
    %xor3A_486 = arith.xori %add3A_479, %add3A_485 : vector<4x4096xi32>
    %shift_right_logical3A_487 = arith.constant 9 : i32
    %shift_right_logical3A_488 = vector.broadcast %shift_right_logical3A_487 : i32 to vector<4x4096xi32>
    %shift_right_logical3A_489 = arith.shrui %xor3A_486, %shift_right_logical3A_488 : vector<4x4096xi32>
    %or3A_490 = arith.constant 1065353216 : i32
    %or3A_491 = vector.broadcast %or3A_490 : i32 to vector<4x4096xi32>
    %or3A_492 = arith.ori %shift_right_logical3A_489, %or3A_491 : vector<4x4096xi32>
    %bitcast_convert_type3A_493 = tpu.bitcast %or3A_492 : vector<4x4096xi32> -> vector<4x4096xf32>
    %sub3A_494 = arith.constant 1.000000e+00 : f32
    %sub3A_495 = vector.broadcast %sub3A_494 : f32 to vector<4x4096xf32>
    %sub3A_496 = arith.subf %bitcast_convert_type3A_493, %sub3A_495 : vector<4x4096xf32>
    %max3A = arith.maximumf %sub3A_244, %sub3A_496 : vector<4x4096xf32>
    %sub3A_497 = arith.subf %sub3A_244, %max3A : vector<4x4096xf32>
    %exp3A = math.exp %sub3A_497 : vector<4x4096xf32>
    %sub3A_498 = arith.subf %sub3A_496, %max3A : vector<4x4096xf32>
    %exp3A_499 = math.exp %sub3A_498 : vector<4x4096xf32>
    %add3A_500 = arith.addf %exp3A, %exp3A_499 : vector<4x4096xf32>
    %div3A = arith.divf %exp3A, %add3A_500 : vector<4x4096xf32>
    %swap3A = arith.constant 0 : index
    %swap3A_501 = arith.constant 0 : index
    %swap3A_502 = vector.load %arg0[%swap3A, %swap3A_501] : memref<4x4096xf32, #tpu.memory_space<vmem>>, vector<4x4096xf32>
    tpu.vector_store %arg0[%swap3A, %swap3A_501], %div3A {strides = array<i32>} : memref<4x4096xf32, #tpu.memory_space<vmem>>, vector<4x4096xf32>,
    %div3A_503 = arith.divf %exp3A_499, %add3A_500 : vector<4x4096xf32>
    %swap3A_504 = arith.constant 0 : index
    %swap3A_505 = arith.constant 0 : index
    %swap3A_506 = vector.load %arg1[%swap3A_504, %swap3A_505] : memref<4x4096xf32, #tpu.memory_space<vmem>>, vector<4x4096xf32>
    tpu.vector_store %arg1[%swap3A_504, %swap3A_505], %div3A_503 {strides = array<i32>} : memref<4x4096xf32, #tpu.memory_space<vmem>>, vector<4x4096xf32>,
    return
  }
}

module attributes {stable_mosaic.version = 14 : i64} {
  func.func @_tc_logits_mask_body(%arg0: memref<4x4096xf32, #tpu.memory_space<vmem>>, %arg1: memref<4x4096xf32, #tpu.memory_space<vmem>>, %arg2: memref<4x4096xi32, #tpu.memory_space<vmem>>) attributes {dimension_semantics = [], scalar_prefetch = 0 : i64, scratch_operands = 0 : i64, tpu.core_type = #tpu.core_type<tc>} {
    %iota3A = tpu.iota {dimensions = array<i32: 0>} : vector<4x4096xi32>
    %iota3A_0 = tpu.iota {dimensions = array<i32: 1>} : vector<4x4096xi32>
    %mul3A = arith.constant 4096 : i32
    %mul3A_1 = vector.broadcast %mul3A : i32 to vector<4x4096xi32>
    %mul3A_2 = arith.muli %iota3A, %mul3A_1 : vector<4x4096xi32>
    %add3A = arith.addi %mul3A_2, %iota3A_0 : vector<4x4096xi32>
    %mul3A_3 = arith.constant 2 : i32
    %mul3A_4 = vector.broadcast %mul3A_3 : i32 to vector<4x4096xi32>
    %mul3A_5 = arith.muli %add3A, %mul3A_4 : vector<4x4096xi32>
    %bitcast_convert_type3A = tpu.bitcast %mul3A_5 : vector<4x4096xi32> -> vector<4x4096xi32>
    %xor3A = arith.constant 0 : i32
    %xor3A_6 = arith.constant 1 : i32
    %xor3A_7 = arith.xori %xor3A, %xor3A_6 : i32
    %xor3A_8 = arith.constant 466688986 : i32
    %xor3A_9 = arith.xori %xor3A_7, %xor3A_8 : i32
    %broadcast_in_dim3A = arith.constant 0 : i32
    %broadcast_in_dim3A_10 = vector.broadcast %broadcast_in_dim3A : i32 to vector<4x4096xi32>
    %add3A_11 = arith.constant 0 : i32
    %add3A_12 = vector.broadcast %add3A_11 : i32 to vector<4x4096xi32>
    %add3A_13 = arith.addi %broadcast_in_dim3A_10, %add3A_12 : vector<4x4096xi32>
    %add3A_14 = arith.constant 1 : i32
    %add3A_15 = vector.broadcast %add3A_14 : i32 to vector<4x4096xi32>
    %add3A_16 = arith.addi %bitcast_convert_type3A, %add3A_15 : vector<4x4096xi32>
    %add3A_17 = arith.addi %add3A_13, %add3A_16 : vector<4x4096xi32>
    %shift_left3A = arith.constant 13 : i32
    %shift_left3A_18 = vector.broadcast %shift_left3A : i32 to vector<4x4096xi32>
    %shift_left3A_19 = arith.shli %add3A_16, %shift_left3A_18 : vector<4x4096xi32>
    %shift_right_logical3A = arith.constant 19 : i32
    %shift_right_logical3A_20 = vector.broadcast %shift_right_logical3A : i32 to vector<4x4096xi32>
    %shift_right_logical3A_21 = arith.shrui %add3A_16, %shift_right_logical3A_20 : vector<4x4096xi32>
    %or3A = arith.ori %shift_left3A_19, %shift_right_logical3A_21 : vector<4x4096xi32>
    %xor3A_22 = arith.xori %add3A_17, %or3A : vector<4x4096xi32>
    %add3A_23 = arith.addi %add3A_17, %xor3A_22 : vector<4x4096xi32>
    %shift_left3A_24 = arith.constant 15 : i32
    %shift_left3A_25 = vector.broadcast %shift_left3A_24 : i32 to vector<4x4096xi32>
    %shift_left3A_26 = arith.shli %xor3A_22, %shift_left3A_25 : vector<4x4096xi32>
    %shift_right_logical3A_27 = arith.constant 17 : i32
    %shift_right_logical3A_28 = vector.broadcast %shift_right_logical3A_27 : i32 to vector<4x4096xi32>
    %shift_right_logical3A_29 = arith.shrui %xor3A_22, %shift_right_logical3A_28 : vector<4x4096xi32>
    %or3A_30 = arith.ori %shift_left3A_26, %shift_right_logical3A_29 : vector<4x4096xi32>
    %xor3A_31 = arith.xori %add3A_23, %or3A_30 : vector<4x4096xi32>
    %add3A_32 = arith.addi %add3A_23, %xor3A_31 : vector<4x4096xi32>
    %shift_left3A_33 = arith.constant 26 : i32
    %shift_left3A_34 = vector.broadcast %shift_left3A_33 : i32 to vector<4x4096xi32>
    %shift_left3A_35 = arith.shli %xor3A_31, %shift_left3A_34 : vector<4x4096xi32>
    %shift_right_logical3A_36 = arith.constant 6 : i32
    %shift_right_logical3A_37 = vector.broadcast %shift_right_logical3A_36 : i32 to vector<4x4096xi32>
    %shift_right_logical3A_38 = arith.shrui %xor3A_31, %shift_right_logical3A_37 : vector<4x4096xi32>
    %or3A_39 = arith.ori %shift_left3A_35, %shift_right_logical3A_38 : vector<4x4096xi32>
    %xor3A_40 = arith.xori %add3A_32, %or3A_39 : vector<4x4096xi32>
    %add3A_41 = arith.addi %add3A_32, %xor3A_40 : vector<4x4096xi32>
    %shift_left3A_42 = arith.constant 6 : i32
    %shift_left3A_43 = vector.broadcast %shift_left3A_42 : i32 to vector<4x4096xi32>
    %shift_left3A_44 = arith.shli %xor3A_40, %shift_left3A_43 : vector<4x4096xi32>
    %shift_right_logical3A_45 = arith.constant 26 : i32
    %shift_right_logical3A_46 = vector.broadcast %shift_right_logical3A_45 : i32 to vector<4x4096xi32>
    %shift_right_logical3A_47 = arith.shrui %xor3A_40, %shift_right_logical3A_46 : vector<4x4096xi32>
    %or3A_48 = arith.ori %shift_left3A_44, %shift_right_logical3A_47 : vector<4x4096xi32>
    %xor3A_49 = arith.xori %add3A_41, %or3A_48 : vector<4x4096xi32>
    %add3A_50 = arith.constant 1 : i32
    %add3A_51 = vector.broadcast %add3A_50 : i32 to vector<4x4096xi32>
    %add3A_52 = arith.addi %add3A_41, %add3A_51 : vector<4x4096xi32>
    %add3A_53 = vector.broadcast %xor3A_9 : i32 to vector<4x4096xi32>
    %add3A_54 = arith.addi %xor3A_49, %add3A_53 : vector<4x4096xi32>
    %add3A_55 = arith.constant 1 : i32
    %add3A_56 = vector.broadcast %add3A_55 : i32 to vector<4x4096xi32>
    %add3A_57 = arith.addi %add3A_54, %add3A_56 : vector<4x4096xi32>
    %add3A_58 = arith.addi %add3A_52, %add3A_57 : vector<4x4096xi32>
    %shift_left3A_59 = arith.constant 17 : i32
    %shift_left3A_60 = vector.broadcast %shift_left3A_59 : i32 to vector<4x4096xi32>
    %shift_left3A_61 = arith.shli %add3A_57, %shift_left3A_60 : vector<4x4096xi32>
    %shift_right_logical3A_62 = arith.constant 15 : i32
    %shift_right_logical3A_63 = vector.broadcast %shift_right_logical3A_62 : i32 to vector<4x4096xi32>
    %shift_right_logical3A_64 = arith.shrui %add3A_57, %shift_right_logical3A_63 : vector<4x4096xi32>
    %or3A_65 = arith.ori %shift_left3A_61, %shift_right_logical3A_64 : vector<4x4096xi32>
    %xor3A_66 = arith.xori %add3A_58, %or3A_65 : vector<4x4096xi32>
    %add3A_67 = arith.addi %add3A_58, %xor3A_66 : vector<4x4096xi32>
    %shift_left3A_68 = arith.constant 29 : i32
    %shift_left3A_69 = vector.broadcast %shift_left3A_68 : i32 to vector<4x4096xi32>
    %shift_left3A_70 = arith.shli %xor3A_66, %shift_left3A_69 : vector<4x4096xi32>
    %shift_right_logical3A_71 = arith.constant 3 : i32
    %shift_right_logical3A_72 = vector.broadcast %shift_right_logical3A_71 : i32 to vector<4x4096xi32>
    %shift_right_logical3A_73 = arith.shrui %xor3A_66, %shift_right_logical3A_72 : vector<4x4096xi32>
    %or3A_74 = arith.ori %shift_left3A_70, %shift_right_logical3A_73 : vector<4x4096xi32>
    %xor3A_75 = arith.xori %add3A_67, %or3A_74 : vector<4x4096xi32>
    %add3A_76 = arith.addi %add3A_67, %xor3A_75 : vector<4x4096xi32>
    %shift_left3A_77 = arith.constant 16 : i32
    %shift_left3A_78 = vector.broadcast %shift_left3A_77 : i32 to vector<4x4096xi32>
    %shift_left3A_79 = arith.shli %xor3A_75, %shift_left3A_78 : vector<4x4096xi32>
    %shift_right_logical3A_80 = arith.constant 16 : i32
    %shift_right_logical3A_81 = vector.broadcast %shift_right_logical3A_80 : i32 to vector<4x4096xi32>
    %shift_right_logical3A_82 = arith.shrui %xor3A_75, %shift_right_logical3A_81 : vector<4x4096xi32>
    %or3A_83 = arith.ori %shift_left3A_79, %shift_right_logical3A_82 : vector<4x4096xi32>
    %xor3A_84 = arith.xori %add3A_76, %or3A_83 : vector<4x4096xi32>
    %add3A_85 = arith.addi %add3A_76, %xor3A_84 : vector<4x4096xi32>
    %shift_left3A_86 = arith.constant 24 : i32
    %shift_left3A_87 = vector.broadcast %shift_left3A_86 : i32 to vector<4x4096xi32>
    %shift_left3A_88 = arith.shli %xor3A_84, %shift_left3A_87 : vector<4x4096xi32>
    %shift_right_logical3A_89 = arith.constant 8 : i32
    %shift_right_logical3A_90 = vector.broadcast %shift_right_logical3A_89 : i32 to vector<4x4096xi32>
    %shift_right_logical3A_91 = arith.shrui %xor3A_84, %shift_right_logical3A_90 : vector<4x4096xi32>
    %or3A_92 = arith.ori %shift_left3A_88, %shift_right_logical3A_91 : vector<4x4096xi32>
    %xor3A_93 = arith.xori %add3A_85, %or3A_92 : vector<4x4096xi32>
    %add3A_94 = vector.broadcast %xor3A_9 : i32 to vector<4x4096xi32>
    %add3A_95 = arith.addi %add3A_85, %add3A_94 : vector<4x4096xi32>
    %add3A_96 = arith.constant 0 : i32
    %add3A_97 = vector.broadcast %add3A_96 : i32 to vector<4x4096xi32>
    %add3A_98 = arith.addi %xor3A_93, %add3A_97 : vector<4x4096xi32>
    %add3A_99 = arith.constant 2 : i32
    %add3A_100 = vector.broadcast %add3A_99 : i32 to vector<4x4096xi32>
    %add3A_101 = arith.addi %add3A_98, %add3A_100 : vector<4x4096xi32>
    %add3A_102 = arith.addi %add3A_95, %add3A_101 : vector<4x4096xi32>
    %shift_left3A_103 = arith.constant 13 : i32
    %shift_left3A_104 = vector.broadcast %shift_left3A_103 : i32 to vector<4x4096xi32>
    %shift_left3A_105 = arith.shli %add3A_101, %shift_left3A_104 : vector<4x4096xi32>
    %shift_right_logical3A_106 = arith.constant 19 : i32
    %shift_right_logical3A_107 = vector.broadcast %shift_right_logical3A_106 : i32 to vector<4x4096xi32>
    %shift_right_logical3A_108 = arith.shrui %add3A_101, %shift_right_logical3A_107 : vector<4x4096xi32>
    %or3A_109 = arith.ori %shift_left3A_105, %shift_right_logical3A_108 : vector<4x4096xi32>
    %xor3A_110 = arith.xori %add3A_102, %or3A_109 : vector<4x4096xi32>
    %add3A_111 = arith.addi %add3A_102, %xor3A_110 : vector<4x4096xi32>
    %shift_left3A_112 = arith.constant 15 : i32
    %shift_left3A_113 = vector.broadcast %shift_left3A_112 : i32 to vector<4x4096xi32>
    %shift_left3A_114 = arith.shli %xor3A_110, %shift_left3A_113 : vector<4x4096xi32>
    %shift_right_logical3A_115 = arith.constant 17 : i32
    %shift_right_logical3A_116 = vector.broadcast %shift_right_logical3A_115 : i32 to vector<4x4096xi32>
    %shift_right_logical3A_117 = arith.shrui %xor3A_110, %shift_right_logical3A_116 : vector<4x4096xi32>
    %or3A_118 = arith.ori %shift_left3A_114, %shift_right_logical3A_117 : vector<4x4096xi32>
    %xor3A_119 = arith.xori %add3A_111, %or3A_118 : vector<4x4096xi32>
    %add3A_120 = arith.addi %add3A_111, %xor3A_119 : vector<4x4096xi32>
    %shift_left3A_121 = arith.constant 26 : i32
    %shift_left3A_122 = vector.broadcast %shift_left3A_121 : i32 to vector<4x4096xi32>
    %shift_left3A_123 = arith.shli %xor3A_119, %shift_left3A_122 : vector<4x4096xi32>
    %shift_right_logical3A_124 = arith.constant 6 : i32
    %shift_right_logical3A_125 = vector.broadcast %shift_right_logical3A_124 : i32 to vector<4x4096xi32>
    %shift_right_logical3A_126 = arith.shrui %xor3A_119, %shift_right_logical3A_125 : vector<4x4096xi32>
    %or3A_127 = arith.ori %shift_left3A_123, %shift_right_logical3A_126 : vector<4x4096xi32>
    %xor3A_128 = arith.xori %add3A_120, %or3A_127 : vector<4x4096xi32>
    %add3A_129 = arith.addi %add3A_120, %xor3A_128 : vector<4x4096xi32>
    %shift_left3A_130 = arith.constant 6 : i32
    %shift_left3A_131 = vector.broadcast %shift_left3A_130 : i32 to vector<4x4096xi32>
    %shift_left3A_132 = arith.shli %xor3A_128, %shift_left3A_131 : vector<4x4096xi32>
    %shift_right_logical3A_133 = arith.constant 26 : i32
    %shift_right_logical3A_134 = vector.broadcast %shift_right_logical3A_133 : i32 to vector<4x4096xi32>
    %shift_right_logical3A_135 = arith.shrui %xor3A_128, %shift_right_logical3A_134 : vector<4x4096xi32>
    %or3A_136 = arith.ori %shift_left3A_132, %shift_right_logical3A_135 : vector<4x4096xi32>
    %xor3A_137 = arith.xori %add3A_129, %or3A_136 : vector<4x4096xi32>
    %add3A_138 = arith.constant 0 : i32
    %add3A_139 = vector.broadcast %add3A_138 : i32 to vector<4x4096xi32>
    %add3A_140 = arith.addi %add3A_129, %add3A_139 : vector<4x4096xi32>
    %add3A_141 = arith.constant 1 : i32
    %add3A_142 = vector.broadcast %add3A_141 : i32 to vector<4x4096xi32>
    %add3A_143 = arith.addi %xor3A_137, %add3A_142 : vector<4x4096xi32>
    %add3A_144 = arith.constant 3 : i32
    %add3A_145 = vector.broadcast %add3A_144 : i32 to vector<4x4096xi32>
    %add3A_146 = arith.addi %add3A_143, %add3A_145 : vector<4x4096xi32>
    %add3A_147 = arith.addi %add3A_140, %add3A_146 : vector<4x4096xi32>
    %shift_left3A_148 = arith.constant 17 : i32
    %shift_left3A_149 = vector.broadcast %shift_left3A_148 : i32 to vector<4x4096xi32>
    %shift_left3A_150 = arith.shli %add3A_146, %shift_left3A_149 : vector<4x4096xi32>
    %shift_right_logical3A_151 = arith.constant 15 : i32
    %shift_right_logical3A_152 = vector.broadcast %shift_right_logical3A_151 : i32 to vector<4x4096xi32>
    %shift_right_logical3A_153 = arith.shrui %add3A_146, %shift_right_logical3A_152 : vector<4x4096xi32>
    %or3A_154 = arith.ori %shift_left3A_150, %shift_right_logical3A_153 : vector<4x4096xi32>
    %xor3A_155 = arith.xori %add3A_147, %or3A_154 : vector<4x4096xi32>
    %add3A_156 = arith.addi %add3A_147, %xor3A_155 : vector<4x4096xi32>
    %shift_left3A_157 = arith.constant 29 : i32
    %shift_left3A_158 = vector.broadcast %shift_left3A_157 : i32 to vector<4x4096xi32>
    %shift_left3A_159 = arith.shli %xor3A_155, %shift_left3A_158 : vector<4x4096xi32>
    %shift_right_logical3A_160 = arith.constant 3 : i32
    %shift_right_logical3A_161 = vector.broadcast %shift_right_logical3A_160 : i32 to vector<4x4096xi32>
    %shift_right_logical3A_162 = arith.shrui %xor3A_155, %shift_right_logical3A_161 : vector<4x4096xi32>
    %or3A_163 = arith.ori %shift_left3A_159, %shift_right_logical3A_162 : vector<4x4096xi32>
    %xor3A_164 = arith.xori %add3A_156, %or3A_163 : vector<4x4096xi32>
    %add3A_165 = arith.addi %add3A_156, %xor3A_164 : vector<4x4096xi32>
    %shift_left3A_166 = arith.constant 16 : i32
    %shift_left3A_167 = vector.broadcast %shift_left3A_166 : i32 to vector<4x4096xi32>
    %shift_left3A_168 = arith.shli %xor3A_164, %shift_left3A_167 : vector<4x4096xi32>
    %shift_right_logical3A_169 = arith.constant 16 : i32
    %shift_right_logical3A_170 = vector.broadcast %shift_right_logical3A_169 : i32 to vector<4x4096xi32>
    %shift_right_logical3A_171 = arith.shrui %xor3A_164, %shift_right_logical3A_170 : vector<4x4096xi32>
    %or3A_172 = arith.ori %shift_left3A_168, %shift_right_logical3A_171 : vector<4x4096xi32>
    %xor3A_173 = arith.xori %add3A_165, %or3A_172 : vector<4x4096xi32>
    %add3A_174 = arith.addi %add3A_165, %xor3A_173 : vector<4x4096xi32>
    %shift_left3A_175 = arith.constant 24 : i32
    %shift_left3A_176 = vector.broadcast %shift_left3A_175 : i32 to vector<4x4096xi32>
    %shift_left3A_177 = arith.shli %xor3A_173, %shift_left3A_176 : vector<4x4096xi32>
    %shift_right_logical3A_178 = arith.constant 8 : i32
    %shift_right_logical3A_179 = vector.broadcast %shift_right_logical3A_178 : i32 to vector<4x4096xi32>
    %shift_right_logical3A_180 = arith.shrui %xor3A_173, %shift_right_logical3A_179 : vector<4x4096xi32>
    %or3A_181 = arith.ori %shift_left3A_177, %shift_right_logical3A_180 : vector<4x4096xi32>
    %xor3A_182 = arith.xori %add3A_174, %or3A_181 : vector<4x4096xi32>
    %add3A_183 = arith.constant 1 : i32
    %add3A_184 = vector.broadcast %add3A_183 : i32 to vector<4x4096xi32>
    %add3A_185 = arith.addi %add3A_174, %add3A_184 : vector<4x4096xi32>
    %add3A_186 = vector.broadcast %xor3A_9 : i32 to vector<4x4096xi32>
    %add3A_187 = arith.addi %xor3A_182, %add3A_186 : vector<4x4096xi32>
    %add3A_188 = arith.constant 4 : i32
    %add3A_189 = vector.broadcast %add3A_188 : i32 to vector<4x4096xi32>
    %add3A_190 = arith.addi %add3A_187, %add3A_189 : vector<4x4096xi32>
    %add3A_191 = arith.addi %add3A_185, %add3A_190 : vector<4x4096xi32>
    %shift_left3A_192 = arith.constant 13 : i32
    %shift_left3A_193 = vector.broadcast %shift_left3A_192 : i32 to vector<4x4096xi32>
    %shift_left3A_194 = arith.shli %add3A_190, %shift_left3A_193 : vector<4x4096xi32>
    %shift_right_logical3A_195 = arith.constant 19 : i32
    %shift_right_logical3A_196 = vector.broadcast %shift_right_logical3A_195 : i32 to vector<4x4096xi32>
    %shift_right_logical3A_197 = arith.shrui %add3A_190, %shift_right_logical3A_196 : vector<4x4096xi32>
    %or3A_198 = arith.ori %shift_left3A_194, %shift_right_logical3A_197 : vector<4x4096xi32>
    %xor3A_199 = arith.xori %add3A_191, %or3A_198 : vector<4x4096xi32>
    %add3A_200 = arith.addi %add3A_191, %xor3A_199 : vector<4x4096xi32>
    %shift_left3A_201 = arith.constant 15 : i32
    %shift_left3A_202 = vector.broadcast %shift_left3A_201 : i32 to vector<4x4096xi32>
    %shift_left3A_203 = arith.shli %xor3A_199, %shift_left3A_202 : vector<4x4096xi32>
    %shift_right_logical3A_204 = arith.constant 17 : i32
    %shift_right_logical3A_205 = vector.broadcast %shift_right_logical3A_204 : i32 to vector<4x4096xi32>
    %shift_right_logical3A_206 = arith.shrui %xor3A_199, %shift_right_logical3A_205 : vector<4x4096xi32>
    %or3A_207 = arith.ori %shift_left3A_203, %shift_right_logical3A_206 : vector<4x4096xi32>
    %xor3A_208 = arith.xori %add3A_200, %or3A_207 : vector<4x4096xi32>
    %add3A_209 = arith.addi %add3A_200, %xor3A_208 : vector<4x4096xi32>
    %shift_left3A_210 = arith.constant 26 : i32
    %shift_left3A_211 = vector.broadcast %shift_left3A_210 : i32 to vector<4x4096xi32>
    %shift_left3A_212 = arith.shli %xor3A_208, %shift_left3A_211 : vector<4x4096xi32>
    %shift_right_logical3A_213 = arith.constant 6 : i32
    %shift_right_logical3A_214 = vector.broadcast %shift_right_logical3A_213 : i32 to vector<4x4096xi32>
    %shift_right_logical3A_215 = arith.shrui %xor3A_208, %shift_right_logical3A_214 : vector<4x4096xi32>
    %or3A_216 = arith.ori %shift_left3A_212, %shift_right_logical3A_215 : vector<4x4096xi32>
    %xor3A_217 = arith.xori %add3A_209, %or3A_216 : vector<4x4096xi32>
    %add3A_218 = arith.addi %add3A_209, %xor3A_217 : vector<4x4096xi32>
    %shift_left3A_219 = arith.constant 6 : i32
    %shift_left3A_220 = vector.broadcast %shift_left3A_219 : i32 to vector<4x4096xi32>
    %shift_left3A_221 = arith.shli %xor3A_217, %shift_left3A_220 : vector<4x4096xi32>
    %shift_right_logical3A_222 = arith.constant 26 : i32
    %shift_right_logical3A_223 = vector.broadcast %shift_right_logical3A_222 : i32 to vector<4x4096xi32>
    %shift_right_logical3A_224 = arith.shrui %xor3A_217, %shift_right_logical3A_223 : vector<4x4096xi32>
    %or3A_225 = arith.ori %shift_left3A_221, %shift_right_logical3A_224 : vector<4x4096xi32>
    %xor3A_226 = arith.xori %add3A_218, %or3A_225 : vector<4x4096xi32>
    %add3A_227 = vector.broadcast %xor3A_9 : i32 to vector<4x4096xi32>
    %add3A_228 = arith.addi %add3A_218, %add3A_227 : vector<4x4096xi32>
    %add3A_229 = arith.constant 0 : i32
    %add3A_230 = vector.broadcast %add3A_229 : i32 to vector<4x4096xi32>
    %add3A_231 = arith.addi %xor3A_226, %add3A_230 : vector<4x4096xi32>
    %add3A_232 = arith.constant 5 : i32
    %add3A_233 = vector.broadcast %add3A_232 : i32 to vector<4x4096xi32>
    %add3A_234 = arith.addi %add3A_231, %add3A_233 : vector<4x4096xi32>
    %xor3A_235 = arith.xori %add3A_228, %add3A_234 : vector<4x4096xi32>
    %shift_right_logical3A_236 = arith.constant 9 : i32
    %shift_right_logical3A_237 = vector.broadcast %shift_right_logical3A_236 : i32 to vector<4x4096xi32>
    %shift_right_logical3A_238 = arith.shrui %xor3A_235, %shift_right_logical3A_237 : vector<4x4096xi32>
    %or3A_239 = arith.constant 1065353216 : i32
    %or3A_240 = vector.broadcast %or3A_239 : i32 to vector<4x4096xi32>
    %or3A_241 = arith.ori %shift_right_logical3A_238, %or3A_240 : vector<4x4096xi32>
    %bitcast_convert_type3A_242 = tpu.bitcast %or3A_241 : vector<4x4096xi32> -> vector<4x4096xf32>
    %sub3A = arith.constant 1.000000e+00 : f32
    %sub3A_243 = vector.broadcast %sub3A : f32 to vector<4x4096xf32>
    %sub3A_244 = arith.subf %bitcast_convert_type3A_242, %sub3A_243 : vector<4x4096xf32>
    %mul3A_245 = arith.constant 2 : i32
    %mul3A_246 = vector.broadcast %mul3A_245 : i32 to vector<4x4096xi32>
    %mul3A_247 = arith.muli %add3A, %mul3A_246 : vector<4x4096xi32>
    %add3A_248 = arith.constant 1 : i32
    %add3A_249 = vector.broadcast %add3A_248 : i32 to vector<4x4096xi32>
    %add3A_250 = arith.addi %mul3A_247, %add3A_249 : vector<4x4096xi32>
    %bitcast_convert_type3A_251 = tpu.bitcast %add3A_250 : vector<4x4096xi32> -> vector<4x4096xi32>
    %xor3A_252 = arith.constant 0 : i32
    %xor3A_253 = arith.constant 1 : i32
    %xor3A_254 = arith.xori %xor3A_252, %xor3A_253 : i32
    %xor3A_255 = arith.constant 466688986 : i32
    %xor3A_256 = arith.xori %xor3A_254, %xor3A_255 : i32
    %broadcast_in_dim3A_257 = arith.constant 0 : i32
    %broadcast_in_dim3A_258 = vector.broadcast %broadcast_in_dim3A_257 : i32 to vector<4x4096xi32>
    %add3A_259 = arith.constant 0 : i32
    %add3A_260 = vector.broadcast %add3A_259 : i32 to vector<4x4096xi32>
    %add3A_261 = arith.addi %broadcast_in_dim3A_258, %add3A_260 : vector<4x4096xi32>
    %add3A_262 = arith.constant 1 : i32
    %add3A_263 = vector.broadcast %add3A_262 : i32 to vector<4x4096xi32>
    %add3A_264 = arith.addi %bitcast_convert_type3A_251, %add3A_263 : vector<4x4096xi32>
    %add3A_265 = arith.addi %add3A_261, %add3A_264 : vector<4x4096xi32>
    %shift_left3A_266 = arith.constant 13 : i32
    %shift_left3A_267 = vector.broadcast %shift_left3A_266 : i32 to vector<4x4096xi32>
    %shift_left3A_268 = arith.shli %add3A_264, %shift_left3A_267 : vector<4x4096xi32>
    %shift_right_logical3A_269 = arith.constant 19 : i32
    %shift_right_logical3A_270 = vector.broadcast %shift_right_logical3A_269 : i32 to vector<4x4096xi32>
    %shift_right_logical3A_271 = arith.shrui %add3A_264, %shift_right_logical3A_270 : vector<4x4096xi32>
    %or3A_272 = arith.ori %shift_left3A_268, %shift_right_logical3A_271 : vector<4x4096xi32>
    %xor3A_273 = arith.xori %add3A_265, %or3A_272 : vector<4x4096xi32>
    %add3A_274 = arith.addi %add3A_265, %xor3A_273 : vector<4x4096xi32>
    %shift_left3A_275 = arith.constant 15 : i32
    %shift_left3A_276 = vector.broadcast %shift_left3A_275 : i32 to vector<4x4096xi32>
    %shift_left3A_277 = arith.shli %xor3A_273, %shift_left3A_276 : vector<4x4096xi32>
    %shift_right_logical3A_278 = arith.constant 17 : i32
    %shift_right_logical3A_279 = vector.broadcast %shift_right_logical3A_278 : i32 to vector<4x4096xi32>
    %shift_right_logical3A_280 = arith.shrui %xor3A_273, %shift_right_logical3A_279 : vector<4x4096xi32>
    %or3A_281 = arith.ori %shift_left3A_277, %shift_right_logical3A_280 : vector<4x4096xi32>
    %xor3A_282 = arith.xori %add3A_274, %or3A_281 : vector<4x4096xi32>
    %add3A_283 = arith.addi %add3A_274, %xor3A_282 : vector<4x4096xi32>
    %shift_left3A_284 = arith.constant 26 : i32
    %shift_left3A_285 = vector.broadcast %shift_left3A_284 : i32 to vector<4x4096xi32>
    %shift_left3A_286 = arith.shli %xor3A_282, %shift_left3A_285 : vector<4x4096xi32>
    %shift_right_logical3A_287 = arith.constant 6 : i32
    %shift_right_logical3A_288 = vector.broadcast %shift_right_logical3A_287 : i32 to vector<4x4096xi32>
    %shift_right_logical3A_289 = arith.shrui %xor3A_282, %shift_right_logical3A_288 : vector<4x4096xi32>
    %or3A_290 = arith.ori %shift_left3A_286, %shift_right_logical3A_289 : vector<4x4096xi32>
    %xor3A_291 = arith.xori %add3A_283, %or3A_290 : vector<4x4096xi32>
    %add3A_292 = arith.addi %add3A_283, %xor3A_291 : vector<4x4096xi32>
    %shift_left3A_293 = arith.constant 6 : i32
    %shift_left3A_294 = vector.broadcast %shift_left3A_293 : i32 to vector<4x4096xi32>
    %shift_left3A_295 = arith.shli %xor3A_291, %shift_left3A_294 : vector<4x4096xi32>
    %shift_right_logical3A_296 = arith.constant 26 : i32
    %shift_right_logical3A_297 = vector.broadcast %shift_right_logical3A_296 : i32 to vector<4x4096xi32>
    %shift_right_logical3A_298 = arith.shrui %xor3A_291, %shift_right_logical3A_297 : vector<4x4096xi32>
    %or3A_299 = arith.ori %shift_left3A_295, %shift_right_logical3A_298 : vector<4x4096xi32>
    %xor3A_300 = arith.xori %add3A_292, %or3A_299 : vector<4x4096xi32>
    %add3A_301 = arith.constant 1 : i32
    %add3A_302 = vector.broadcast %add3A_301 : i32 to vector<4x4096xi32>
    %add3A_303 = arith.addi %add3A_292, %add3A_302 : vector<4x4096xi32>
    %add3A_304 = vector.broadcast %xor3A_256 : i32 to vector<4x4096xi32>
    %add3A_305 = arith.addi %xor3A_300, %add3A_304 : vector<4x4096xi32>
    %add3A_306 = arith.constant 1 : i32
    %add3A_307 = vector.broadcast %add3A_306 : i32 to vector<4x4096xi32>
    %add3A_308 = arith.addi %add3A_305, %add3A_307 : vector<4x4096xi32>
    %add3A_309 = arith.addi %add3A_303, %add3A_308 : vector<4x4096xi32>
    %shift_left3A_310 = arith.constant 17 : i32
    %shift_left3A_311 = vector.broadcast %shift_left3A_310 : i32 to vector<4x4096xi32>
    %shift_left3A_312 = arith.shli %add3A_308, %shift_left3A_311 : vector<4x4096xi32>
    %shift_right_logical3A_313 = arith.constant 15 : i32
    %shift_right_logical3A_314 = vector.broadcast %shift_right_logical3A_313 : i32 to vector<4x4096xi32>
    %shift_right_logical3A_315 = arith.shrui %add3A_308, %shift_right_logical3A_314 : vector<4x4096xi32>
    %or3A_316 = arith.ori %shift_left3A_312, %shift_right_logical3A_315 : vector<4x4096xi32>
    %xor3A_317 = arith.xori %add3A_309, %or3A_316 : vector<4x4096xi32>
    %add3A_318 = arith.addi %add3A_309, %xor3A_317 : vector<4x4096xi32>
    %shift_left3A_319 = arith.constant 29 : i32
    %shift_left3A_320 = vector.broadcast %shift_left3A_319 : i32 to vector<4x4096xi32>
    %shift_left3A_321 = arith.shli %xor3A_317, %shift_left3A_320 : vector<4x4096xi32>
    %shift_right_logical3A_322 = arith.constant 3 : i32
    %shift_right_logical3A_323 = vector.broadcast %shift_right_logical3A_322 : i32 to vector<4x4096xi32>
    %shift_right_logical3A_324 = arith.shrui %xor3A_317, %shift_right_logical3A_323 : vector<4x4096xi32>
    %or3A_325 = arith.ori %shift_left3A_321, %shift_right_logical3A_324 : vector<4x4096xi32>
    %xor3A_326 = arith.xori %add3A_318, %or3A_325 : vector<4x4096xi32>
    %add3A_327 = arith.addi %add3A_318, %xor3A_326 : vector<4x4096xi32>
    %shift_left3A_328 = arith.constant 16 : i32
    %shift_left3A_329 = vector.broadcast %shift_left3A_328 : i32 to vector<4x4096xi32>
    %shift_left3A_330 = arith.shli %xor3A_326, %shift_left3A_329 : vector<4x4096xi32>
    %shift_right_logical3A_331 = arith.constant 16 : i32
    %shift_right_logical3A_332 = vector.broadcast %shift_right_logical3A_331 : i32 to vector<4x4096xi32>
    %shift_right_logical3A_333 = arith.shrui %xor3A_326, %shift_right_logical3A_332 : vector<4x4096xi32>
    %or3A_334 = arith.ori %shift_left3A_330, %shift_right_logical3A_333 : vector<4x4096xi32>
    %xor3A_335 = arith.xori %add3A_327, %or3A_334 : vector<4x4096xi32>
    %add3A_336 = arith.addi %add3A_327, %xor3A_335 : vector<4x4096xi32>
    %shift_left3A_337 = arith.constant 24 : i32
    %shift_left3A_338 = vector.broadcast %shift_left3A_337 : i32 to vector<4x4096xi32>
    %shift_left3A_339 = arith.shli %xor3A_335, %shift_left3A_338 : vector<4x4096xi32>
    %shift_right_logical3A_340 = arith.constant 8 : i32
    %shift_right_logical3A_341 = vector.broadcast %shift_right_logical3A_340 : i32 to vector<4x4096xi32>
    %shift_right_logical3A_342 = arith.shrui %xor3A_335, %shift_right_logical3A_341 : vector<4x4096xi32>
    %or3A_343 = arith.ori %shift_left3A_339, %shift_right_logical3A_342 : vector<4x4096xi32>
    %xor3A_344 = arith.xori %add3A_336, %or3A_343 : vector<4x4096xi32>
    %add3A_345 = vector.broadcast %xor3A_256 : i32 to vector<4x4096xi32>
    %add3A_346 = arith.addi %add3A_336, %add3A_345 : vector<4x4096xi32>
    %add3A_347 = arith.constant 0 : i32
    %add3A_348 = vector.broadcast %add3A_347 : i32 to vector<4x4096xi32>
    %add3A_349 = arith.addi %xor3A_344, %add3A_348 : vector<4x4096xi32>
    %add3A_350 = arith.constant 2 : i32
    %add3A_351 = vector.broadcast %add3A_350 : i32 to vector<4x4096xi32>
    %add3A_352 = arith.addi %add3A_349, %add3A_351 : vector<4x4096xi32>
    %add3A_353 = arith.addi %add3A_346, %add3A_352 : vector<4x4096xi32>
    %shift_left3A_354 = arith.constant 13 : i32
    %shift_left3A_355 = vector.broadcast %shift_left3A_354 : i32 to vector<4x4096xi32>
    %shift_left3A_356 = arith.shli %add3A_352, %shift_left3A_355 : vector<4x4096xi32>
    %shift_right_logical3A_357 = arith.constant 19 : i32
    %shift_right_logical3A_358 = vector.broadcast %shift_right_logical3A_357 : i32 to vector<4x4096xi32>
    %shift_right_logical3A_359 = arith.shrui %add3A_352, %shift_right_logical3A_358 : vector<4x4096xi32>
    %or3A_360 = arith.ori %shift_left3A_356, %shift_right_logical3A_359 : vector<4x4096xi32>
    %xor3A_361 = arith.xori %add3A_353, %or3A_360 : vector<4x4096xi32>
    %add3A_362 = arith.addi %add3A_353, %xor3A_361 : vector<4x4096xi32>
    %shift_left3A_363 = arith.constant 15 : i32
    %shift_left3A_364 = vector.broadcast %shift_left3A_363 : i32 to vector<4x4096xi32>
    %shift_left3A_365 = arith.shli %xor3A_361, %shift_left3A_364 : vector<4x4096xi32>
    %shift_right_logical3A_366 = arith.constant 17 : i32
    %shift_right_logical3A_367 = vector.broadcast %shift_right_logical3A_366 : i32 to vector<4x4096xi32>
    %shift_right_logical3A_368 = arith.shrui %xor3A_361, %shift_right_logical3A_367 : vector<4x4096xi32>
    %or3A_369 = arith.ori %shift_left3A_365, %shift_right_logical3A_368 : vector<4x4096xi32>
    %xor3A_370 = arith.xori %add3A_362, %or3A_369 : vector<4x4096xi32>
    %add3A_371 = arith.addi %add3A_362, %xor3A_370 : vector<4x4096xi32>
    %shift_left3A_372 = arith.constant 26 : i32
    %shift_left3A_373 = vector.broadcast %shift_left3A_372 : i32 to vector<4x4096xi32>
    %shift_left3A_374 = arith.shli %xor3A_370, %shift_left3A_373 : vector<4x4096xi32>
    %shift_right_logical3A_375 = arith.constant 6 : i32
    %shift_right_logical3A_376 = vector.broadcast %shift_right_logical3A_375 : i32 to vector<4x4096xi32>
    %shift_right_logical3A_377 = arith.shrui %xor3A_370, %shift_right_logical3A_376 : vector<4x4096xi32>
    %or3A_378 = arith.ori %shift_left3A_374, %shift_right_logical3A_377 : vector<4x4096xi32>
    %xor3A_379 = arith.xori %add3A_371, %or3A_378 : vector<4x4096xi32>
    %add3A_380 = arith.addi %add3A_371, %xor3A_379 : vector<4x4096xi32>
    %shift_left3A_381 = arith.constant 6 : i32
    %shift_left3A_382 = vector.broadcast %shift_left3A_381 : i32 to vector<4x4096xi32>
    %shift_left3A_383 = arith.shli %xor3A_379, %shift_left3A_382 : vector<4x4096xi32>
    %shift_right_logical3A_384 = arith.constant 26 : i32
    %shift_right_logical3A_385 = vector.broadcast %shift_right_logical3A_384 : i32 to vector<4x4096xi32>
    %shift_right_logical3A_386 = arith.shrui %xor3A_379, %shift_right_logical3A_385 : vector<4x4096xi32>
    %or3A_387 = arith.ori %shift_left3A_383, %shift_right_logical3A_386 : vector<4x4096xi32>
    %xor3A_388 = arith.xori %add3A_380, %or3A_387 : vector<4x4096xi32>
    %add3A_389 = arith.constant 0 : i32
    %add3A_390 = vector.broadcast %add3A_389 : i32 to vector<4x4096xi32>
    %add3A_391 = arith.addi %add3A_380, %add3A_390 : vector<4x4096xi32>
    %add3A_392 = arith.constant 1 : i32
    %add3A_393 = vector.broadcast %add3A_392 : i32 to vector<4x4096xi32>
    %add3A_394 = arith.addi %xor3A_388, %add3A_393 : vector<4x4096xi32>
    %add3A_395 = arith.constant 3 : i32
    %add3A_396 = vector.broadcast %add3A_395 : i32 to vector<4x4096xi32>
    %add3A_397 = arith.addi %add3A_394, %add3A_396 : vector<4x4096xi32>
    %add3A_398 = arith.addi %add3A_391, %add3A_397 : vector<4x4096xi32>
    %shift_left3A_399 = arith.constant 17 : i32
    %shift_left3A_400 = vector.broadcast %shift_left3A_399 : i32 to vector<4x4096xi32>
    %shift_left3A_401 = arith.shli %add3A_397, %shift_left3A_400 : vector<4x4096xi32>
    %shift_right_logical3A_402 = arith.constant 15 : i32
    %shift_right_logical3A_403 = vector.broadcast %shift_right_logical3A_402 : i32 to vector<4x4096xi32>
    %shift_right_logical3A_404 = arith.shrui %add3A_397, %shift_right_logical3A_403 : vector<4x4096xi32>
    %or3A_405 = arith.ori %shift_left3A_401, %shift_right_logical3A_404 : vector<4x4096xi32>
    %xor3A_406 = arith.xori %add3A_398, %or3A_405 : vector<4x4096xi32>
    %add3A_407 = arith.addi %add3A_398, %xor3A_406 : vector<4x4096xi32>
    %shift_left3A_408 = arith.constant 29 : i32
    %shift_left3A_409 = vector.broadcast %shift_left3A_408 : i32 to vector<4x4096xi32>
    %shift_left3A_410 = arith.shli %xor3A_406, %shift_left3A_409 : vector<4x4096xi32>
    %shift_right_logical3A_411 = arith.constant 3 : i32
    %shift_right_logical3A_412 = vector.broadcast %shift_right_logical3A_411 : i32 to vector<4x4096xi32>
    %shift_right_logical3A_413 = arith.shrui %xor3A_406, %shift_right_logical3A_412 : vector<4x4096xi32>
    %or3A_414 = arith.ori %shift_left3A_410, %shift_right_logical3A_413 : vector<4x4096xi32>
    %xor3A_415 = arith.xori %add3A_407, %or3A_414 : vector<4x4096xi32>
    %add3A_416 = arith.addi %add3A_407, %xor3A_415 : vector<4x4096xi32>
    %shift_left3A_417 = arith.constant 16 : i32
    %shift_left3A_418 = vector.broadcast %shift_left3A_417 : i32 to vector<4x4096xi32>
    %shift_left3A_419 = arith.shli %xor3A_415, %shift_left3A_418 : vector<4x4096xi32>
    %shift_right_logical3A_420 = arith.constant 16 : i32
    %shift_right_logical3A_421 = vector.broadcast %shift_right_logical3A_420 : i32 to vector<4x4096xi32>
    %shift_right_logical3A_422 = arith.shrui %xor3A_415, %shift_right_logical3A_421 : vector<4x4096xi32>
    %or3A_423 = arith.ori %shift_left3A_419, %shift_right_logical3A_422 : vector<4x4096xi32>
    %xor3A_424 = arith.xori %add3A_416, %or3A_423 : vector<4x4096xi32>
    %add3A_425 = arith.addi %add3A_416, %xor3A_424 : vector<4x4096xi32>
    %shift_left3A_426 = arith.constant 24 : i32
    %shift_left3A_427 = vector.broadcast %shift_left3A_426 : i32 to vector<4x4096xi32>
    %shift_left3A_428 = arith.shli %xor3A_424, %shift_left3A_427 : vector<4x4096xi32>
    %shift_right_logical3A_429 = arith.constant 8 : i32
    %shift_right_logical3A_430 = vector.broadcast %shift_right_logical3A_429 : i32 to vector<4x4096xi32>
    %shift_right_logical3A_431 = arith.shrui %xor3A_424, %shift_right_logical3A_430 : vector<4x4096xi32>
    %or3A_432 = arith.ori %shift_left3A_428, %shift_right_logical3A_431 : vector<4x4096xi32>
    %xor3A_433 = arith.xori %add3A_425, %or3A_432 : vector<4x4096xi32>
    %add3A_434 = arith.constant 1 : i32
    %add3A_435 = vector.broadcast %add3A_434 : i32 to vector<4x4096xi32>
    %add3A_436 = arith.addi %add3A_425, %add3A_435 : vector<4x4096xi32>
    %add3A_437 = vector.broadcast %xor3A_256 : i32 to vector<4x4096xi32>
    %add3A_438 = arith.addi %xor3A_433, %add3A_437 : vector<4x4096xi32>
    %add3A_439 = arith.constant 4 : i32
    %add3A_440 = vector.broadcast %add3A_439 : i32 to vector<4x4096xi32>
    %add3A_441 = arith.addi %add3A_438, %add3A_440 : vector<4x4096xi32>
    %add3A_442 = arith.addi %add3A_436, %add3A_441 : vector<4x4096xi32>
    %shift_left3A_443 = arith.constant 13 : i32
    %shift_left3A_444 = vector.broadcast %shift_left3A_443 : i32 to vector<4x4096xi32>
    %shift_left3A_445 = arith.shli %add3A_441, %shift_left3A_444 : vector<4x4096xi32>
    %shift_right_logical3A_446 = arith.constant 19 : i32
    %shift_right_logical3A_447 = vector.broadcast %shift_right_logical3A_446 : i32 to vector<4x4096xi32>
    %shift_right_logical3A_448 = arith.shrui %add3A_441, %shift_right_logical3A_447 : vector<4x4096xi32>
    %or3A_449 = arith.ori %shift_left3A_445, %shift_right_logical3A_448 : vector<4x4096xi32>
    %xor3A_450 = arith.xori %add3A_442, %or3A_449 : vector<4x4096xi32>
    %add3A_451 = arith.addi %add3A_442, %xor3A_450 : vector<4x4096xi32>
    %shift_left3A_452 = arith.constant 15 : i32
    %shift_left3A_453 = vector.broadcast %shift_left3A_452 : i32 to vector<4x4096xi32>
    %shift_left3A_454 = arith.shli %xor3A_450, %shift_left3A_453 : vector<4x4096xi32>
    %shift_right_logical3A_455 = arith.constant 17 : i32
    %shift_right_logical3A_456 = vector.broadcast %shift_right_logical3A_455 : i32 to vector<4x4096xi32>
    %shift_right_logical3A_457 = arith.shrui %xor3A_450, %shift_right_logical3A_456 : vector<4x4096xi32>
    %or3A_458 = arith.ori %shift_left3A_454, %shift_right_logical3A_457 : vector<4x4096xi32>
    %xor3A_459 = arith.xori %add3A_451, %or3A_458 : vector<4x4096xi32>
    %add3A_460 = arith.addi %add3A_451, %xor3A_459 : vector<4x4096xi32>
    %shift_left3A_461 = arith.constant 26 : i32
    %shift_left3A_462 = vector.broadcast %shift_left3A_461 : i32 to vector<4x4096xi32>
    %shift_left3A_463 = arith.shli %xor3A_459, %shift_left3A_462 : vector<4x4096xi32>
    %shift_right_logical3A_464 = arith.constant 6 : i32
    %shift_right_logical3A_465 = vector.broadcast %shift_right_logical3A_464 : i32 to vector<4x4096xi32>
    %shift_right_logical3A_466 = arith.shrui %xor3A_459, %shift_right_logical3A_465 : vector<4x4096xi32>
    %or3A_467 = arith.ori %shift_left3A_463, %shift_right_logical3A_466 : vector<4x4096xi32>
    %xor3A_468 = arith.xori %add3A_460, %or3A_467 : vector<4x4096xi32>
    %add3A_469 = arith.addi %add3A_460, %xor3A_468 : vector<4x4096xi32>
    %shift_left3A_470 = arith.constant 6 : i32
    %shift_left3A_471 = vector.broadcast %shift_left3A_470 : i32 to vector<4x4096xi32>
    %shift_left3A_472 = arith.shli %xor3A_468, %shift_left3A_471 : vector<4x4096xi32>
    %shift_right_logical3A_473 = arith.constant 26 : i32
    %shift_right_logical3A_474 = vector.broadcast %shift_right_logical3A_473 : i32 to vector<4x4096xi32>
    %shift_right_logical3A_475 = arith.shrui %xor3A_468, %shift_right_logical3A_474 : vector<4x4096xi32>
    %or3A_476 = arith.ori %shift_left3A_472, %shift_right_logical3A_475 : vector<4x4096xi32>
    %xor3A_477 = arith.xori %add3A_469, %or3A_476 : vector<4x4096xi32>
    %add3A_478 = vector.broadcast %xor3A_256 : i32 to vector<4x4096xi32>
    %add3A_479 = arith.addi %add3A_469, %add3A_478 : vector<4x4096xi32>
    %add3A_480 = arith.constant 0 : i32
    %add3A_481 = vector.broadcast %add3A_480 : i32 to vector<4x4096xi32>
    %add3A_482 = arith.addi %xor3A_477, %add3A_481 : vector<4x4096xi32>
    %add3A_483 = arith.constant 5 : i32
    %add3A_484 = vector.broadcast %add3A_483 : i32 to vector<4x4096xi32>
    %add3A_485 = arith.addi %add3A_482, %add3A_484 : vector<4x4096xi32>
    %xor3A_486 = arith.xori %add3A_479, %add3A_485 : vector<4x4096xi32>
    %shift_right_logical3A_487 = arith.constant 9 : i32
    %shift_right_logical3A_488 = vector.broadcast %shift_right_logical3A_487 : i32 to vector<4x4096xi32>
    %shift_right_logical3A_489 = arith.shrui %xor3A_486, %shift_right_logical3A_488 : vector<4x4096xi32>
    %or3A_490 = arith.constant 1065353216 : i32
    %or3A_491 = vector.broadcast %or3A_490 : i32 to vector<4x4096xi32>
    %or3A_492 = arith.ori %shift_right_logical3A_489, %or3A_491 : vector<4x4096xi32>
    %bitcast_convert_type3A_493 = tpu.bitcast %or3A_492 : vector<4x4096xi32> -> vector<4x4096xf32>
    %sub3A_494 = arith.constant 1.000000e+00 : f32
    %sub3A_495 = vector.broadcast %sub3A_494 : f32 to vector<4x4096xf32>
    %sub3A_496 = arith.subf %bitcast_convert_type3A_493, %sub3A_495 : vector<4x4096xf32>
    %swap3A = arith.constant 0 : index
    %swap3A_497 = arith.constant 0 : index
    %swap3A_498 = vector.load %arg0[%swap3A, %swap3A_497] : memref<4x4096xf32, #tpu.memory_space<vmem>>, vector<4x4096xf32>
    tpu.vector_store %arg0[%swap3A, %swap3A_497], %sub3A_244 {strides = array<i32>} : memref<4x4096xf32, #tpu.memory_space<vmem>>, vector<4x4096xf32>,
    %swap3A_499 = arith.constant 0 : index
    %swap3A_500 = arith.constant 0 : index
    %swap3A_501 = vector.load %arg1[%swap3A_499, %swap3A_500] : memref<4x4096xf32, #tpu.memory_space<vmem>>, vector<4x4096xf32>
    tpu.vector_store %arg1[%swap3A_499, %swap3A_500], %sub3A_496 {strides = array<i32>} : memref<4x4096xf32, #tpu.memory_space<vmem>>, vector<4x4096xf32>,
    %bitcast_convert_type3A_502 = tpu.bitcast %add3A : vector<4x4096xi32> -> vector<4x4096xi32>
    %xor3A_503 = arith.constant 0 : i32
    %xor3A_504 = arith.constant 2 : i32
    %xor3A_505 = arith.xori %xor3A_503, %xor3A_504 : i32
    %xor3A_506 = arith.constant 466688986 : i32
    %xor3A_507 = arith.xori %xor3A_505, %xor3A_506 : i32
    %broadcast_in_dim3A_508 = arith.constant 0 : i32
    %broadcast_in_dim3A_509 = vector.broadcast %broadcast_in_dim3A_508 : i32 to vector<4x4096xi32>
    %add3A_510 = arith.constant 0 : i32
    %add3A_511 = vector.broadcast %add3A_510 : i32 to vector<4x4096xi32>
    %add3A_512 = arith.addi %broadcast_in_dim3A_509, %add3A_511 : vector<4x4096xi32>
    %add3A_513 = arith.constant 2 : i32
    %add3A_514 = vector.broadcast %add3A_513 : i32 to vector<4x4096xi32>
    %add3A_515 = arith.addi %bitcast_convert_type3A_502, %add3A_514 : vector<4x4096xi32>
    %add3A_516 = arith.addi %add3A_512, %add3A_515 : vector<4x4096xi32>
    %shift_left3A_517 = arith.constant 13 : i32
    %shift_left3A_518 = vector.broadcast %shift_left3A_517 : i32 to vector<4x4096xi32>
    %shift_left3A_519 = arith.shli %add3A_515, %shift_left3A_518 : vector<4x4096xi32>
    %shift_right_logical3A_520 = arith.constant 19 : i32
    %shift_right_logical3A_521 = vector.broadcast %shift_right_logical3A_520 : i32 to vector<4x4096xi32>
    %shift_right_logical3A_522 = arith.shrui %add3A_515, %shift_right_logical3A_521 : vector<4x4096xi32>
    %or3A_523 = arith.ori %shift_left3A_519, %shift_right_logical3A_522 : vector<4x4096xi32>
    %xor3A_524 = arith.xori %add3A_516, %or3A_523 : vector<4x4096xi32>
    %add3A_525 = arith.addi %add3A_516, %xor3A_524 : vector<4x4096xi32>
    %shift_left3A_526 = arith.constant 15 : i32
    %shift_left3A_527 = vector.broadcast %shift_left3A_526 : i32 to vector<4x4096xi32>
    %shift_left3A_528 = arith.shli %xor3A_524, %shift_left3A_527 : vector<4x4096xi32>
    %shift_right_logical3A_529 = arith.constant 17 : i32
    %shift_right_logical3A_530 = vector.broadcast %shift_right_logical3A_529 : i32 to vector<4x4096xi32>
    %shift_right_logical3A_531 = arith.shrui %xor3A_524, %shift_right_logical3A_530 : vector<4x4096xi32>
    %or3A_532 = arith.ori %shift_left3A_528, %shift_right_logical3A_531 : vector<4x4096xi32>
    %xor3A_533 = arith.xori %add3A_525, %or3A_532 : vector<4x4096xi32>
    %add3A_534 = arith.addi %add3A_525, %xor3A_533 : vector<4x4096xi32>
    %shift_left3A_535 = arith.constant 26 : i32
    %shift_left3A_536 = vector.broadcast %shift_left3A_535 : i32 to vector<4x4096xi32>
    %shift_left3A_537 = arith.shli %xor3A_533, %shift_left3A_536 : vector<4x4096xi32>
    %shift_right_logical3A_538 = arith.constant 6 : i32
    %shift_right_logical3A_539 = vector.broadcast %shift_right_logical3A_538 : i32 to vector<4x4096xi32>
    %shift_right_logical3A_540 = arith.shrui %xor3A_533, %shift_right_logical3A_539 : vector<4x4096xi32>
    %or3A_541 = arith.ori %shift_left3A_537, %shift_right_logical3A_540 : vector<4x4096xi32>
    %xor3A_542 = arith.xori %add3A_534, %or3A_541 : vector<4x4096xi32>
    %add3A_543 = arith.addi %add3A_534, %xor3A_542 : vector<4x4096xi32>
    %shift_left3A_544 = arith.constant 6 : i32
    %shift_left3A_545 = vector.broadcast %shift_left3A_544 : i32 to vector<4x4096xi32>
    %shift_left3A_546 = arith.shli %xor3A_542, %shift_left3A_545 : vector<4x4096xi32>
    %shift_right_logical3A_547 = arith.constant 26 : i32
    %shift_right_logical3A_548 = vector.broadcast %shift_right_logical3A_547 : i32 to vector<4x4096xi32>
    %shift_right_logical3A_549 = arith.shrui %xor3A_542, %shift_right_logical3A_548 : vector<4x4096xi32>
    %or3A_550 = arith.ori %shift_left3A_546, %shift_right_logical3A_549 : vector<4x4096xi32>
    %xor3A_551 = arith.xori %add3A_543, %or3A_550 : vector<4x4096xi32>
    %add3A_552 = arith.constant 2 : i32
    %add3A_553 = vector.broadcast %add3A_552 : i32 to vector<4x4096xi32>
    %add3A_554 = arith.addi %add3A_543, %add3A_553 : vector<4x4096xi32>
    %add3A_555 = vector.broadcast %xor3A_507 : i32 to vector<4x4096xi32>
    %add3A_556 = arith.addi %xor3A_551, %add3A_555 : vector<4x4096xi32>
    %add3A_557 = arith.constant 1 : i32
    %add3A_558 = vector.broadcast %add3A_557 : i32 to vector<4x4096xi32>
    %add3A_559 = arith.addi %add3A_556, %add3A_558 : vector<4x4096xi32>
    %add3A_560 = arith.addi %add3A_554, %add3A_559 : vector<4x4096xi32>
    %shift_left3A_561 = arith.constant 17 : i32
    %shift_left3A_562 = vector.broadcast %shift_left3A_561 : i32 to vector<4x4096xi32>
    %shift_left3A_563 = arith.shli %add3A_559, %shift_left3A_562 : vector<4x4096xi32>
    %shift_right_logical3A_564 = arith.constant 15 : i32
    %shift_right_logical3A_565 = vector.broadcast %shift_right_logical3A_564 : i32 to vector<4x4096xi32>
    %shift_right_logical3A_566 = arith.shrui %add3A_559, %shift_right_logical3A_565 : vector<4x4096xi32>
    %or3A_567 = arith.ori %shift_left3A_563, %shift_right_logical3A_566 : vector<4x4096xi32>
    %xor3A_568 = arith.xori %add3A_560, %or3A_567 : vector<4x4096xi32>
    %add3A_569 = arith.addi %add3A_560, %xor3A_568 : vector<4x4096xi32>
    %shift_left3A_570 = arith.constant 29 : i32
    %shift_left3A_571 = vector.broadcast %shift_left3A_570 : i32 to vector<4x4096xi32>
    %shift_left3A_572 = arith.shli %xor3A_568, %shift_left3A_571 : vector<4x4096xi32>
    %shift_right_logical3A_573 = arith.constant 3 : i32
    %shift_right_logical3A_574 = vector.broadcast %shift_right_logical3A_573 : i32 to vector<4x4096xi32>
    %shift_right_logical3A_575 = arith.shrui %xor3A_568, %shift_right_logical3A_574 : vector<4x4096xi32>
    %or3A_576 = arith.ori %shift_left3A_572, %shift_right_logical3A_575 : vector<4x4096xi32>
    %xor3A_577 = arith.xori %add3A_569, %or3A_576 : vector<4x4096xi32>
    %add3A_578 = arith.addi %add3A_569, %xor3A_577 : vector<4x4096xi32>
    %shift_left3A_579 = arith.constant 16 : i32
    %shift_left3A_580 = vector.broadcast %shift_left3A_579 : i32 to vector<4x4096xi32>
    %shift_left3A_581 = arith.shli %xor3A_577, %shift_left3A_580 : vector<4x4096xi32>
    %shift_right_logical3A_582 = arith.constant 16 : i32
    %shift_right_logical3A_583 = vector.broadcast %shift_right_logical3A_582 : i32 to vector<4x4096xi32>
    %shift_right_logical3A_584 = arith.shrui %xor3A_577, %shift_right_logical3A_583 : vector<4x4096xi32>
    %or3A_585 = arith.ori %shift_left3A_581, %shift_right_logical3A_584 : vector<4x4096xi32>
    %xor3A_586 = arith.xori %add3A_578, %or3A_585 : vector<4x4096xi32>
    %add3A_587 = arith.addi %add3A_578, %xor3A_586 : vector<4x4096xi32>
    %shift_left3A_588 = arith.constant 24 : i32
    %shift_left3A_589 = vector.broadcast %shift_left3A_588 : i32 to vector<4x4096xi32>
    %shift_left3A_590 = arith.shli %xor3A_586, %shift_left3A_589 : vector<4x4096xi32>
    %shift_right_logical3A_591 = arith.constant 8 : i32
    %shift_right_logical3A_592 = vector.broadcast %shift_right_logical3A_591 : i32 to vector<4x4096xi32>
    %shift_right_logical3A_593 = arith.shrui %xor3A_586, %shift_right_logical3A_592 : vector<4x4096xi32>
    %or3A_594 = arith.ori %shift_left3A_590, %shift_right_logical3A_593 : vector<4x4096xi32>
    %xor3A_595 = arith.xori %add3A_587, %or3A_594 : vector<4x4096xi32>
    %add3A_596 = vector.broadcast %xor3A_507 : i32 to vector<4x4096xi32>
    %add3A_597 = arith.addi %add3A_587, %add3A_596 : vector<4x4096xi32>
    %add3A_598 = arith.constant 0 : i32
    %add3A_599 = vector.broadcast %add3A_598 : i32 to vector<4x4096xi32>
    %add3A_600 = arith.addi %xor3A_595, %add3A_599 : vector<4x4096xi32>
    %add3A_601 = arith.constant 2 : i32
    %add3A_602 = vector.broadcast %add3A_601 : i32 to vector<4x4096xi32>
    %add3A_603 = arith.addi %add3A_600, %add3A_602 : vector<4x4096xi32>
    %add3A_604 = arith.addi %add3A_597, %add3A_603 : vector<4x4096xi32>
    %shift_left3A_605 = arith.constant 13 : i32
    %shift_left3A_606 = vector.broadcast %shift_left3A_605 : i32 to vector<4x4096xi32>
    %shift_left3A_607 = arith.shli %add3A_603, %shift_left3A_606 : vector<4x4096xi32>
    %shift_right_logical3A_608 = arith.constant 19 : i32
    %shift_right_logical3A_609 = vector.broadcast %shift_right_logical3A_608 : i32 to vector<4x4096xi32>
    %shift_right_logical3A_610 = arith.shrui %add3A_603, %shift_right_logical3A_609 : vector<4x4096xi32>
    %or3A_611 = arith.ori %shift_left3A_607, %shift_right_logical3A_610 : vector<4x4096xi32>
    %xor3A_612 = arith.xori %add3A_604, %or3A_611 : vector<4x4096xi32>
    %add3A_613 = arith.addi %add3A_604, %xor3A_612 : vector<4x4096xi32>
    %shift_left3A_614 = arith.constant 15 : i32
    %shift_left3A_615 = vector.broadcast %shift_left3A_614 : i32 to vector<4x4096xi32>
    %shift_left3A_616 = arith.shli %xor3A_612, %shift_left3A_615 : vector<4x4096xi32>
    %shift_right_logical3A_617 = arith.constant 17 : i32
    %shift_right_logical3A_618 = vector.broadcast %shift_right_logical3A_617 : i32 to vector<4x4096xi32>
    %shift_right_logical3A_619 = arith.shrui %xor3A_612, %shift_right_logical3A_618 : vector<4x4096xi32>
    %or3A_620 = arith.ori %shift_left3A_616, %shift_right_logical3A_619 : vector<4x4096xi32>
    %xor3A_621 = arith.xori %add3A_613, %or3A_620 : vector<4x4096xi32>
    %add3A_622 = arith.addi %add3A_613, %xor3A_621 : vector<4x4096xi32>
    %shift_left3A_623 = arith.constant 26 : i32
    %shift_left3A_624 = vector.broadcast %shift_left3A_623 : i32 to vector<4x4096xi32>
    %shift_left3A_625 = arith.shli %xor3A_621, %shift_left3A_624 : vector<4x4096xi32>
    %shift_right_logical3A_626 = arith.constant 6 : i32
    %shift_right_logical3A_627 = vector.broadcast %shift_right_logical3A_626 : i32 to vector<4x4096xi32>
    %shift_right_logical3A_628 = arith.shrui %xor3A_621, %shift_right_logical3A_627 : vector<4x4096xi32>
    %or3A_629 = arith.ori %shift_left3A_625, %shift_right_logical3A_628 : vector<4x4096xi32>
    %xor3A_630 = arith.xori %add3A_622, %or3A_629 : vector<4x4096xi32>
    %add3A_631 = arith.addi %add3A_622, %xor3A_630 : vector<4x4096xi32>
    %shift_left3A_632 = arith.constant 6 : i32
    %shift_left3A_633 = vector.broadcast %shift_left3A_632 : i32 to vector<4x4096xi32>
    %shift_left3A_634 = arith.shli %xor3A_630, %shift_left3A_633 : vector<4x4096xi32>
    %shift_right_logical3A_635 = arith.constant 26 : i32
    %shift_right_logical3A_636 = vector.broadcast %shift_right_logical3A_635 : i32 to vector<4x4096xi32>
    %shift_right_logical3A_637 = arith.shrui %xor3A_630, %shift_right_logical3A_636 : vector<4x4096xi32>
    %or3A_638 = arith.ori %shift_left3A_634, %shift_right_logical3A_637 : vector<4x4096xi32>
    %xor3A_639 = arith.xori %add3A_631, %or3A_638 : vector<4x4096xi32>
    %add3A_640 = arith.constant 0 : i32
    %add3A_641 = vector.broadcast %add3A_640 : i32 to vector<4x4096xi32>
    %add3A_642 = arith.addi %add3A_631, %add3A_641 : vector<4x4096xi32>
    %add3A_643 = arith.constant 2 : i32
    %add3A_644 = vector.broadcast %add3A_643 : i32 to vector<4x4096xi32>
    %add3A_645 = arith.addi %xor3A_639, %add3A_644 : vector<4x4096xi32>
    %add3A_646 = arith.constant 3 : i32
    %add3A_647 = vector.broadcast %add3A_646 : i32 to vector<4x4096xi32>
    %add3A_648 = arith.addi %add3A_645, %add3A_647 : vector<4x4096xi32>
    %add3A_649 = arith.addi %add3A_642, %add3A_648 : vector<4x4096xi32>
    %shift_left3A_650 = arith.constant 17 : i32
    %shift_left3A_651 = vector.broadcast %shift_left3A_650 : i32 to vector<4x4096xi32>
    %shift_left3A_652 = arith.shli %add3A_648, %shift_left3A_651 : vector<4x4096xi32>
    %shift_right_logical3A_653 = arith.constant 15 : i32
    %shift_right_logical3A_654 = vector.broadcast %shift_right_logical3A_653 : i32 to vector<4x4096xi32>
    %shift_right_logical3A_655 = arith.shrui %add3A_648, %shift_right_logical3A_654 : vector<4x4096xi32>
    %or3A_656 = arith.ori %shift_left3A_652, %shift_right_logical3A_655 : vector<4x4096xi32>
    %xor3A_657 = arith.xori %add3A_649, %or3A_656 : vector<4x4096xi32>
    %add3A_658 = arith.addi %add3A_649, %xor3A_657 : vector<4x4096xi32>
    %shift_left3A_659 = arith.constant 29 : i32
    %shift_left3A_660 = vector.broadcast %shift_left3A_659 : i32 to vector<4x4096xi32>
    %shift_left3A_661 = arith.shli %xor3A_657, %shift_left3A_660 : vector<4x4096xi32>
    %shift_right_logical3A_662 = arith.constant 3 : i32
    %shift_right_logical3A_663 = vector.broadcast %shift_right_logical3A_662 : i32 to vector<4x4096xi32>
    %shift_right_logical3A_664 = arith.shrui %xor3A_657, %shift_right_logical3A_663 : vector<4x4096xi32>
    %or3A_665 = arith.ori %shift_left3A_661, %shift_right_logical3A_664 : vector<4x4096xi32>
    %xor3A_666 = arith.xori %add3A_658, %or3A_665 : vector<4x4096xi32>
    %add3A_667 = arith.addi %add3A_658, %xor3A_666 : vector<4x4096xi32>
    %shift_left3A_668 = arith.constant 16 : i32
    %shift_left3A_669 = vector.broadcast %shift_left3A_668 : i32 to vector<4x4096xi32>
    %shift_left3A_670 = arith.shli %xor3A_666, %shift_left3A_669 : vector<4x4096xi32>
    %shift_right_logical3A_671 = arith.constant 16 : i32
    %shift_right_logical3A_672 = vector.broadcast %shift_right_logical3A_671 : i32 to vector<4x4096xi32>
    %shift_right_logical3A_673 = arith.shrui %xor3A_666, %shift_right_logical3A_672 : vector<4x4096xi32>
    %or3A_674 = arith.ori %shift_left3A_670, %shift_right_logical3A_673 : vector<4x4096xi32>
    %xor3A_675 = arith.xori %add3A_667, %or3A_674 : vector<4x4096xi32>
    %add3A_676 = arith.addi %add3A_667, %xor3A_675 : vector<4x4096xi32>
    %shift_left3A_677 = arith.constant 24 : i32
    %shift_left3A_678 = vector.broadcast %shift_left3A_677 : i32 to vector<4x4096xi32>
    %shift_left3A_679 = arith.shli %xor3A_675, %shift_left3A_678 : vector<4x4096xi32>
    %shift_right_logical3A_680 = arith.constant 8 : i32
    %shift_right_logical3A_681 = vector.broadcast %shift_right_logical3A_680 : i32 to vector<4x4096xi32>
    %shift_right_logical3A_682 = arith.shrui %xor3A_675, %shift_right_logical3A_681 : vector<4x4096xi32>
    %or3A_683 = arith.ori %shift_left3A_679, %shift_right_logical3A_682 : vector<4x4096xi32>
    %xor3A_684 = arith.xori %add3A_676, %or3A_683 : vector<4x4096xi32>
    %add3A_685 = arith.constant 2 : i32
    %add3A_686 = vector.broadcast %add3A_685 : i32 to vector<4x4096xi32>
    %add3A_687 = arith.addi %add3A_676, %add3A_686 : vector<4x4096xi32>
    %add3A_688 = vector.broadcast %xor3A_507 : i32 to vector<4x4096xi32>
    %add3A_689 = arith.addi %xor3A_684, %add3A_688 : vector<4x4096xi32>
    %add3A_690 = arith.constant 4 : i32
    %add3A_691 = vector.broadcast %add3A_690 : i32 to vector<4x4096xi32>
    %add3A_692 = arith.addi %add3A_689, %add3A_691 : vector<4x4096xi32>
    %add3A_693 = arith.addi %add3A_687, %add3A_692 : vector<4x4096xi32>
    %shift_left3A_694 = arith.constant 13 : i32
    %shift_left3A_695 = vector.broadcast %shift_left3A_694 : i32 to vector<4x4096xi32>
    %shift_left3A_696 = arith.shli %add3A_692, %shift_left3A_695 : vector<4x4096xi32>
    %shift_right_logical3A_697 = arith.constant 19 : i32
    %shift_right_logical3A_698 = vector.broadcast %shift_right_logical3A_697 : i32 to vector<4x4096xi32>
    %shift_right_logical3A_699 = arith.shrui %add3A_692, %shift_right_logical3A_698 : vector<4x4096xi32>
    %or3A_700 = arith.ori %shift_left3A_696, %shift_right_logical3A_699 : vector<4x4096xi32>
    %xor3A_701 = arith.xori %add3A_693, %or3A_700 : vector<4x4096xi32>
    %add3A_702 = arith.addi %add3A_693, %xor3A_701 : vector<4x4096xi32>
    %shift_left3A_703 = arith.constant 15 : i32
    %shift_left3A_704 = vector.broadcast %shift_left3A_703 : i32 to vector<4x4096xi32>
    %shift_left3A_705 = arith.shli %xor3A_701, %shift_left3A_704 : vector<4x4096xi32>
    %shift_right_logical3A_706 = arith.constant 17 : i32
    %shift_right_logical3A_707 = vector.broadcast %shift_right_logical3A_706 : i32 to vector<4x4096xi32>
    %shift_right_logical3A_708 = arith.shrui %xor3A_701, %shift_right_logical3A_707 : vector<4x4096xi32>
    %or3A_709 = arith.ori %shift_left3A_705, %shift_right_logical3A_708 : vector<4x4096xi32>
    %xor3A_710 = arith.xori %add3A_702, %or3A_709 : vector<4x4096xi32>
    %add3A_711 = arith.addi %add3A_702, %xor3A_710 : vector<4x4096xi32>
    %shift_left3A_712 = arith.constant 26 : i32
    %shift_left3A_713 = vector.broadcast %shift_left3A_712 : i32 to vector<4x4096xi32>
    %shift_left3A_714 = arith.shli %xor3A_710, %shift_left3A_713 : vector<4x4096xi32>
    %shift_right_logical3A_715 = arith.constant 6 : i32
    %shift_right_logical3A_716 = vector.broadcast %shift_right_logical3A_715 : i32 to vector<4x4096xi32>
    %shift_right_logical3A_717 = arith.shrui %xor3A_710, %shift_right_logical3A_716 : vector<4x4096xi32>
    %or3A_718 = arith.ori %shift_left3A_714, %shift_right_logical3A_717 : vector<4x4096xi32>
    %xor3A_719 = arith.xori %add3A_711, %or3A_718 : vector<4x4096xi32>
    %add3A_720 = arith.addi %add3A_711, %xor3A_719 : vector<4x4096xi32>
    %shift_left3A_721 = arith.constant 6 : i32
    %shift_left3A_722 = vector.broadcast %shift_left3A_721 : i32 to vector<4x4096xi32>
    %shift_left3A_723 = arith.shli %xor3A_719, %shift_left3A_722 : vector<4x4096xi32>
    %shift_right_logical3A_724 = arith.constant 26 : i32
    %shift_right_logical3A_725 = vector.broadcast %shift_right_logical3A_724 : i32 to vector<4x4096xi32>
    %shift_right_logical3A_726 = arith.shrui %xor3A_719, %shift_right_logical3A_725 : vector<4x4096xi32>
    %or3A_727 = arith.ori %shift_left3A_723, %shift_right_logical3A_726 : vector<4x4096xi32>
    %xor3A_728 = arith.xori %add3A_720, %or3A_727 : vector<4x4096xi32>
    %add3A_729 = vector.broadcast %xor3A_507 : i32 to vector<4x4096xi32>
    %add3A_730 = arith.addi %add3A_720, %add3A_729 : vector<4x4096xi32>
    %add3A_731 = arith.constant 0 : i32
    %add3A_732 = vector.broadcast %add3A_731 : i32 to vector<4x4096xi32>
    %add3A_733 = arith.addi %xor3A_728, %add3A_732 : vector<4x4096xi32>
    %add3A_734 = arith.constant 5 : i32
    %add3A_735 = vector.broadcast %add3A_734 : i32 to vector<4x4096xi32>
    %add3A_736 = arith.addi %add3A_733, %add3A_735 : vector<4x4096xi32>
    %xor3A_737 = arith.xori %add3A_730, %add3A_736 : vector<4x4096xi32>
    %shift_right_logical3A_738 = arith.constant 9 : i32
    %shift_right_logical3A_739 = vector.broadcast %shift_right_logical3A_738 : i32 to vector<4x4096xi32>
    %shift_right_logical3A_740 = arith.shrui %xor3A_737, %shift_right_logical3A_739 : vector<4x4096xi32>
    %or3A_741 = arith.constant 1065353216 : i32
    %or3A_742 = vector.broadcast %or3A_741 : i32 to vector<4x4096xi32>
    %or3A_743 = arith.ori %shift_right_logical3A_740, %or3A_742 : vector<4x4096xi32>
    %bitcast_convert_type3A_744 = tpu.bitcast %or3A_743 : vector<4x4096xi32> -> vector<4x4096xf32>
    %sub3A_745 = arith.constant 1.000000e+00 : f32
    %sub3A_746 = vector.broadcast %sub3A_745 : f32 to vector<4x4096xf32>
    %sub3A_747 = arith.subf %bitcast_convert_type3A_744, %sub3A_746 : vector<4x4096xf32>
    %lt3A = arith.constant 5.000000e-01 : f32
    %lt3A_748 = vector.broadcast %lt3A : f32 to vector<4x4096xf32>
    %lt3A_749 = arith.cmpf olt, %sub3A_747, %lt3A_748 : vector<4x4096xf32>
    %swap3A_750 = arith.constant 0 : index
    %swap3A_751 = arith.constant 0 : index
    %swap3A_752 = vector.load %arg2[%swap3A_750, %swap3A_751] : memref<4x4096xi32, #tpu.memory_space<vmem>>, vector<4x4096xi32>
    %swap3A_753 = arith.extui %lt3A_749 : vector<4x4096xi1> to vector<4x4096xi32>
    %swap3A_754 = arith.constant dense<0> : vector<4x4096xi32>
    %swap3A_755 = arith.cmpi ne, %swap3A_752, %swap3A_754 : vector<4x4096xi32>
    tpu.vector_store %arg2[%swap3A_750, %swap3A_751], %swap3A_753 {strides = array<i32>} : memref<4x4096xi32, #tpu.memory_space<vmem>>, vector<4x4096xi32>,
    return
  }
}

</mosaic_0001>

<sc_bundles>
// kernel: kernel.5.cloned.1.call-start
scs
__scs_entry_jumppad:
0x0: {  	(pc) =	sbr.rel $0x88, $3  }
0x1: {  	(tag) =	ssettag $0x0;
	lr =	simm.s32 $0x1  }
0x2: {  	[smem:$0x3FA0] =	sst lr;
	_ =	strace $0xD0000000  }
0x3: {  	_ = 	snop  }
0x4: {  	_ = 	snop  }
0x5: {  	_ = 	snop  }
0x6: {  	_ = 	snop  }
0x7: {  	_ = 	snop  }
__scs_overlays_trampoline_lowered:
0x8: {  	[smem:$0x3FAF] =	sst s0  }
0x9: {  	[smem:$0x3FB0] =	sst s1  }
0xa: {  	[smem:$0x3FB1] =	sst s2  }
0xb: {  	[smem:$0x3FB2] =	sst s3  }
0xc: {  	[smem:$0x3FB3] =	sst s4  }
0xd: {  	[smem:$0x3FB4] =	sst s5  }
0xe: {  	[smem:$0x3FB5] =	sst s6  }
0xf: {  	[smem:$0x3FB6] =	sst s7  }
0x10: {  	[smem:$0x3FB7] =	sst s8  }
0x11: {  	[smem:$0x3FB8] =	sst s9;
	s0 =	simm.s32 @!p0 $0x0  }
0x12: {  	s1 =	sld [smem:$0x3F9E];
	s0 =	simm.s32 @p0 $0x1  }
0x13: {  	[smem:$0x3FB9] =	sst s0;
	s0 =	simm.s32 @!p1 $0x0  }
0x14: {  	s2 =	sld [smem:$0x3F9D];
	s0 =	simm.s32 @p1 $0x1  }
0x15: {  	[smem:$0x3FBA] =	sst s0;
	s0 =	simm.s32 @!p2 $0x0  }
0x16: {  	s3 =	sld [smem:$0x3FDB];
	s0 =	simm.s32 @p2 $0x1  }
0x17: {  	s4 =	simm.s32 $0x1BF5;
	[smem:$0x3FBC] =	sst s0  }
0x18: {  	s0 =	sld [smem:$0x3F9F];
	_ =	swait.ge [sflag:s4], $0x0  }
0x19: {  	s7 =	sld [smem:$0x3FA0]  }
0x1a: {  	s8 =	sadd.s32 $0xFFFFE003, lr  }
0x1b: {  	s9 =	sadd.s32 $0xFFFFFEF7, lr;
	s5 =	simm.s32 $0xFFFFFFFF;
	p2 =	slt.u32 s8, $0xFFFFF086  }
0x1c: {  	p1 =	slt.u32 s9, $0xF7A;
	s5 =	simm.s32 @!p2 $0x0  }
0x1d: {  	s5 =	simm.s32 @p1 $0x1;
	p0 =	seq.s32 s7, s2  }
0x1e: {  	s7 =	smul.u32 @!p0 $0xF7A, s2;
	p2 =	seq.s32 @!p0 s5, $0x0  }
0x1f: {  	s9 =	smul.u32 $0xF7A, s1;
	s8 =	simm.s32 @!p0 $0x1BF5;
	p2 =	por !p2, p0  }
0x20: {  	[sflag:s8] =	ssyncset.s32 @!p0 $0xFFFFF086;
	s6 =	sadd.s32 @!p0 s3, s7;
	s7 =	simm.s32 @!p0 $0x108  }
0x21: {  	s3 =	sadd.s32 s3, s9;
	s6 =	sadd.s32 @!p0 $0x88, s6;
	s7 =	simm.s32 @p2 $0x1082  }
0x22: {  	[simem:s7], [sflag:s8] =	dma.local @!p0 [hbm:s6], $0xF7A  }
0x23: {  	s9 =	sor.u32 $0xD0000000, s2;
	s6 =	simm.s32 $0x108;
	_ =	swait.ge @!p0 [sflag:s8], $0x0  }
0x24: {  	s3 =	sadd.s32 $0x88, s3;
	s6 =	simm.s32 @!p1 $0x1082;
	[sflag:s4] =	ssyncset.s32 $0xFFFFF086  }
0x25: {  	[simem:s6], [sflag:s4] =	dma.local [hbm:s3], $0xF7A  }
0x26: {  	[smem:$0x3FA0] =	sst s1;
	(tag) =	ssettag s2;
	_ =	strace s9  }
0x27: {  	s1 =	sld [smem:$0x3FB0]  }
0x28: {  	s2 =	sld [smem:$0x3FB1]  }
0x29: {  	s4 =	sld [smem:$0x3FB3]  }
0x2a: {  	p0 =	seq.s32 s5, $0x0;
	s5 =	sld [smem:$0x3FB4]  }
0x2b: {  	s6 =	sld [smem:$0x3FB5]  }
0x2c: {  	s7 =	sld [smem:$0x3FB6]  }
0x2d: {  	s3 =	simm.s32 $0x108;
	s8 =	sld [smem:$0x3FB7]  }
0x2e: {  	s3 =	simm.s32 @!p0 $0x1082;
	s9 =	sld [smem:$0x3FB8]  }
0x2f: {  	lr =	sadd.s32 s0, s3;
	s0 =	sld [smem:$0x3FAF]  }
0x30: {  	s3 =	sld [smem:$0x3FB2]  }
0x31: {  	[smem:$0x3FBB] =	sst s10  }
0x32: {  	s10 =	sld [smem:$0x3FB9];
	_ =	sdelay $0x3  }
0x33: {  	p0 =	seq.s32 s10, $0x1;
	s10 =	sld [smem:$0x3FBB];
	_ =	sdelay $0x3  }
0x34: {  	[smem:$0x3FBB] =	sst s10  }
0x35: {  	s10 =	sld [smem:$0x3FBA];
	_ =	sdelay $0x3  }
0x36: {  	p1 =	seq.s32 s10, $0x1;
	s10 =	sld [smem:$0x3FBB];
	_ =	sdelay $0x3  }
0x37: {  	[smem:$0x3FBB] =	sst s10  }
0x38: {  	s10 =	sld [smem:$0x3FBC]  }
0x39: {  	_ = 	snop;
	(pc) =	sbr.ind lr, $3  }
0x3a: {  	_ = 	snop  }
0x3b: {  	_ = 	snop  }
0x3c: {  	p2 =	seq.s32 s10, $0x1;
	s10 =	sld [smem:$0x3FBB]  }
0x3d: {  	_ =	shalt  }
0x3e: {  	_ =	shalt  }
0x3f: {  	_ =	shalt  }
0x40: {  	_ =	shalt  }
0x41: {  	_ =	shalt  }
0x42: {  	_ =	shalt  }
0x43: {  	_ =	shalt  }
0x44: {  	_ =	shalt  }
0x45: {  	_ =	shalt  }
0x46: {  	_ =	shalt  }
0x47: {  	_ =	shalt  }
0x48: {  	_ =	shalt  }
0x49: {  	_ =	shalt  }
0x4a: {  	_ =	shalt  }
0x4b: {  	_ =	shalt  }
0x4c: {  	_ =	shalt  }
0x4d: {  	_ =	shalt  }
0x4e: {  	_ =	shalt  }
0x4f: {  	_ =	shalt  }
0x50: {  	_ =	shalt  }
0x51: {  	_ =	shalt  }
0x52: {  	_ =	shalt  }
0x53: {  	_ =	shalt  }
0x54: {  	_ =	shalt  }
0x55: {  	_ =	shalt  }
0x56: {  	_ =	shalt  }
0x57: {  	_ =	shalt  }
0x58: {  	_ =	shalt  }
0x59: {  	_ =	shalt  }
0x5a: {  	_ =	shalt  }
0x5b: {  	_ =	shalt  }
0x5c: {  	_ =	shalt  }
0x5d: {  	_ =	shalt  }
0x5e: {  	_ =	shalt  }
0x5f: {  	_ =	shalt  }
0x60: {  	_ =	shalt  }
0x61: {  	_ =	shalt  }
0x62: {  	_ =	shalt  }
0x63: {  	_ =	shalt  }
0x64: {  	_ =	shalt  }
0x65: {  	_ =	shalt  }
0x66: {  	_ =	shalt  }
0x67: {  	_ =	shalt  }
0x68: {  	_ =	shalt  }
0x69: {  	_ =	shalt  }
0x6a: {  	_ =	shalt  }
0x6b: {  	_ =	shalt  }
0x6c: {  	_ =	shalt  }
0x6d: {  	_ =	shalt  }
0x6e: {  	_ =	shalt  }
0x6f: {  	_ =	shalt  }
0x70: {  	_ =	shalt  }
0x71: {  	_ =	shalt  }
0x72: {  	_ =	shalt  }
0x73: {  	_ =	shalt  }
0x74: {  	_ =	shalt  }
0x75: {  	_ =	shalt  }
0x76: {  	_ =	shalt  }
0x77: {  	_ =	shalt  }
0x78: {  	_ =	shalt  }
0x79: {  	_ =	shalt  }
0x7a: {  	_ =	shalt  }
0x7b: {  	_ =	shalt  }
0x7c: {  	_ =	shalt  }
0x7d: {  	_ =	shalt  }
0x7e: {  	_ =	shalt  }
0x7f: {  	_ =	shalt  }
0x80: {  	_ =	shalt  }
0x81: {  	_ =	shalt  }
0x82: {  	_ =	shalt  }
0x83: {  	_ =	shalt  }
0x84: {  	_ =	shalt  }
0x85: {  	_ =	shalt  }
0x86: {  	_ =	shalt  }
0x87: {  	_ =	shalt  }
.Lfunc_end0:
.L_simem_size_0:
called_computation_lowered:
.L_overlay_start_0:
0x88: {  	s2 =	sld [smem:$0x3FD9]  }
0x89: {  	s3 =	sld [smem:$0x3FFE];
	_ =	sdelay $0x1  }
0x8a: {  	s1 =	srdreg.scid  }
0x8b: {  	s0 =	sand.u32 $0x1, s1  }
0x8c: {  	s14 =	sshll.u32 s0, $0xA;
	s2 =	sadd.s32 s3, s2  }
0x8d: {  	s2 =	sadd.s32 s2, s14  }
0x8e: {  	[smem:$0x3FC7] =	sst s2  }
0x8f: {  	_ = 	snop  }
0x90: {  	s2 =	sld [smem:$0x3FD0];
	_ =	sdelay $0x2  }
0x91: {  	s4 =	simm.s32 $0xA;
	s5 =	simm.s32 $0x10;
	s15 =	sld [smem:$0x3FC9]  }
0x92: {  	[smem:s5], [sflag:s4] =	dma.local [hbm:s2], $0x1  }
0x93: {  	_ =	swait.eq [sflag:s4], $0x1  }
0x94: {  	[sflag:s4] =	ssyncset.done $0x0  }
0x95: {  	s16 =	sld [smem:$0x12];
	[sflag:s4] =	ssyncadd.s32 $0xFFFFFFFF  }
0x96: {  	s17 =	sld [smem:$0x14];
	(tm) =	ssettm $0x1  }
0x97: {  	s18 =	sld [smem:$0x3FFB];
	_ =	sdelay $0x3  }
0x98: {  	_ =	strace s18  }
0x99: {  	s5 =	sld [smem:$0x3FFC];
	_ =	sdelay $0x3  }
0x9a: {  	_ =	strace s5  }
0x9b: {  	s5 =	sld [smem:$0x3FFD];
	_ =	sdelay $0x3  }
0x9c: {  	_ =	strace s5  }
0x9d: {  	_ =	strace $0x8FFFFFFF  }
0x9e: {  	s19 =	sld [smem:$0x3FDB];
	_ =	sdelay $0x1  }
0x9f: {  	s6 =	simm.s32 $_scs_section_size  }
0xa0: {  	s7 =	simm.s32 $_size__tile_overlayer_lowered;
	s8 =	simm.s32 $_tile_overlayer_lowered  }
0xa1: {  	s22 =	simm.s32 $0x1BFF;
	s21 =	sshll.u32 s8, $0x1;
	s5 =	sadd.s32 s6, s19  }
0xa2: {  	s9 =	simm.s32 $0x0;
	s20 =	sshll.u32 s7, $0x1;
	s7 =	sadd.s32 s21, s5  }
0xa3: {  	[timem:s9], [sflag:s22] =	dma.local [hbm:s7], s20  }
0xa4: {  	_ =	swait.ge [sflag:s22], s20  }
0xa5: {  	s6 =	ssub.s32 $0x0, s20;
	[sflag:s22] =	ssyncset.done $0x0  }
0xa6: {  	[sflag:s22] =	ssyncadd.s32 s6;
	_ =	sdelay $0x1  }
0xa7: {  	s23 =	simm.s32 $0x1B8B  }
0xa8: {  	_ =	swait.ge [sflag:s23], $0x1  }
0xa9: {  	[sflag:s23] =	ssyncset.done $0x0  }
0xaa: {  	s25 =	simm.s32 $0x1B8E;
	s24 =	sld [smem:$0x3FFE];
	[sflag:s23] =	ssyncadd.s32 $0xFFFFFFFF  }
0xab: {  	s26 =	simm.s32 $execute0_lowered;
	[smem:$0x3FD2] =	sst s25  }
0xac: {  	s7 =	sshll.u32 s26, $0x1;
	_ =	strace $0x80000046;
	[dreg:$0x1] =	wrdreg $0xFFFFFFFF  }
0xad: {  	s28 =	simm.s32 $_size_execute0_lowered;
	s5 =	sadd.s32 s5, s7;
	[dreg:$0x0] =	wrdreg $0x0  }
0xae: {  	s7 =	sshll.u32 s28, $0x1;
	[dreg:$0x2] =	wrdreg s5  }
0xaf: {  	[dreg:$0x3] =	wrdreg s7  }
0xb0: {  	[dreg:$0x4] =	wrdreg $0xC0  }
0xb1: {  	_ =	task [dreg:s9], $0x5FFFF  }
0xb2: {  	[dreg:$0x1] =	wrdreg $0xFFFFFFFF  }
0xb3: {  	[dreg:$0x0] =	wrdreg $0x60  }
0xb4: {  	[dreg:$0x2] =	wrdreg s15  }
0xb5: {  	[dreg:$0x3] =	wrdreg s24  }
0xb6: {  	[dreg:$0x4] =	wrdreg s16  }
0xb7: {  	[dreg:$0x5] =	wrdreg s17  }
0xb8: {  	[dreg:$0x6] =	wrdreg $0x9  }
0xb9: {  	_ =	task.clear_ibuf [dreg:s9], $0x7FFFF;
	_ =	strace $0x90000046  }
0xba: {  	s29 =	simm.s32 $0x9;
	_ =	strace $0x80000048  }
0xbb: {  	_ =	swait.ge [sflag:s29], $0x1  }
0xbc: {  	[sflag:s29] =	ssyncadd.s32 $0xFFFFFFFF  }
0xbd: {  	_ =	strace $0x90000048  }
0xbe: {  	_ =	sfence  }
0xbf: {  	s30 =	sld [smem:$0x0];
	_ =	sdelay $0x2  }
0xc0: {  	s31 =	sshll.u32 s1, $0xD;
	s1 =	sshrl.u32 s1, $0x2  }
0xc1: {  	s3 =	sand.u32 $0x4000, s31;
	s1 =	sadd.s32 s1, s30  }
0xc2: {  	s0 =	sor.u32 s3, s0;
	s1 =	sshll.u32 s1, $0x11  }
0xc3: {  	s0 =	sor.u32 s1, s0  }
0xc4: {  	s0 =	sadd.s32 $0x8F2B, s0  }
0xc5: {  	[sflag:s0] =	ssyncadd.remote.s32 $0x1  }
0xc6: {  	_ =	sfence.sel $0xFFFF  }
0xc7: {  	[dreg:$0x0] =	wrdreg $0xFFFFFFFF;
	(pc) =	sbr.abs _section_cstart, $3  }
0xc8: {  	[dreg:$0x1] =	wrdreg $0xFFFFFFFF  }
0xc9: {  	_ =	task.clear_ibuf [dreg:s9], $0x2FFFF;
	_ =	strace $0x9FFFFFFF  }
0xca: {  	(tm) =	ssettm $0x7FFFFFFF  }
0xcb: {  	_ =	shalt  }
tec
execute0_lowered:
.L_overlay_start_1:
0x0: {  	(tag) =	ssettag $0x1  }
0x1: {  	s4 =	rddreg [dreg:$0x0]  }
0x2: {  	s5 =	rddreg [dreg:$0x1]  }
0x3: {  	s6 =	rddreg [dreg:$0x2]  }
0x4: {  	s8 =	rddreg [dreg:$0x3];
	s2 =	srdreg.scid  }
0x5: {  	s0 =	rddreg [dreg:$0x4];
	s1 =	stileid.u32;
	s12 =	simm.s32 $0x2  }
0x6: {  	s13 =	simm.s32 $0x600;
	s14 =	simm.s32 $0x800;
	s15 =	simm.s32 $0x1  }
0x7: {  	s16 =	simm.s32 $0x0;
	s7 =	sand.u32 $0x1, s2;
	s2 =	simm.s32 $0x0  }
0x8: {  	s3 =	sshll.u32 s1, $0x8;
	s9 =	sshll.u32 s7, $0x7;
	s7 =	ssub.s32 $0x2, s7  }
0x9: {  	[smem:$0x7FF] =	sst s2;
	s3 =	sor.u32 s9, s3;
	s10 =	sshrl.u32 s7, $0x1  }
0xa: {  	_ =	strace $0x80000047;
	s9 =	sshrl.u32 s3, $0x1;
	s10 =	ssub.s32 s7, s10  }
0xb: {  	s11 =	sadd.s32 s9, s5;
	s4 =	sadd.s32 s4, s9;
	s6 =	sadd.s32 s6, s9  }
0xc: {  	v0 =	vlaneseq.u32;
	s8 =	sadd.s32 s8, s9;
	s9 =	smax.u32 s10, $0x1;
	s10 =	simm.s32 $0x200  }
0xd: {  	v0 =	vadd.s32 $0x2, v0;
	s5 =	sadd.s32 $0x1400, s11;
	s7 =	sadd.s32 $0x1C00, s11;
	s11 =	simm.s32 $0x400  }
.LBB2_1:
0xe: {  	v1 =	vadd.s32 s3, v0  }
0xf: {  	s17 =	sadd.s32 $0x3000, s3;
	s18 =	sadd.s32 $0x1000, s3;
	s31 =	sadd.s32 $0x2000, s3;
	v2 =	vshrl.u32 v1, $0x13  }
0x10: {  	v3 =	vadd.s32 s17, v0;
	v4 =	vadd.s32 s18, v0;
	v7 =	vadd.s32 s31, v0  }
0x11: {  	v13 =	vshll.u32 v1, $0xD;
	v5 =	vshrl.u32 v3, $0x13;
	v6 =	vshll.u32 v3, $0xD  }
0x12: {  	v8 =	vshrl.u32 v4, $0x13;
	v9 =	vshrl.u32 v7, $0x13;
	v10 =	vshll.u32 v7, $0xD  }
0x13: {  	v2 =	vor.u32 v2, v13;
	v5 =	vor.u32 v5, v6;
	v6 =	vshll.u32 v4, $0xD  }
0x14: {  	v2 =	vxor.u32 v1, v2;
	v5 =	vxor.u32 v3, v5;
	v6 =	vor.u32 v8, v6  }
0x15: {  	v8 =	vor.u32 v9, v10;
	v11 =	vshrl.u32 v5, $0x11;
	v12 =	vshll.u32 v5, $0xF  }
0x16: {  	v41 =	vshrl.u32 v2, $0x11;
	v3 =	vadd.s32 v3, v5;
	v5 =	vor.u32 v11, v12  }
0x17: {  	v14 =	vshll.u32 v2, $0xF;
	v1 =	vadd.s32 v1, v2;
	v5 =	vxor.u32 v5, v3  }
0x18: {  	v6 =	vxor.u32 v4, v6;
	v34 =	vshrl.u32 v5, $0x6;
	v35 =	vshll.u32 v5, $0x1A  }
0x19: {  	v8 =	vxor.u32 v7, v8;
	v3 =	vadd.s32 v3, v5;
	v5 =	vor.u32 v34, v35  }
0x1a: {  	v36 =	vshrl.u32 v6, $0x11;
	v39 =	vshll.u32 v6, $0xF;
	v5 =	vxor.u32 v5, v3  }
0x1b: {  	v40 =	vshrl.u32 v8, $0x11;
	v37 =	vshrl.u32 v5, $0x1A;
	v38 =	vshll.u32 v5, $0x6  }
0x1c: {  	v42 =	vshll.u32 v8, $0xF;
	v3 =	vadd.s32 v3, v5;
	v5 =	vor.u32 v37, v38  }
0x1d: {  	v11 =	vor.u32 v41, v14;
	v4 =	vadd.s32 v4, v6;
	v5 =	vxor.u32 v5, v3  }
0x1e: {  	v7 =	vadd.s32 v7, v8;
	v9 =	vor.u32 v36, v39;
	v5 =	vadd.s32 $0x1BD11BD9, v5  }
0x1f: {  	v3 =	vadd.s32 v5, v3;
	v15 =	vshrl.u32 v5, $0xF;
	v5 =	vshll.u32 v5, $0x11  }
0x20: {  	v10 =	vor.u32 v40, v42;
	v3 =	vadd.s32 $0x2, v3;
	v5 =	vor.u32 v15, v5  }
0x21: {  	v45 =	vxor.u32 v11, v1;
	v2 =	vxor.u32 v9, v4;
	v5 =	vxor.u32 v5, v3  }
0x22: {  	v51 =	vshrl.u32 v45, $0x6;
	v6 =	vshrl.u32 v5, $0x3;
	v43 =	vshll.u32 v5, $0x1D  }
0x23: {  	v52 =	vshll.u32 v45, $0x1A;
	v3 =	vadd.s32 v3, v5;
	v5 =	vor.u32 v6, v43  }
0x24: {  	v1 =	vadd.s32 v1, v45;
	v46 =	vshll.u32 v2, $0x1A;
	v5 =	vxor.u32 v5, v3  }
0x25: {  	v53 =	vor.u32 v51, v52;
	v8 =	vshrl.u32 v5, $0x10;
	v44 =	vshll.u32 v5, $0x10  }
0x26: {  	v6 =	vxor.u32 v10, v7;
	v3 =	vadd.s32 v3, v5;
	v5 =	vor.u32 v8, v44  }
0x27: {  	v47 =	vshrl.u32 v6, $0x6;
	v8 =	vshrl.u32 v2, $0x6;
	v5 =	vxor.u32 v5, v3  }
0x28: {  	v2 =	vadd.s32 v4, v2;
	v48 =	vshrl.u32 v5, $0x8;
	v49 =	vshll.u32 v5, $0x18  }
0x29: {  	v8 =	vor.u32 v8, v46;
	v3 =	vadd.s32 v3, v5;
	v5 =	vor.u32 v48, v49  }
0x2a: {  	v50 =	vshll.u32 v6, $0x1A;
	v8 =	vxor.u32 v8, v2;
	v5 =	vxor.u32 v5, v3  }
0x2b: {  	v11 =	vor.u32 v47, v50;
	v55 =	vshrl.u32 v8, $0x1A;
	v5 =	vadd.s32 $0x2, v5  }
0x2c: {  	v3 =	vadd.s32 v5, v3;
	v54 =	vshrl.u32 v5, $0x13;
	v5 =	vshll.u32 v5, $0xD  }
0x2d: {  	v58 =	vshll.u32 v8, $0x6;
	v3 =	vadd.s32 $0x1BD11BD8, v3;
	v5 =	vor.u32 v54, v5  }
0x2e: {  	v2 =	vadd.s32 v2, v8;
	v9 =	vor.u32 v55, v58;
	v4 =	vxor.u32 v5, v3  }
0x2f: {  	v5 =	vadd.s32 v7, v6;
	v6 =	vshrl.u32 v4, $0x11;
	v7 =	vshll.u32 v4, $0xF  }
0x30: {  	v3 =	vadd.s32 v3, v4;
	v4 =	vor.u32 v6, v7;
	v6 =	vxor.u32 v11, v5  }
0x31: {  	v7 =	vxor.u32 v53, v1;
	v4 =	vxor.u32 v4, v3;
	v59 =	vshrl.u32 v6, $0x1A  }
0x32: {  	v60 =	vshrl.u32 v7, $0x1A;
	v16 =	vshll.u32 v7, $0x6;
	v1 =	vadd.s32 v1, v7  }
0x33: {  	v56 =	vshrl.u32 v4, $0x6;
	v57 =	vshll.u32 v4, $0x1A;
	v11 =	vor.u32 v60, v16  }
0x34: {  	v3 =	vadd.s32 v3, v4;
	v4 =	vor.u32 v56, v57;
	v7 =	vxor.u32 v11, v1  }
0x35: {  	v61 =	vshll.u32 v6, $0x6;
	v4 =	vxor.u32 v4, v3;
	v7 =	vadd.s32 $0x1BD11BD9, v7  }
0x36: {  	v62 =	vshrl.u32 v4, $0x1A;
	v63 =	vshll.u32 v4, $0x6;
	v3 =	vadd.s32 v3, v4  }
0x37: {  	v1 =	vadd.s32 v7, v1;
	v26 =	vshrl.u32 v7, $0xF;
	v7 =	vshll.u32 v7, $0x11  }
0x38: {  	v4 =	vor.u32 v62, v63;
	v1 =	vadd.s32 $0x2, v1;
	v7 =	vor.u32 v26, v7  }
0x39: {  	v5 =	vadd.s32 v5, v6;
	v4 =	vxor.u32 v4, v3;
	v7 =	vxor.u32 v7, v1  }
0x3a: {  	v10 =	vor.u32 v59, v61;
	v4 =	vadd.s32 $0x5, v4;
	v36 =	vshrl.u32 v7, $0x3  }
0x3b: {  	v39 =	vshll.u32 v7, $0x1D;
	v1 =	vadd.s32 v1, v7;
	v6 =	vshrl.u32 v4, $0xF  }
0x3c: {  	v8 =	vshll.u32 v4, $0x11;
	v3 =	vadd.s32 v3, v4;
	v40 =	vor.u32 v36, v39  }
0x3d: {  	v4 =	vor.u32 v6, v8;
	v6 =	vxor.u32 v9, v2;
	v8 =	vxor.u32 v10, v5  }
0x3e: {  	v7 =	vxor.u32 v40, v1;
	v4 =	vxor.u32 v4, v3;
	v6 =	vadd.s32 $0x1BD11BD9, v6  }
0x3f: {  	v8 =	vadd.s32 $0x1BD11BD9, v8;
	v11 =	vshrl.u32 v7, $0x10;
	v44 =	vshll.u32 v7, $0x10  }
0x40: {  	v1 =	vadd.s32 v1, v7;
	v18 =	vshrl.u32 v4, $0x3;
	v19 =	vshll.u32 v4, $0x1D  }
0x41: {  	v3 =	vadd.s32 v3, v4;
	v2 =	vadd.s32 v6, v2;
	v22 =	vshrl.u32 v6, $0xF  }
0x42: {  	v6 =	vshll.u32 v6, $0x11;
	v5 =	vadd.s32 v8, v5;
	v23 =	vshrl.u32 v8, $0xF  }
0x43: {  	v8 =	vshll.u32 v8, $0x11;
	v4 =	vor.u32 v18, v19;
	v2 =	vadd.s32 $0x2, v2  }
0x44: {  	v6 =	vor.u32 v22, v6;
	v5 =	vadd.s32 $0x2, v5;
	v8 =	vor.u32 v23, v8  }
0x45: {  	v4 =	vxor.u32 v4, v3;
	v6 =	vxor.u32 v6, v2;
	v8 =	vxor.u32 v8, v5  }
0x46: {  	v20 =	vshrl.u32 v4, $0x10;
	v21 =	vshll.u32 v4, $0x10;
	v3 =	vadd.s32 v3, v4  }
0x47: {  	v32 =	vshrl.u32 v6, $0x3;
	v33 =	vshll.u32 v6, $0x1D;
	v34 =	vshrl.u32 v8, $0x3  }
0x48: {  	v35 =	vshll.u32 v8, $0x1D;
	v2 =	vadd.s32 v2, v6;
	v5 =	vadd.s32 v5, v8  }
0x49: {  	v4 =	vor.u32 v20, v21;
	v9 =	vor.u32 v32, v33;
	v10 =	vor.u32 v34, v35  }
0x4a: {  	v4 =	vxor.u32 v4, v3;
	v6 =	vxor.u32 v9, v2;
	v8 =	vxor.u32 v10, v5  }
0x4b: {  	v24 =	vshrl.u32 v4, $0x8;
	v25 =	vshll.u32 v4, $0x18;
	v3 =	vadd.s32 v3, v4  }
0x4c: {  	v9 =	vshrl.u32 v6, $0x10;
	v41 =	vshll.u32 v6, $0x10;
	v42 =	vshrl.u32 v8, $0x10  }
0x4d: {  	v2 =	vadd.s32 v2, v6;
	v4 =	vor.u32 v24, v25;
	v9 =	vor.u32 v9, v41  }
0x4e: {  	v43 =	vshll.u32 v8, $0x10;
	v4 =	vxor.u32 v4, v3;
	v6 =	vxor.u32 v9, v2  }
0x4f: {  	v5 =	vadd.s32 v5, v8;
	v4 =	vadd.s32 $0x1BD11BDC, v4;
	v8 =	vshrl.u32 v6, $0x8  }
0x50: {  	v9 =	vshll.u32 v6, $0x18;
	v2 =	vadd.s32 v2, v6;
	v3 =	vadd.s32 v4, v3  }
0x51: {  	v27 =	vshrl.u32 v4, $0x13;
	v4 =	vshll.u32 v4, $0xD;
	v8 =	vor.u32 v8, v9  }
0x52: {  	v3 =	vadd.s32 $0x2, v3;
	v4 =	vor.u32 v27, v4;
	v6 =	vxor.u32 v8, v2  }
0x53: {  	[tilespmem:s2], [sflag:$0x2] =	stream.linear.gather [hbm4b:s4+s2], $0x200, $0x38;
	v45 =	vor.u32 v42, v43;
	v4 =	vxor.u32 v4, v3;
	v6 =	vadd.s32 $0x2, v6;
	[tilespmem:$0xA00] =	vst v63  }
0x54: {  	v28 =	vshrl.u32 v4, $0x11;
	v29 =	vshll.u32 v4, $0xF;
	v3 =	vadd.s32 v3, v4  }
0x55: {  	[tilespmem:s10], [sflag:$0x2] =	stream.linear.gather [hbm4b:s5+s2], $0x200, $0x38;
	v2 =	vadd.s32 v6, v2;
	v8 =	vshrl.u32 v6, $0x13;
	v6 =	vshll.u32 v6, $0xD;
	[tilespmem:$0xA00] =	vst v63  }
0x56: {  	v4 =	vor.u32 v28, v29;
	v2 =	vadd.s32 $0x1BD11BD8, v2;
	v6 =	vor.u32 v8, v6  }
0x57: {  	[tilespmem:s11], [sflag:$0x2] =	stream.linear.gather [hbm4b:s6+s2], $0x200, $0x38;
	v7 =	vxor.u32 v45, v5;
	v4 =	vxor.u32 v4, v3;
	v6 =	vxor.u32 v6, v2;
	[tilespmem:$0xA00] =	vst v63  }
0x58: {  	_ =	swait.ge [sflag:s12], $0x200;
	v30 =	vshrl.u32 v4, $0x6;
	v31 =	vshll.u32 v4, $0x1A;
	v3 =	vadd.s32 v3, v4  }
0x59: {  	[sflag:s12] =	ssyncset.done $0x0;
	v8 =	vshrl.u32 v6, $0x11;
	v52 =	vshll.u32 v6, $0xF;
	v4 =	vor.u32 v30, v31  }
0x5a: {  	[sflag:s12] =	ssyncadd.s32 $0xFFFFFE00;
	v2 =	vadd.s32 v2, v6;
	v8 =	vor.u32 v8, v52;
	v4 =	vxor.u32 v4, v3  }
0x5b: {  	_ =	swait.ge [sflag:s12], $0x200;
	v6 =	vxor.u32 v8, v2;
	v37 =	vshrl.u32 v4, $0x1A;
	v38 =	vshll.u32 v4, $0x6  }
0x5c: {  	[sflag:s12] =	ssyncset.done $0x0;
	v3 =	vadd.s32 v3, v4;
	v8 =	vshrl.u32 v6, $0x6;
	v58 =	vshll.u32 v6, $0x1A  }
0x5d: {  	[sflag:s12] =	ssyncadd.s32 $0xFFFFFE00;
	v2 =	vadd.s32 v2, v6;
	v4 =	vor.u32 v37, v38;
	v8 =	vor.u32 v8, v58  }
0x5e: {  	_ =	swait.ge [sflag:s12], $0x200;
	v4 =	vxor.u32 v4, v3;
	v3 =	vadd.s32 $0x1BD11BD8, v3;
	v6 =	vxor.u32 v8, v2  }
0x5f: {  	[sflag:s12] =	ssyncset.done $0x0;
	v4 =	vadd.s32 $0x5, v4;
	v8 =	vshrl.u32 v6, $0x1A;
	v63 =	vshll.u32 v6, $0x6  }
0x60: {  	s17 =	simm.s32 $0x0;
	[sflag:s12] =	ssyncadd.s32 $0xFFFFFE00;
	v2 =	vadd.s32 v2, v6;
	v3 =	vxor.u32 v3, v4;
	v8 =	vor.u32 v8, v63  }
0x61: {  	v10 =	vshrl.u32 v7, $0x8;
	v4 =	vld [tilespmem:s17+$0x180];
	v3 =	vshrl.u32 v3, $0x9;
	v6 =	vxor.u32 v8, v2  }
0x62: {  	v48 =	vshll.u32 v7, $0x18;
	v3 =	vor.u32 $0x3F800000, v3;
	v6 =	vadd.s32 $0x5, v6  }
0x63: {  	v3 =	vadd.f32 $-1.000000000e+00, v3;
	v8 =	vshrl.u32 v6, $0xF;
	v20 =	vshll.u32 v6, $0x11  }
0x64: {  	v49 =	vor.u32 v10, v48;
	v2 =	vadd.s32 v2, v6;
	v8 =	vor.u32 v8, v20  }
0x65: {  	vm0 =	vlt.f32 v3, $5.000000000e-01;
	v3 =	vor.u32 v11, v44;
	v6 =	vxor.u32 v8, v2  }
0x66: {  	v4 =	vnsel vm0, $0x0, v4;
	v3 =	vxor.u32 v3, v1;
	v8 =	vshrl.u32 v6, $0x3  }
0x67: {  	v26 =	vshll.u32 v6, $0x1D;
	v2 =	vadd.s32 v2, v6;
	v46 =	vshrl.u32 v3, $0x8  }
0x68: {  	v47 =	vshll.u32 v3, $0x18;
	v1 =	vadd.s32 v1, v3;
	v3 =	vadd.s32 v5, v7  }
0x69: {  	v8 =	vor.u32 v8, v26;
	v11 =	vor.u32 v46, v47;
	v7 =	vxor.u32 v49, v3  }
0x6a: {  	v6 =	vxor.u32 v8, v2;
	v5 =	vxor.u32 v11, v1;
	v7 =	vadd.s32 $0x2, v7  }
0x6b: {  	v8 =	vshrl.u32 v6, $0x10;
	v31 =	vshll.u32 v6, $0x10;
	v2 =	vadd.s32 v2, v6  }
0x6c: {  	v5 =	vadd.s32 $0x2, v5;
	v3 =	vadd.s32 v7, v3;
	v50 =	vshrl.u32 v7, $0x13  }
0x6d: {  	v7 =	vshll.u32 v7, $0xD;
	v8 =	vor.u32 v8, v31;
	v1 =	vadd.s32 v5, v1  }
0x6e: {  	v51 =	vshrl.u32 v5, $0x13;
	v5 =	vshll.u32 v5, $0xD;
	v3 =	vadd.s32 $0x1BD11BD8, v3  }
0x6f: {  	v7 =	vor.u32 v50, v7;
	v6 =	vxor.u32 v8, v2;
	v1 =	vadd.s32 $0x1BD11BD8, v1  }
0x70: {  	v5 =	vor.u32 v51, v5;
	v7 =	vxor.u32 v7, v3;
	v8 =	vshrl.u32 v6, $0x8  }
0x71: {  	v36 =	vshll.u32 v6, $0x18;
	v2 =	vadd.s32 v2, v6;
	v5 =	vxor.u32 v5, v1  }
0x72: {  	v53 =	vshrl.u32 v7, $0x11;
	v56 =	vshll.u32 v7, $0xF;
	v3 =	vadd.s32 v3, v7  }
0x73: {  	v8 =	vor.u32 v8, v36;
	v54 =	vshrl.u32 v5, $0x11;
	v55 =	vshll.u32 v5, $0xF  }
0x74: {  	v57 =	vor.u32 v53, v56;
	v1 =	vadd.s32 v1, v5;
	v6 =	vxor.u32 v8, v2  }
0x75: {  	v11 =	vor.u32 v54, v55;
	v7 =	vxor.u32 v57, v3;
	v6 =	vadd.s32 $0x1BD11BDC, v6  }
0x76: {  	v5 =	vxor.u32 v11, v1;
	v59 =	vshrl.u32 v7, $0x6;
	v61 =	vshll.u32 v7, $0x1A  }
0x77: {  	v3 =	vadd.s32 v3, v7;
	v2 =	vadd.s32 v6, v2;
	v8 =	vshrl.u32 v6, $0x13  }
0x78: {  	v6 =	vshll.u32 v6, $0xD;
	v11 =	vshrl.u32 v5, $0x6;
	v60 =	vshll.u32 v5, $0x1A  }
0x79: {  	v62 =	vor.u32 v59, v61;
	v1 =	vadd.s32 v1, v5;
	v11 =	vor.u32 v11, v60  }
0x7a: {  	v2 =	vadd.s32 $0x2, v2;
	v7 =	vxor.u32 v62, v3;
	v5 =	vxor.u32 v11, v1  }
0x7b: {  	v16 =	vshrl.u32 v7, $0x1A;
	v18 =	vshll.u32 v7, $0x6;
	v3 =	vadd.s32 v3, v7  }
0x7c: {  	v11 =	vshrl.u32 v5, $0x1A;
	v17 =	vshll.u32 v5, $0x6;
	v19 =	vor.u32 v16, v18  }
0x7d: {  	v1 =	vadd.s32 v1, v5;
	v11 =	vor.u32 v11, v17;
	v7 =	vxor.u32 v19, v3  }
0x7e: {  	v6 =	vor.u32 v8, v6;
	v5 =	vxor.u32 v11, v1;
	v7 =	vadd.s32 $0x5, v7  }
0x7f: {  	v5 =	vadd.s32 $0x5, v5;
	v21 =	vshrl.u32 v7, $0xF;
	v24 =	vshll.u32 v7, $0x11  }
0x80: {  	v3 =	vadd.s32 v3, v7;
	v22 =	vshrl.u32 v5, $0xF;
	v23 =	vshll.u32 v5, $0x11  }
0x81: {  	v25 =	vor.u32 v21, v24;
	v1 =	vadd.s32 v1, v5;
	v11 =	vor.u32 v22, v23  }
0x82: {  	v6 =	vxor.u32 v6, v2;
	v7 =	vxor.u32 v25, v3;
	v5 =	vxor.u32 v11, v1  }
0x83: {  	v27 =	vshrl.u32 v7, $0x3;
	v29 =	vshll.u32 v7, $0x1D;
	v3 =	vadd.s32 v3, v7  }
0x84: {  	v11 =	vshrl.u32 v5, $0x3;
	v28 =	vshll.u32 v5, $0x1D;
	v30 =	vor.u32 v27, v29  }
0x85: {  	v1 =	vadd.s32 v1, v5;
	v11 =	vor.u32 v11, v28;
	v7 =	vxor.u32 v30, v3  }
0x86: {  	v5 =	vxor.u32 v11, v1;
	v32 =	vshrl.u32 v7, $0x10;
	v34 =	vshll.u32 v7, $0x10  }
0x87: {  	v3 =	vadd.s32 v3, v7;
	v11 =	vshrl.u32 v5, $0x10;
	v33 =	vshll.u32 v5, $0x10  }
0x88: {  	v35 =	vor.u32 v32, v34;
	v1 =	vadd.s32 v1, v5;
	v11 =	vor.u32 v11, v33  }
0x89: {  	v8 =	vshrl.u32 v6, $0x11;
	v7 =	vxor.u32 v35, v3;
	v5 =	vxor.u32 v11, v1  }
0x8a: {  	v37 =	vshrl.u32 v7, $0x8;
	v39 =	vshll.u32 v7, $0x18;
	v3 =	vadd.s32 v3, v7  }
0x8b: {  	v11 =	vshrl.u32 v5, $0x8;
	v38 =	vshll.u32 v5, $0x18;
	v40 =	vor.u32 v37, v39  }
0x8c: {  	v1 =	vadd.s32 v1, v5;
	v11 =	vor.u32 v11, v38;
	v7 =	vxor.u32 v40, v3  }
0x8d: {  	v43 =	vshll.u32 v6, $0xF;
	v5 =	vxor.u32 v11, v1;
	v7 =	vadd.s32 $0x1BD11BDC, v7  }
0x8e: {  	v2 =	vadd.s32 v2, v6;
	v5 =	vadd.s32 $0x1BD11BDC, v5;
	v3 =	vadd.s32 v7, v3  }
0x8f: {  	v41 =	vshrl.u32 v7, $0x13;
	v7 =	vshll.u32 v7, $0xD;
	v1 =	vadd.s32 v5, v1  }
0x90: {  	v42 =	vshrl.u32 v5, $0x13;
	v5 =	vshll.u32 v5, $0xD;
	v3 =	vadd.s32 $0x2, v3  }
0x91: {  	v7 =	vor.u32 v41, v7;
	v1 =	vadd.s32 $0x2, v1;
	v5 =	vor.u32 v42, v5  }
0x92: {  	v8 =	vor.u32 v8, v43;
	v7 =	vxor.u32 v7, v3;
	v5 =	vxor.u32 v5, v1  }
0x93: {  	v44 =	vshrl.u32 v7, $0x11;
	v47 =	vshll.u32 v7, $0xF;
	v3 =	vadd.s32 v3, v7  }
0x94: {  	v7 =	vxor.u32 v8, v2;
	v45 =	vshrl.u32 v5, $0x11;
	v46 =	vshll.u32 v5, $0xF  }
0x95: {  	v48 =	vor.u32 v44, v47;
	v5 =	vadd.s32 v1, v5;
	v1 =	vshrl.u32 v7, $0x6  }
0x96: {  	v49 =	vshll.u32 v7, $0x1A;
	v11 =	vor.u32 v45, v46;
	v8 =	vxor.u32 v48, v3  }
0x97: {  	v9 =	vor.u32 v1, v49;
	v6 =	vxor.u32 v11, v5;
	v50 =	vshrl.u32 v8, $0x6  }
0x98: {  	v52 =	vshll.u32 v8, $0x1A;
	v11 =	vshrl.u32 v6, $0x6;
	v51 =	vshll.u32 v6, $0x1A  }
0x99: {  	v10 =	vor.u32 v50, v52;
	v5 =	vadd.s32 v5, v6;
	v6 =	vadd.s32 v2, v7  }
0x9a: {  	v7 =	vadd.s32 v3, v8;
	v11 =	vor.u32 v11, v51;
	v9 =	vxor.u32 v9, v6  }
0x9b: {  	v10 =	vxor.u32 v10, v7;
	v8 =	vxor.u32 v11, v5;
	v53 =	vshrl.u32 v9, $0x1A  }
0x9c: {  	v54 =	vshll.u32 v9, $0x6;
	v56 =	vshrl.u32 v10, $0x1A;
	v18 =	vshll.u32 v10, $0x6  }
0x9d: {  	v63 =	vld [tilespmem:s17+$0x500];
	[tilespmem:s17+$0x980] =	vst v4;
	v6 =	vadd.s32 v6, v9;
	v4 =	vadd.s32 v7, v10;
	v57 =	vshrl.u32 v8, $0x1A  }
0x9e: {  	v55 =	vld [tilespmem:s17+$0x80];
	v58 =	vshll.u32 v8, $0x6;
	v11 =	vor.u32 v53, v54;
	v14 =	vor.u32 v56, v18  }
0x9f: {  	v59 =	vld [tilespmem:s17+$0x480];
	v5 =	vadd.s32 v5, v8;
	v15 =	vor.u32 v57, v58;
	v8 =	vxor.u32 v11, v6  }
0xa0: {  	v61 =	vld [tilespmem:s17+$0x380];
	v10 =	vxor.u32 v14, v4;
	v6 =	vadd.s32 $0x1BD11BD8, v6;
	v4 =	vadd.s32 $0x1BD11BD8, v4  }
0xa1: {  	v62 =	vld [tilespmem:s17+$0x580];
	v7 =	vxor.u32 v15, v5;
	v8 =	vadd.s32 $0x5, v8;
	v10 =	vadd.s32 $0x5, v10  }
0xa2: {  	v60 =	vld [tilespmem:s17+$0x100];
	v5 =	vadd.s32 $0x1BD11BD8, v5;
	v7 =	vadd.s32 $0x5, v7;
	v6 =	vxor.u32 v6, v8  }
0xa3: {  	v17 =	vld [tilespmem:s17+$0x280];
	v4 =	vxor.u32 v4, v10;
	v5 =	vxor.u32 v5, v7;
	v6 =	vshrl.u32 v6, $0x9  }
0xa4: {  	v8 =	vld [tilespmem:s17+$0x300];
	v4 =	vshrl.u32 v4, $0x9;
	v5 =	vshrl.u32 v5, $0x9;
	v6 =	vor.u32 $0x3F800000, v6  }
0xa5: {  	v4 =	vor.u32 $0x3F800000, v4;
	v5 =	vor.u32 $0x3F800000, v5;
	v6 =	vadd.f32 $-1.000000000e+00, v6  }
0xa6: {  	s19 =	sadd.s32 $0x10, s3;
	v7 =	vsel vm0, v62, v61;
	v4 =	vadd.f32 $-1.000000000e+00, v4;
	v5 =	vadd.f32 $-1.000000000e+00, v5  }
0xa7: {  	v1 =	vld [tilespmem:s17+$0x0];
	[tilespmem:s17+$0x780] =	vst v7;
	v7 =	vadd.s32 s19, v0;
	vm1 =	vlt.f32 v6, $5.000000000e-01  }
0xa8: {  	s20 =	simm.s32 $0x80;
	v2 =	vld [tilespmem:s17+$0x200];
	vm2 =	vlt.f32 v4, $5.000000000e-01;
	vm0 =	vlt.f32 v5, $5.000000000e-01;
	v5 =	vsel vm1, v59, v17  }
0xa9: {  	s18 =	simm.s32 $0x40;
	s21 =	sadd.s32 $0x1000, s19;
	s22 =	sadd.s32 $0x3000, s19;
	v3 =	vld [tilespmem:s17+$0x400];
	v4 =	vnsel vm1, $0x0, v55;
	v6 =	vsel vm2, v63, v8;
	[tilespmem:s17+$0x680] =	vst v5;
	v5 =	vnsel vm2, $0x0, v60  }
.LBB2_2:
0xaa: {  	p0 =	sne.s32 s20, $0x1C0;
	v8 =	vshrl.u32 v7, $0x13;
	v9 =	vadd.s32 s21, v0;
	s21 =	sadd.s32 $0x2000, s19;
	v10 =	vadd.s32 s22, v0;
	[tilespmem:s17+$0x880] =	vst v4  }
0xab: {  	v4 =	vadd.s32 s21, v0;
	v11 =	vshrl.u32 v10, $0x13;
	v12 =	vshll.u32 v10, $0xD;
	[tilespmem:s17+$0x700] =	vst v6  }
0xac: {  	v6 =	vshrl.u32 v9, $0x13;
	v13 =	vshll.u32 v9, $0xD;
	v11 =	vor.u32 v11, v12;
	[tilespmem:s17+$0x900] =	vst v5  }
0xad: {  	v5 =	vshrl.u32 v4, $0x13;
	v12 =	vshll.u32 v4, $0xD;
	v11 =	vxor.u32 v10, v11  }
0xae: {  	v14 =	vshll.u32 v7, $0xD;
	v15 =	vshrl.u32 v11, $0x11;
	v16 =	vshll.u32 v11, $0xF  }
0xaf: {  	v6 =	vor.u32 v6, v13;
	v10 =	vadd.s32 v10, v11;
	v11 =	vor.u32 v15, v16  }
0xb0: {  	v8 =	vor.u32 v8, v14;
	v5 =	vor.u32 v5, v12;
	v11 =	vxor.u32 v11, v10  }
0xb1: {  	v6 =	vxor.u32 v9, v6;
	v12 =	vshrl.u32 v11, $0x6;
	v13 =	vshll.u32 v11, $0x1A  }
0xb2: {  	v5 =	vxor.u32 v4, v5;
	v10 =	vadd.s32 v10, v11;
	v11 =	vor.u32 v12, v13  }
0xb3: {  	v8 =	vxor.u32 v7, v8;
	v12 =	vshrl.u32 v6, $0x11;
	v11 =	vxor.u32 v11, v10  }
0xb4: {  	v13 =	vshll.u32 v6, $0xF;
	v14 =	vshrl.u32 v11, $0x1A;
	v15 =	vshll.u32 v11, $0x6  }
0xb5: {  	v16 =	vshrl.u32 v5, $0x11;
	v10 =	vadd.s32 v10, v11;
	v11 =	vor.u32 v14, v15  }
0xb6: {  	v14 =	vshrl.u32 v8, $0x11;
	v15 =	vshll.u32 v5, $0xF;
	v11 =	vxor.u32 v11, v10  }
0xb7: {  	v17 =	vshll.u32 v8, $0xF;
	v12 =	vor.u32 v12, v13;
	v11 =	vadd.s32 $0x1BD11BD9, v11  }
0xb8: {  	v10 =	vadd.s32 v11, v10;
	v13 =	vshrl.u32 v11, $0xF;
	v11 =	vshll.u32 v11, $0x11  }
0xb9: {  	v15 =	vor.u32 v16, v15;
	v10 =	vadd.s32 $0x2, v10;
	v11 =	vor.u32 v13, v11  }
0xba: {  	v6 =	vadd.s32 v9, v6;
	v13 =	vor.u32 v14, v17;
	v9 =	vxor.u32 v11, v10  }
0xbb: {  	v4 =	vadd.s32 v4, v5;
	v5 =	vshrl.u32 v9, $0x3;
	v11 =	vshll.u32 v9, $0x1D  }
0xbc: {  	v7 =	vadd.s32 v7, v8;
	v8 =	vadd.s32 v10, v9;
	v5 =	vor.u32 v5, v11  }
0xbd: {  	v9 =	vxor.u32 v12, v6;
	v10 =	vxor.u32 v15, v4;
	v5 =	vxor.u32 v5, v8  }
0xbe: {  	v11 =	vxor.u32 v13, v7;
	v12 =	vshrl.u32 v5, $0x10;
	v13 =	vshll.u32 v5, $0x10  }
0xbf: {  	v14 =	vshrl.u32 v9, $0x6;
	v5 =	vadd.s32 v8, v5;
	v8 =	vor.u32 v12, v13  }
0xc0: {  	v12 =	vshll.u32 v9, $0x1A;
	v13 =	vshrl.u32 v10, $0x6;
	v8 =	vxor.u32 v8, v5  }
0xc1: {  	v15 =	vshll.u32 v10, $0x1A;
	v16 =	vshrl.u32 v8, $0x8;
	v17 =	vshll.u32 v8, $0x18  }
0xc2: {  	v18 =	vshrl.u32 v11, $0x6;
	v5 =	vadd.s32 v5, v8;
	v8 =	vor.u32 v16, v17  }
0xc3: {  	v12 =	vor.u32 v14, v12;
	v16 =	vshll.u32 v11, $0x1A;
	v8 =	vxor.u32 v8, v5  }
0xc4: {  	v13 =	vor.u32 v13, v15;
	v14 =	vor.u32 v18, v16;
	v8 =	vadd.s32 $0x2, v8  }
0xc5: {  	v5 =	vadd.s32 v8, v5;
	v15 =	vshrl.u32 v8, $0x13;
	v8 =	vshll.u32 v8, $0xD  }
0xc6: {  	v6 =	vadd.s32 v6, v9;
	v5 =	vadd.s32 $0x1BD11BD8, v5;
	v8 =	vor.u32 v15, v8  }
0xc7: {  	v4 =	vadd.s32 v4, v10;
	v7 =	vadd.s32 v7, v11;
	v8 =	vxor.u32 v8, v5  }
0xc8: {  	v9 =	vxor.u32 v12, v6;
	v10 =	vshrl.u32 v8, $0x11;
	v11 =	vshll.u32 v8, $0xF  }
0xc9: {  	v12 =	vxor.u32 v13, v4;
	v5 =	vadd.s32 v5, v8;
	v8 =	vor.u32 v10, v11  }
0xca: {  	v10 =	vxor.u32 v14, v7;
	v11 =	vshrl.u32 v9, $0x1A;
	v8 =	vxor.u32 v8, v5  }
0xcb: {  	v13 =	vshll.u32 v9, $0x6;
	v14 =	vshrl.u32 v8, $0x6;
	v15 =	vshll.u32 v8, $0x1A  }
0xcc: {  	v16 =	vshrl.u32 v12, $0x1A;
	v5 =	vadd.s32 v5, v8;
	v8 =	vor.u32 v14, v15  }
0xcd: {  	v14 =	vshrl.u32 v10, $0x1A;
	v15 =	vshll.u32 v12, $0x6;
	v8 =	vxor.u32 v8, v5  }
0xce: {  	v17 =	vshll.u32 v10, $0x6;
	v18 =	vshrl.u32 v8, $0x1A;
	v19 =	vshll.u32 v8, $0x6  }
0xcf: {  	v11 =	vor.u32 v11, v13;
	v5 =	vadd.s32 v5, v8;
	v8 =	vor.u32 v18, v19  }
0xd0: {  	v13 =	vor.u32 v14, v17;
	v14 =	vor.u32 v16, v15;
	v8 =	vxor.u32 v8, v5  }
0xd1: {  	v6 =	vadd.s32 v6, v9;
	v4 =	vadd.s32 v4, v12;
	v8 =	vadd.s32 $0x5, v8  }
0xd2: {  	v7 =	vadd.s32 v7, v10;
	v9 =	vshrl.u32 v8, $0xF;
	v10 =	vshll.u32 v8, $0x11  }
0xd3: {  	v11 =	vxor.u32 v11, v6;
	v5 =	vadd.s32 v5, v8;
	v8 =	vor.u32 v9, v10  }
0xd4: {  	v9 =	vxor.u32 v13, v7;
	v10 =	vxor.u32 v14, v4;
	v8 =	vxor.u32 v8, v5  }
0xd5: {  	v11 =	vadd.s32 $0x1BD11BD9, v11;
	v12 =	vshrl.u32 v8, $0x3;
	v13 =	vshll.u32 v8, $0x1D  }
0xd6: {  	v10 =	vadd.s32 $0x1BD11BD9, v10;
	v5 =	vadd.s32 v5, v8;
	v8 =	vor.u32 v12, v13  }
0xd7: {  	v6 =	vadd.s32 v11, v6;
	v9 =	vadd.s32 $0x1BD11BD9, v9;
	v8 =	vxor.u32 v8, v5  }
0xd8: {  	v12 =	vshrl.u32 v11, $0xF;
	v13 =	vshrl.u32 v8, $0x10;
	v14 =	vshll.u32 v8, $0x10  }
0xd9: {  	v11 =	vshll.u32 v11, $0x11;
	v5 =	vadd.s32 v5, v8;
	v8 =	vor.u32 v13, v14  }
0xda: {  	v4 =	vadd.s32 v10, v4;
	v13 =	vshrl.u32 v10, $0xF;
	v8 =	vxor.u32 v8, v5  }
0xdb: {  	v10 =	vshll.u32 v10, $0x11;
	v14 =	vshrl.u32 v8, $0x8;
	v15 =	vshll.u32 v8, $0x18  }
0xdc: {  	v7 =	vadd.s32 v9, v7;
	v5 =	vadd.s32 v5, v8;
	v8 =	vor.u32 v14, v15  }
0xdd: {  	v14 =	vshrl.u32 v9, $0xF;
	v9 =	vshll.u32 v9, $0x11;
	v8 =	vxor.u32 v8, v5  }
0xde: {  	v6 =	vadd.s32 $0x2, v6;
	v11 =	vor.u32 v12, v11;
	v8 =	vadd.s32 $0x1BD11BDC, v8  }
0xdf: {  	v5 =	vadd.s32 v8, v5;
	v12 =	vshrl.u32 v8, $0x13;
	v8 =	vshll.u32 v8, $0xD  }
0xe0: {  	v4 =	vadd.s32 $0x2, v4;
	v5 =	vadd.s32 $0x2, v5;
	v8 =	vor.u32 v12, v8  }
0xe1: {  	v7 =	vadd.s32 $0x2, v7;
	v10 =	vor.u32 v13, v10;
	v8 =	vxor.u32 v8, v5  }
0xe2: {  	v9 =	vor.u32 v14, v9;
	v12 =	vshrl.u32 v8, $0x11;
	v13 =	vshll.u32 v8, $0xF  }
0xe3: {  	v11 =	vxor.u32 v11, v6;
	v5 =	vadd.s32 v5, v8;
	v8 =	vor.u32 v12, v13  }
0xe4: {  	v10 =	vxor.u32 v10, v4;
	v9 =	vxor.u32 v9, v7;
	v8 =	vxor.u32 v8, v5  }
0xe5: {  	v12 =	vshrl.u32 v11, $0x3;
	v13 =	vshrl.u32 v8, $0x6;
	v14 =	vshll.u32 v8, $0x1A  }
0xe6: {  	v15 =	vshll.u32 v11, $0x1D;
	v5 =	vadd.s32 v5, v8;
	v8 =	vor.u32 v13, v14  }
0xe7: {  	v13 =	vshrl.u32 v10, $0x3;
	v14 =	vshll.u32 v10, $0x1D;
	v8 =	vxor.u32 v8, v5  }
0xe8: {  	v16 =	vshrl.u32 v9, $0x3;
	v17 =	vshrl.u32 v8, $0x1A;
	v18 =	vshll.u32 v8, $0x6  }
0xe9: {  	v19 =	vshll.u32 v9, $0x1D;
	v5 =	vadd.s32 v5, v8;
	v8 =	vor.u32 v17, v18  }
0xea: {  	v12 =	vor.u32 v12, v15;
	v13 =	vor.u32 v13, v14;
	v8 =	vxor.u32 v8, v5  }
0xeb: {  	v14 =	vor.u32 v16, v19;
	v5 =	vadd.s32 $0x1BD11BD8, v5;
	v8 =	vadd.s32 $0x5, v8  }
0xec: {  	s21 =	sshra.s32 s18, $0x2;
	s18 =	smov.u32 s20;
	v11 =	vadd.s32 v6, v11;
	v15 =	vadd.s32 v4, v10;
	v4 =	vxor.u32 v5, v8  }
0xed: {  	v9 =	vadd.s32 v7, v9;
	v12 =	vxor.u32 v12, v11;
	v10 =	vld [tilespmem:s21+$0x180];
	v5 =	vshrl.u32 v4, $0x9  }
0xee: {  	v14 =	vxor.u32 v14, v9;
	v13 =	vxor.u32 v13, v15;
	v4 =	vld [tilespmem:s21+$0x0];
	v6 =	vor.u32 $0x3F800000, v5  }
0xef: {  	v16 =	vshll.u32 v12, $0x10;
	v8 =	vshrl.u32 v12, $0x10;
	v5 =	vld [tilespmem:s21+$0x200];
	v17 =	vadd.f32 $-1.000000000e+00, v6  }
0xf0: {  	v18 =	vshrl.u32 v14, $0x10;
	v19 =	vshrl.u32 v13, $0x10;
	v20 =	vshll.u32 v13, $0x10;
	v6 =	vld [tilespmem:s21+$0x400]  }
0xf1: {  	v21 =	vshll.u32 v14, $0x10;
	v16 =	vor.u32 v8, v16;
	v7 =	vld [tilespmem:s21+$0x80];
	vm1 =	vlt.f32 v17, $5.000000000e-01  }
0xf2: {  	v17 =	vor.u32 v18, v21;
	v18 =	vor.u32 v19, v20;
	v8 =	vld [tilespmem:s21+$0x280];
	v19 =	vnsel vm1, $0x0, v10  }
0xf3: {  	v14 =	vadd.s32 v9, v14;
	v15 =	vadd.s32 v15, v13;
	v20 =	vadd.s32 v11, v12;
	v10 =	vld [tilespmem:s21+$0x480];
	[tilespmem:s21+$0x980] =	vst v19  }
0xf4: {  	v17 =	vxor.u32 v17, v14;
	v16 =	vxor.u32 v16, v20;
	v18 =	vxor.u32 v18, v15;
	v9 =	vld [tilespmem:s21+$0x100]  }
0xf5: {  	v13 =	vshrl.u32 v16, $0x8;
	v19 =	vshll.u32 v16, $0x18;
	v21 =	vshrl.u32 v18, $0x8;
	v11 =	vld [tilespmem:s21+$0x300]  }
0xf6: {  	v22 =	vshrl.u32 v17, $0x8;
	v23 =	vshll.u32 v17, $0x18;
	v24 =	vshll.u32 v18, $0x18;
	v12 =	vld [tilespmem:s21+$0x500]  }
0xf7: {  	v22 =	vor.u32 v22, v23;
	v19 =	vor.u32 v13, v19;
	v21 =	vor.u32 v21, v24;
	v13 =	vld [tilespmem:s21+$0x380]  }
0xf8: {  	v17 =	vadd.s32 v14, v17;
	v16 =	vadd.s32 v20, v16;
	v15 =	vadd.s32 v15, v18;
	v14 =	vld [tilespmem:s21+$0x580]  }
0xf9: {  	v18 =	vxor.u32 v22, v17;
	v19 =	vxor.u32 v19, v16;
	v20 =	vxor.u32 v21, v15  }
0xfa: {  	v18 =	vadd.s32 $0x2, v18;
	v19 =	vadd.s32 $0x2, v19;
	v20 =	vadd.s32 $0x2, v20  }
0xfb: {  	v16 =	vadd.s32 v19, v16;
	v21 =	vshrl.u32 v19, $0x13;
	v19 =	vshll.u32 v19, $0xD  }
0xfc: {  	v15 =	vadd.s32 v20, v15;
	v22 =	vshrl.u32 v20, $0x13;
	v20 =	vshll.u32 v20, $0xD  }
0xfd: {  	v17 =	vadd.s32 v18, v17;
	v23 =	vshrl.u32 v18, $0x13;
	v18 =	vshll.u32 v18, $0xD  }
0xfe: {  	v16 =	vadd.s32 $0x1BD11BD8, v16;
	v19 =	vor.u32 v21, v19;
	v15 =	vadd.s32 $0x1BD11BD8, v15  }
0xff: {  	v17 =	vadd.s32 $0x1BD11BD8, v17;
	v18 =	vor.u32 v23, v18;
	v20 =	vor.u32 v22, v20  }
0x100: {  	v18 =	vxor.u32 v18, v17;
	v19 =	vxor.u32 v19, v16;
	v20 =	vxor.u32 v20, v15  }
0x101: {  	v21 =	vshrl.u32 v19, $0x11;
	v22 =	vshll.u32 v19, $0xF;
	v23 =	vshrl.u32 v20, $0x11  }
0x102: {  	v24 =	vshrl.u32 v18, $0x11;
	v25 =	vshll.u32 v18, $0xF;
	v26 =	vshll.u32 v20, $0xF  }
0x103: {  	v24 =	vor.u32 v24, v25;
	v21 =	vor.u32 v21, v22;
	v22 =	vor.u32 v23, v26  }
0x104: {  	v17 =	vadd.s32 v17, v18;
	v16 =	vadd.s32 v16, v19;
	v15 =	vadd.s32 v15, v20  }
0x105: {  	v18 =	vxor.u32 v24, v17;
	v19 =	vxor.u32 v21, v16;
	v20 =	vxor.u32 v22, v15  }
0x106: {  	v21 =	vshrl.u32 v19, $0x6;
	v22 =	vshll.u32 v19, $0x1A;
	v23 =	vshrl.u32 v20, $0x6  }
0x107: {  	v24 =	vshrl.u32 v18, $0x6;
	v25 =	vshll.u32 v18, $0x1A;
	v26 =	vshll.u32 v20, $0x1A  }
0x108: {  	v24 =	vor.u32 v24, v25;
	v21 =	vor.u32 v21, v22;
	v22 =	vor.u32 v23, v26  }
0x109: {  	v17 =	vadd.s32 v17, v18;
	v16 =	vadd.s32 v16, v19;
	v15 =	vadd.s32 v15, v20  }
0x10a: {  	v18 =	vxor.u32 v24, v17;
	v19 =	vxor.u32 v21, v16;
	v20 =	vxor.u32 v22, v15  }
0x10b: {  	v21 =	vshrl.u32 v19, $0x1A;
	v22 =	vshll.u32 v19, $0x6;
	v23 =	vshrl.u32 v20, $0x1A  }
0x10c: {  	v24 =	vshrl.u32 v18, $0x1A;
	v25 =	vshll.u32 v18, $0x6;
	v26 =	vshll.u32 v20, $0x6  }
0x10d: {  	v24 =	vor.u32 v24, v25;
	v21 =	vor.u32 v21, v22;
	v22 =	vor.u32 v23, v26  }
0x10e: {  	v17 =	vadd.s32 v17, v18;
	v16 =	vadd.s32 v16, v19;
	v15 =	vadd.s32 v15, v20  }
0x10f: {  	v18 =	vxor.u32 v24, v17;
	v19 =	vxor.u32 v21, v16;
	v20 =	vxor.u32 v22, v15  }
0x110: {  	v18 =	vadd.s32 $0x5, v18;
	v19 =	vadd.s32 $0x5, v19;
	v20 =	vadd.s32 $0x5, v20  }
0x111: {  	v21 =	vshrl.u32 v19, $0xF;
	v22 =	vshll.u32 v19, $0x11;
	v23 =	vshrl.u32 v20, $0xF  }
0x112: {  	v24 =	vshrl.u32 v18, $0xF;
	v25 =	vshll.u32 v18, $0x11;
	v26 =	vshll.u32 v20, $0x11  }
0x113: {  	v24 =	vor.u32 v24, v25;
	v21 =	vor.u32 v21, v22;
	v22 =	vor.u32 v23, v26  }
0x114: {  	v17 =	vadd.s32 v17, v18;
	v16 =	vadd.s32 v16, v19;
	v15 =	vadd.s32 v15, v20  }
0x115: {  	v18 =	vxor.u32 v24, v17;
	v19 =	vxor.u32 v21, v16;
	v20 =	vxor.u32 v22, v15  }
0x116: {  	v21 =	vshrl.u32 v19, $0x3;
	v22 =	vshll.u32 v19, $0x1D;
	v23 =	vshrl.u32 v20, $0x3  }
0x117: {  	v24 =	vshrl.u32 v18, $0x3;
	v25 =	vshll.u32 v18, $0x1D;
	v26 =	vshll.u32 v20, $0x1D  }
0x118: {  	v24 =	vor.u32 v24, v25;
	v21 =	vor.u32 v21, v22;
	v22 =	vor.u32 v23, v26  }
0x119: {  	v17 =	vadd.s32 v17, v18;
	v16 =	vadd.s32 v16, v19;
	v15 =	vadd.s32 v15, v20  }
0x11a: {  	v18 =	vxor.u32 v24, v17;
	v19 =	vxor.u32 v21, v16;
	v20 =	vxor.u32 v22, v15  }
0x11b: {  	v21 =	vshrl.u32 v19, $0x10;
	v22 =	vshll.u32 v19, $0x10;
	v23 =	vshrl.u32 v20, $0x10  }
0x11c: {  	v24 =	vshrl.u32 v18, $0x10;
	v25 =	vshll.u32 v18, $0x10;
	v26 =	vshll.u32 v20, $0x10  }
0x11d: {  	v24 =	vor.u32 v24, v25;
	v21 =	vor.u32 v21, v22;
	v22 =	vor.u32 v23, v26  }
0x11e: {  	v17 =	vadd.s32 v17, v18;
	v16 =	vadd.s32 v16, v19;
	v15 =	vadd.s32 v15, v20  }
0x11f: {  	v18 =	vxor.u32 v24, v17;
	v19 =	vxor.u32 v21, v16;
	v20 =	vxor.u32 v22, v15  }
0x120: {  	v21 =	vshrl.u32 v19, $0x8;
	v22 =	vshll.u32 v19, $0x18;
	v23 =	vshrl.u32 v20, $0x8  }
0x121: {  	v24 =	vshrl.u32 v18, $0x8;
	v25 =	vshll.u32 v18, $0x18;
	v26 =	vshll.u32 v20, $0x18  }
0x122: {  	v24 =	vor.u32 v24, v25;
	v21 =	vor.u32 v21, v22;
	v22 =	vor.u32 v23, v26  }
0x123: {  	v17 =	vadd.s32 v17, v18;
	v16 =	vadd.s32 v16, v19;
	v15 =	vadd.s32 v15, v20  }
0x124: {  	v18 =	vxor.u32 v24, v17;
	v19 =	vxor.u32 v21, v16;
	v20 =	vxor.u32 v22, v15  }
0x125: {  	v18 =	vadd.s32 $0x1BD11BDC, v18;
	v19 =	vadd.s32 $0x1BD11BDC, v19;
	v20 =	vadd.s32 $0x1BD11BDC, v20  }
0x126: {  	v16 =	vadd.s32 v19, v16;
	v21 =	vshrl.u32 v19, $0x13;
	v19 =	vshll.u32 v19, $0xD  }
0x127: {  	v15 =	vadd.s32 v20, v15;
	v22 =	vshrl.u32 v20, $0x13;
	v20 =	vshll.u32 v20, $0xD  }
0x128: {  	v17 =	vadd.s32 v18, v17;
	v23 =	vshrl.u32 v18, $0x13;
	v18 =	vshll.u32 v18, $0xD  }
0x129: {  	v16 =	vadd.s32 $0x2, v16;
	v19 =	vor.u32 v21, v19;
	v15 =	vadd.s32 $0x2, v15  }
0x12a: {  	v17 =	vadd.s32 $0x2, v17;
	v18 =	vor.u32 v23, v18;
	v20 =	vor.u32 v22, v20  }
0x12b: {  	v18 =	vxor.u32 v18, v17;
	v19 =	vxor.u32 v19, v16;
	v20 =	vxor.u32 v20, v15  }
0x12c: {  	v21 =	vshrl.u32 v19, $0x11;
	v22 =	vshll.u32 v19, $0xF;
	v23 =	vshrl.u32 v20, $0x11  }
0x12d: {  	v24 =	vshrl.u32 v18, $0x11;
	v25 =	vshll.u32 v18, $0xF;
	v26 =	vshll.u32 v20, $0xF  }
0x12e: {  	v24 =	vor.u32 v24, v25;
	v21 =	vor.u32 v21, v22;
	v22 =	vor.u32 v23, v26  }
0x12f: {  	v17 =	vadd.s32 v17, v18;
	v16 =	vadd.s32 v16, v19;
	v15 =	vadd.s32 v15, v20  }
0x130: {  	v18 =	vxor.u32 v24, v17;
	v19 =	vxor.u32 v21, v16;
	v20 =	vxor.u32 v22, v15  }
0x131: {  	v21 =	vshrl.u32 v19, $0x6;
	v22 =	vshll.u32 v19, $0x1A;
	v23 =	vshrl.u32 v20, $0x6  }
0x132: {  	v24 =	vshrl.u32 v18, $0x6;
	v25 =	vshll.u32 v18, $0x1A;
	v26 =	vshll.u32 v20, $0x1A  }
0x133: {  	v24 =	vor.u32 v24, v25;
	v21 =	vor.u32 v21, v22;
	v22 =	vor.u32 v23, v26  }
0x134: {  	v17 =	vadd.s32 v17, v18;
	v16 =	vadd.s32 v16, v19;
	v15 =	vadd.s32 v15, v20  }
0x135: {  	v18 =	vxor.u32 v24, v17;
	v19 =	vxor.u32 v21, v16;
	v20 =	vxor.u32 v22, v15  }
0x136: {  	v21 =	vshrl.u32 v19, $0x1A;
	v22 =	vshll.u32 v19, $0x6;
	v23 =	vshrl.u32 v20, $0x1A  }
0x137: {  	v24 =	vshrl.u32 v18, $0x1A;
	v25 =	vshll.u32 v18, $0x6;
	v26 =	vshll.u32 v20, $0x6  }
0x138: {  	v24 =	vor.u32 v24, v25;
	v21 =	vor.u32 v21, v22;
	v22 =	vor.u32 v23, v26  }
0x139: {  	v17 =	vadd.s32 v17, v18;
	v16 =	vadd.s32 v16, v19;
	v15 =	vadd.s32 v15, v20  }
0x13a: {  	v18 =	vxor.u32 v24, v17;
	v19 =	vxor.u32 v21, v16;
	v20 =	vxor.u32 v22, v15  }
0x13b: {  	v18 =	vadd.s32 $0x5, v18;
	v19 =	vadd.s32 $0x5, v19;
	v20 =	vadd.s32 $0x5, v20  }
0x13c: {  	v17 =	vadd.s32 $0x1BD11BD8, v17;
	v16 =	vadd.s32 $0x1BD11BD8, v16;
	v15 =	vadd.s32 $0x1BD11BD8, v15  }
0x13d: {  	v17 =	vxor.u32 v17, v18;
	v16 =	vxor.u32 v16, v19;
	v15 =	vxor.u32 v15, v20  }
0x13e: {  	v17 =	vshrl.u32 v17, $0x9;
	v16 =	vshrl.u32 v16, $0x9;
	v15 =	vshrl.u32 v15, $0x9  }
0x13f: {  	v17 =	vor.u32 $0x3F800000, v17;
	v16 =	vor.u32 $0x3F800000, v16;
	v15 =	vor.u32 $0x3F800000, v15  }
.Ltmp0:
0x140: {  	v13 =	vsel vm1, v14, v13;
	v16 =	vadd.f32 $-1.000000000e+00, v16;
	v15 =	vadd.f32 $-1.000000000e+00, v15;
	(pc) =	sbr.rel @p0 .LBB2_2-.Ltmp0, $4  }
0x141: {  	v14 =	vadd.f32 $-1.000000000e+00, v17;
	v17 =	vsel vm0, v3, v2;
	v2 =	vmovc v5;
	[tilespmem:s21+$0x780] =	vst v13;
	v13 =	vnsel vm0, $0x0, v1;
	v1 =	vmovc v4  }
0x142: {  	v3 =	vmov v6;
	vm1 =	vlt.f32 v16, $5.000000000e-01;
	vm2 =	vlt.f32 v15, $5.000000000e-01;
	[tilespmem:s17+$0x600] =	vst v17  }
0x143: {  	s19 =	sadd.s32 $0x10, s19;
	v5 =	vsel vm1, v10, v8;
	vm0 =	vlt.f32 v14, $5.000000000e-01;
	v4 =	vnsel vm1, $0x0, v7;
	[tilespmem:s17+$0x800] =	vst v13;
	s17 =	smov.u32 s21  }
0x144: {  	s22 =	sadd.s32 $0x3000, s19;
	s20 =	sadd.s32 $0x40, s20;
	v6 =	vsel vm2, v12, v11;
	v7 =	vadd.s32 s19, v0;
	s21 =	sadd.s32 $0x1000, s19;
	[tilespmem:s17+$0x680] =	vst v5;
	v5 =	vnsel vm2, $0x0, v9  }
0x145: {  	v8 =	vshrl.u32 v7, $0x13;
	v9 =	vadd.s32 s22, v0;
	v10 =	vadd.s32 s21, v0  }
0x146: {  	s19 =	sadd.s32 $0x2000, s19;
	v19 =	vshll.u32 v7, $0xD;
	v2 =	vsel vm0, v3, v2;
	v11 =	vshrl.u32 v9, $0x13  }
0x147: {  	v12 =	vshll.u32 v9, $0xD;
	v13 =	vadd.s32 s19, v0;
	v14 =	vshrl.u32 v10, $0x13  }
0x148: {  	v52 =	vshll.u32 v10, $0xD;
	v8 =	vor.u32 v8, v19;
	v11 =	vor.u32 v11, v12  }
0x149: {  	v15 =	vshrl.u32 v13, $0x13;
	v16 =	vshll.u32 v13, $0xD;
	v12 =	vor.u32 v14, v52  }
0x14a: {  	v8 =	vxor.u32 v7, v8;
	v11 =	vxor.u32 v9, v11;
	v54 =	vor.u32 v15, v16  }
0x14b: {  	v12 =	vxor.u32 v10, v12;
	v24 =	vshrl.u32 v8, $0x11;
	v20 =	vshll.u32 v8, $0xF  }
0x14c: {  	v7 =	vadd.s32 v7, v8;
	v17 =	vshrl.u32 v11, $0x11;
	v18 =	vshll.u32 v11, $0xF  }
0x14d: {  	v9 =	vadd.s32 v9, v11;
	v14 =	vxor.u32 v13, v54;
	v58 =	vshrl.u32 v12, $0x11  }
0x14e: {  	v61 =	vshll.u32 v12, $0xF;
	v10 =	vadd.s32 v10, v12;
	v53 =	vor.u32 v17, v18  }
0x14f: {  	v63 =	vshrl.u32 v14, $0x11;
	v25 =	vshll.u32 v14, $0xF;
	v15 =	vor.u32 v58, v61  }
0x150: {  	v17 =	vor.u32 v24, v20;
	v13 =	vadd.s32 v13, v14;
	v11 =	vxor.u32 v53, v9  }
0x151: {  	v16 =	vor.u32 v63, v25;
	v29 =	vxor.u32 v15, v10;
	v33 =	vxor.u32 v17, v7  }
0x152: {  	v55 =	vshrl.u32 v11, $0x6;
	v56 =	vshll.u32 v11, $0x1A;
	v9 =	vadd.s32 v9, v11  }
0x153: {  	v30 =	vxor.u32 v16, v13;
	v35 =	vshrl.u32 v29, $0x6;
	v36 =	vshll.u32 v29, $0x1A  }
0x154: {  	v42 =	vshrl.u32 v33, $0x6;
	v43 =	vshll.u32 v33, $0x1A;
	v8 =	vadd.s32 v10, v29  }
0x155: {  	v7 =	vadd.s32 v7, v33;
	v57 =	vor.u32 v55, v56;
	v37 =	vshrl.u32 v30, $0x6  }
0x156: {  	v40 =	vshll.u32 v30, $0x1A;
	v14 =	vor.u32 v35, v36;
	v44 =	vor.u32 v42, v43  }
0x157: {  	v47 =	vadd.s32 v13, v30;
	v11 =	vxor.u32 v57, v9;
	v17 =	vor.u32 v37, v40  }
0x158: {  	v14 =	vxor.u32 v14, v8;
	v59 =	vshrl.u32 v11, $0x1A;
	v60 =	vshll.u32 v11, $0x6  }
0x159: {  	v52 =	vxor.u32 v44, v7;
	v9 =	vadd.s32 v9, v11;
	v62 =	vor.u32 v59, v60  }
0x15a: {  	v51 =	vxor.u32 v17, v47;
	v53 =	vshrl.u32 v14, $0x1A;
	v11 =	vxor.u32 v62, v9  }
0x15b: {  	v56 =	vshll.u32 v14, $0x6;
	v22 =	vshll.u32 v52, $0x6;
	v11 =	vadd.s32 $0x1BD11BD9, v11  }
0x15c: {  	v9 =	vadd.s32 v11, v9;
	v21 =	vshrl.u32 v11, $0xF;
	v11 =	vshll.u32 v11, $0x11  }
0x15d: {  	v8 =	vadd.s32 v8, v14;
	v9 =	vadd.s32 $0x2, v9;
	v11 =	vor.u32 v21, v11  }
0x15e: {  	v7 =	vadd.s32 v7, v52;
	v58 =	vshrl.u32 v51, $0x1A;
	v11 =	vxor.u32 v11, v9  }
0x15f: {  	v59 =	vshrl.u32 v52, $0x1A;
	v26 =	vshrl.u32 v11, $0x3;
	v27 =	vshll.u32 v11, $0x1D  }
0x160: {  	v60 =	vshll.u32 v51, $0x6;
	v9 =	vadd.s32 v9, v11;
	v28 =	vor.u32 v26, v27  }
0x161: {  	v15 =	vor.u32 v53, v56;
	v17 =	vor.u32 v59, v22;
	v11 =	vxor.u32 v28, v9  }
0x162: {  	v16 =	vor.u32 v58, v60;
	v31 =	vshrl.u32 v11, $0x10;
	v32 =	vshll.u32 v11, $0x10  }
0x163: {  	v22 =	vxor.u32 v15, v8;
	v9 =	vadd.s32 v9, v11;
	v34 =	vor.u32 v31, v32  }
0x164: {  	v13 =	vxor.u32 v17, v7;
	v12 =	vadd.s32 $0x1BD11BD9, v22;
	v11 =	vxor.u32 v34, v9  }
0x165: {  	v13 =	vadd.s32 $0x1BD11BD9, v13;
	v38 =	vshrl.u32 v11, $0x8;
	v39 =	vshll.u32 v11, $0x18  }
0x166: {  	v8 =	vadd.s32 v12, v8;
	v9 =	vadd.s32 v9, v11;
	v41 =	vor.u32 v38, v39  }
0x167: {  	v29 =	vshrl.u32 v12, $0xF;
	v12 =	vshll.u32 v12, $0x11;
	v11 =	vxor.u32 v41, v9  }
0x168: {  	v7 =	vadd.s32 v13, v7;
	v35 =	vshrl.u32 v13, $0xF;
	v11 =	vadd.s32 $0x2, v11  }
0x169: {  	v9 =	vadd.s32 v11, v9;
	v45 =	vshrl.u32 v11, $0x13;
	v11 =	vshll.u32 v11, $0xD  }
0x16a: {  	v13 =	vshll.u32 v13, $0x11;
	v9 =	vadd.s32 $0x1BD11BD8, v9;
	v11 =	vor.u32 v45, v11  }
0x16b: {  	v8 =	vadd.s32 $0x2, v8;
	v12 =	vor.u32 v29, v12;
	v46 =	vxor.u32 v11, v9  }
0x16c: {  	v7 =	vadd.s32 $0x2, v7;
	v48 =	vshrl.u32 v46, $0x11;
	v49 =	vshll.u32 v46, $0xF  }
0x16d: {  	v13 =	vor.u32 v35, v13;
	v9 =	vadd.s32 v9, v46;
	v50 =	vor.u32 v48, v49  }
0x16e: {  	v12 =	vxor.u32 v12, v8;
	v13 =	vxor.u32 v13, v7;
	v10 =	vxor.u32 v50, v9  }
0x16f: {  	v42 =	vshrl.u32 v12, $0x3;
	v54 =	vshrl.u32 v10, $0x6;
	v55 =	vshll.u32 v10, $0x1A  }
0x170: {  	v44 =	vshll.u32 v12, $0x1D;
	v9 =	vadd.s32 v9, v10;
	v57 =	vor.u32 v54, v55  }
0x171: {  	v15 =	vor.u32 v42, v44;
	v56 =	vadd.s32 v7, v13;
	v10 =	vxor.u32 v57, v9  }
0x172: {  	v11 =	vadd.s32 v47, v51;
	v61 =	vshrl.u32 v10, $0x1A;
	v62 =	vshll.u32 v10, $0x6  }
0x173: {  	v23 =	vxor.u32 v16, v11;
	v9 =	vadd.s32 v9, v10;
	v63 =	vor.u32 v61, v62  }
0x174: {  	v47 =	vshrl.u32 v13, $0x3;
	v14 =	vadd.s32 $0x1BD11BD9, v23;
	v10 =	vxor.u32 v63, v9  }
0x175: {  	v11 =	vadd.s32 v14, v11;
	v31 =	vshrl.u32 v14, $0xF;
	v10 =	vadd.s32 $0x5, v10  }
0x176: {  	v14 =	vshll.u32 v14, $0x11;
	v19 =	vshrl.u32 v10, $0xF;
	v20 =	vshll.u32 v10, $0x11  }
0x177: {  	v50 =	vshll.u32 v13, $0x1D;
	v9 =	vadd.s32 v9, v10;
	v21 =	vor.u32 v19, v20  }
0x178: {  	v11 =	vadd.s32 $0x2, v11;
	v14 =	vor.u32 v31, v14;
	v10 =	vxor.u32 v21, v9  }
0x179: {  	v53 =	vor.u32 v47, v50;
	v24 =	vshrl.u32 v10, $0x3;
	v25 =	vshll.u32 v10, $0x1D  }
0x17a: {  	v14 =	vxor.u32 v14, v11;
	v9 =	vadd.s32 v9, v10;
	v26 =	vor.u32 v24, v25  }
0x17b: {  	v54 =	vadd.s32 v8, v12;
	v45 =	vshrl.u32 v14, $0x3;
	v10 =	vxor.u32 v26, v9  }
0x17c: {  	v46 =	vshll.u32 v14, $0x1D;
	v27 =	vshrl.u32 v10, $0x10;
	v28 =	vshll.u32 v10, $0x10  }
0x17d: {  	v55 =	vadd.s32 v11, v14;
	v9 =	vadd.s32 v9, v10;
	v30 =	vor.u32 v27, v28  }
0x17e: {  	v57 =	vxor.u32 v15, v54;
	v16 =	vor.u32 v45, v46;
	v10 =	vxor.u32 v30, v9  }
0x17f: {  	v59 =	vshrl.u32 v57, $0x10;
	v32 =	vshrl.u32 v10, $0x8;
	v33 =	vshll.u32 v10, $0x18  }
0x180: {  	v60 =	vshll.u32 v57, $0x10;
	v9 =	vadd.s32 v9, v10;
	v34 =	vor.u32 v32, v33  }
0x181: {  	[tilespmem:s17+$0x700] =	vst v6;
	v6 =	vadd.s32 v54, v57;
	v11 =	vxor.u32 v16, v55;
	v10 =	vxor.u32 v34, v9  }
0x182: {  	v12 =	vor.u32 v59, v60;
	v62 =	vshrl.u32 v11, $0x10;
	v10 =	vadd.s32 $0x1BD11BDC, v10  }
0x183: {  	v9 =	vadd.s32 v10, v9;
	v36 =	vshrl.u32 v10, $0x13;
	v10 =	vshll.u32 v10, $0xD  }
0x184: {  	v22 =	vxor.u32 v12, v6;
	v9 =	vadd.s32 $0x2, v9;
	v10 =	vor.u32 v36, v10  }
0x185: {  	v16 =	vshll.u32 v11, $0x10;
	v12 =	vshll.u32 v22, $0x18;
	v10 =	vxor.u32 v10, v9  }
0x186: {  	v19 =	vor.u32 v62, v16;
	v37 =	vshrl.u32 v10, $0x11;
	v38 =	vshll.u32 v10, $0xF  }
0x187: {  	v20 =	vadd.s32 v55, v11;
	v9 =	vadd.s32 v9, v10;
	v39 =	vor.u32 v37, v38  }
0x188: {  	v6 =	vadd.s32 v6, v22;
	v23 =	vxor.u32 v19, v20;
	v10 =	vxor.u32 v39, v9  }
0x189: {  	v7 =	vadd.s32 v20, v23;
	v40 =	vshrl.u32 v10, $0x6;
	v41 =	vshll.u32 v10, $0x1A  }
0x18a: {  	v24 =	vshrl.u32 v22, $0x8;
	v9 =	vadd.s32 v9, v10;
	v43 =	vor.u32 v40, v41  }
0x18b: {  	v25 =	vshrl.u32 v23, $0x8;
	v28 =	vshll.u32 v23, $0x18;
	v10 =	vxor.u32 v43, v9  }
0x18c: {  	v11 =	vor.u32 v24, v12;
	v29 =	vor.u32 v25, v28;
	v48 =	vshrl.u32 v10, $0x1A  }
0x18d: {  	v49 =	vshll.u32 v10, $0x6;
	v9 =	vadd.s32 v9, v10;
	v10 =	vxor.u32 v53, v56  }
0x18e: {  	v51 =	vor.u32 v48, v49;
	v61 =	vshrl.u32 v10, $0x10;
	v63 =	vshll.u32 v10, $0x10  }
0x18f: {  	[tilespmem:s17+$0x900] =	vst v5;
	v5 =	vadd.s32 v56, v10;
	v10 =	vxor.u32 v29, v7;
	v52 =	vxor.u32 v51, v9  }
0x190: {  	v9 =	vadd.s32 $0x1BD11BD8, v9;
	v18 =	vor.u32 v61, v63;
	v10 =	vadd.s32 $0x2, v10  }
0x191: {  	[tilespmem:s17+$0x880] =	vst v4;
	v4 =	vadd.s32 $0x5, v52;
	v21 =	vxor.u32 v18, v5;
	v7 =	vadd.s32 v10, v7  }
0x192: {  	v31 =	vshrl.u32 v10, $0x13;
	v10 =	vshll.u32 v10, $0xD;
	v4 =	vxor.u32 v9, v4  }
0x193: {  	v26 =	vshrl.u32 v21, $0x8;
	v27 =	vshll.u32 v21, $0x18;
	v5 =	vadd.s32 v5, v21  }
0x194: {  	v9 =	vxor.u32 v11, v6;
	v7 =	vadd.s32 $0x1BD11BD8, v7;
	v10 =	vor.u32 v31, v10  }
0x195: {  	v4 =	vshrl.u32 v4, $0x9;
	v14 =	vor.u32 v26, v27;
	v9 =	vadd.s32 $0x2, v9  }
0x196: {  	v10 =	vxor.u32 v10, v7;
	v4 =	vor.u32 $0x3F800000, v4;
	v8 =	vxor.u32 v14, v5  }
0x197: {  	v6 =	vadd.s32 v9, v6;
	v30 =	vshrl.u32 v9, $0x13;
	v9 =	vshll.u32 v9, $0xD  }
0x198: {  	v35 =	vshrl.u32 v10, $0x11;
	v38 =	vshll.u32 v10, $0xF;
	v7 =	vadd.s32 v7, v10  }
0x199: {  	s18 =	sshra.s32 s18, $0x2;
	v4 =	vadd.f32 $-1.000000000e+00, v4;
	v8 =	vadd.s32 $0x2, v8;
	v6 =	vadd.s32 $0x1BD11BD8, v6  }
0x19a: {  	v58 =	vld [tilespmem:s18+$0x180];
	v9 =	vor.u32 v30, v9;
	v39 =	vor.u32 v35, v38;
	v5 =	vadd.s32 v8, v5  }
0x19b: {  	v32 =	vshrl.u32 v8, $0x13;
	v8 =	vshll.u32 v8, $0xD;
	v9 =	vxor.u32 v9, v6  }
0x19c: {  	v10 =	vxor.u32 v39, v7;
	vm1 =	vlt.f32 v4, $5.000000000e-01;
	v5 =	vadd.s32 $0x1BD11BD8, v5  }
0x19d: {  	v8 =	vor.u32 v32, v8;
	v33 =	vshrl.u32 v9, $0x11;
	v34 =	vshll.u32 v9, $0xF  }
0x19e: {  	v6 =	vadd.s32 v6, v9;
	v41 =	vshrl.u32 v10, $0x6;
	v43 =	vshll.u32 v10, $0x1A  }
0x19f: {  	v7 =	vadd.s32 v7, v10;
	v4 =	vnsel vm1, $0x0, v58;
	v8 =	vxor.u32 v8, v5  }
0x1a0: {  	v11 =	vor.u32 v33, v34;
	v44 =	vor.u32 v41, v43;
	v36 =	vshrl.u32 v8, $0x11  }
0x1a1: {  	v37 =	vshll.u32 v8, $0xF;
	v5 =	vadd.s32 v5, v8;
	v9 =	vxor.u32 v11, v6  }
0x1a2: {  	v10 =	vxor.u32 v44, v7;
	v14 =	vor.u32 v36, v37;
	v11 =	vshrl.u32 v9, $0x6  }
0x1a3: {  	v40 =	vshll.u32 v9, $0x1A;
	v6 =	vadd.s32 v6, v9;
	v46 =	vshrl.u32 v10, $0x1A  }
0x1a4: {  	v48 =	vshll.u32 v10, $0x6;
	v7 =	vadd.s32 v7, v10;
	v8 =	vxor.u32 v14, v5  }
0x1a5: {  	v11 =	vor.u32 v11, v40;
	v49 =	vor.u32 v46, v48;
	v14 =	vshrl.u32 v8, $0x6  }
0x1a6: {  	v42 =	vshll.u32 v8, $0x1A;
	v5 =	vadd.s32 v5, v8;
	v9 =	vxor.u32 v11, v6  }
0x1a7: {  	v10 =	vxor.u32 v49, v7;
	v14 =	vor.u32 v14, v42;
	v11 =	vshrl.u32 v9, $0x1A  }
0x1a8: {  	v45 =	vshll.u32 v9, $0x6;
	v6 =	vadd.s32 v6, v9;
	v10 =	vadd.s32 $0x5, v10  }
0x1a9: {  	v8 =	vxor.u32 v14, v5;
	v11 =	vor.u32 v11, v45;
	v52 =	vshrl.u32 v10, $0xF  }
0x1aa: {  	v55 =	vshll.u32 v10, $0x11;
	v7 =	vadd.s32 v7, v10;
	v14 =	vshrl.u32 v8, $0x1A  }
0x1ab: {  	v47 =	vshll.u32 v8, $0x6;
	v5 =	vadd.s32 v5, v8;
	v9 =	vxor.u32 v11, v6  }
0x1ac: {  	v56 =	vor.u32 v52, v55;
	v14 =	vor.u32 v14, v47;
	v9 =	vadd.s32 $0x5, v9  }
0x1ad: {  	v10 =	vxor.u32 v56, v7;
	v8 =	vxor.u32 v14, v5;
	v50 =	vshrl.u32 v9, $0xF  }
0x1ae: {  	v51 =	vshll.u32 v9, $0x11;
	v6 =	vadd.s32 v6, v9;
	v58 =	vshrl.u32 v10, $0x3  }
0x1af: {  	v60 =	vshll.u32 v10, $0x1D;
	v7 =	vadd.s32 v7, v10;
	v8 =	vadd.s32 $0x5, v8  }
0x1b0: {  	v11 =	vor.u32 v50, v51;
	v61 =	vor.u32 v58, v60;
	v53 =	vshrl.u32 v8, $0xF  }
0x1b1: {  	v54 =	vshll.u32 v8, $0x11;
	v5 =	vadd.s32 v5, v8;
	v9 =	vxor.u32 v11, v6  }
0x1b2: {  	v10 =	vxor.u32 v61, v7;
	v14 =	vor.u32 v53, v54;
	v11 =	vshrl.u32 v9, $0x3  }
0x1b3: {  	v57 =	vshll.u32 v9, $0x1D;
	v6 =	vadd.s32 v6, v9;
	v63 =	vshrl.u32 v10, $0x10  }
0x1b4: {  	v21 =	vshll.u32 v10, $0x10;
	v7 =	vadd.s32 v7, v10;
	v8 =	vxor.u32 v14, v5  }
0x1b5: {  	v11 =	vor.u32 v11, v57;
	v22 =	vor.u32 v63, v21;
	v14 =	vshrl.u32 v8, $0x3  }
0x1b6: {  	v59 =	vshll.u32 v8, $0x1D;
	v5 =	vadd.s32 v5, v8;
	v9 =	vxor.u32 v11, v6  }
0x1b7: {  	v10 =	vxor.u32 v22, v7;
	v14 =	vor.u32 v14, v59;
	v11 =	vshrl.u32 v9, $0x10  }
0x1b8: {  	v62 =	vshll.u32 v9, $0x10;
	v6 =	vadd.s32 v6, v9;
	v24 =	vshrl.u32 v10, $0x8  }
0x1b9: {  	v26 =	vshll.u32 v10, $0x18;
	v7 =	vadd.s32 v7, v10;
	v8 =	vxor.u32 v14, v5  }
0x1ba: {  	v11 =	vor.u32 v11, v62;
	v27 =	vor.u32 v24, v26;
	v14 =	vshrl.u32 v8, $0x10  }
0x1bb: {  	v20 =	vshll.u32 v8, $0x10;
	v5 =	vadd.s32 v5, v8;
	v9 =	vxor.u32 v11, v6  }
0x1bc: {  	v10 =	vxor.u32 v27, v7;
	v14 =	vor.u32 v14, v20;
	v11 =	vshrl.u32 v9, $0x8  }
0x1bd: {  	v23 =	vshll.u32 v9, $0x18;
	v6 =	vadd.s32 v6, v9;
	v10 =	vadd.s32 $0x1BD11BDC, v10  }
0x1be: {  	v8 =	vxor.u32 v14, v5;
	v11 =	vor.u32 v11, v23;
	v7 =	vadd.s32 v10, v7  }
0x1bf: {  	v29 =	vshrl.u32 v10, $0x13;
	v10 =	vshll.u32 v10, $0xD;
	v14 =	vshrl.u32 v8, $0x8  }
0x1c0: {  	v25 =	vshll.u32 v8, $0x18;
	v5 =	vadd.s32 v5, v8;
	v9 =	vxor.u32 v11, v6  }
0x1c1: {  	v7 =	vadd.s32 $0x2, v7;
	v10 =	vor.u32 v29, v10;
	v14 =	vor.u32 v14, v25  }
0x1c2: {  	v9 =	vadd.s32 $0x1BD11BDC, v9;
	v10 =	vxor.u32 v10, v7;
	v8 =	vxor.u32 v14, v5  }
0x1c3: {  	v6 =	vadd.s32 v9, v6;
	v28 =	vshrl.u32 v9, $0x13;
	v9 =	vshll.u32 v9, $0xD  }
0x1c4: {  	v33 =	vshrl.u32 v10, $0x11;
	v36 =	vshll.u32 v10, $0xF;
	v7 =	vadd.s32 v7, v10  }
0x1c5: {  	v8 =	vadd.s32 $0x1BD11BDC, v8;
	v6 =	vadd.s32 $0x2, v6;
	v9 =	vor.u32 v28, v9  }
0x1c6: {  	v37 =	vor.u32 v33, v36;
	v5 =	vadd.s32 v8, v5;
	v30 =	vshrl.u32 v8, $0x13  }
0x1c7: {  	v8 =	vshll.u32 v8, $0xD;
	v9 =	vxor.u32 v9, v6;
	v10 =	vxor.u32 v37, v7  }
0x1c8: {  	v5 =	vadd.s32 $0x2, v5;
	v8 =	vor.u32 v30, v8;
	v31 =	vshrl.u32 v9, $0x11  }
0x1c9: {  	v32 =	vshll.u32 v9, $0xF;
	v6 =	vadd.s32 v6, v9;
	v39 =	vshrl.u32 v10, $0x6  }
0x1ca: {  	v41 =	vshll.u32 v10, $0x1A;
	v7 =	vadd.s32 v7, v10;
	v8 =	vxor.u32 v8, v5  }
0x1cb: {  	v11 =	vor.u32 v31, v32;
	v42 =	vor.u32 v39, v41;
	v34 =	vshrl.u32 v8, $0x11  }
0x1cc: {  	v35 =	vshll.u32 v8, $0xF;
	v5 =	vadd.s32 v5, v8;
	v9 =	vxor.u32 v11, v6  }
0x1cd: {  	v44 =	vxor.u32 v42, v7;
	v14 =	vor.u32 v34, v35;
	v11 =	vshrl.u32 v9, $0x6  }
0x1ce: {  	v38 =	vshll.u32 v9, $0x1A;
	v6 =	vadd.s32 v6, v9;
	v48 =	vshrl.u32 v44, $0x1A  }
0x1cf: {  	v52 =	vshll.u32 v44, $0x6;
	v7 =	vadd.s32 v7, v44;
	v8 =	vxor.u32 v14, v5  }
0x1d0: {  	v11 =	vor.u32 v11, v38;
	v15 =	vor.u32 v48, v52;
	v14 =	vshrl.u32 v8, $0x6  }
0x1d1: {  	v53 =	vld [tilespmem:s18+$0x380];
	v40 =	vshll.u32 v8, $0x1A;
	v5 =	vadd.s32 v5, v8;
	v9 =	vxor.u32 v11, v6  }
0x1d2: {  	v54 =	vld [tilespmem:s18+$0x580];
	v15 =	vxor.u32 v15, v7;
	v7 =	vadd.s32 $0x1BD11BD8, v7;
	v14 =	vor.u32 v14, v40  }
0x1d3: {  	v45 =	vshrl.u32 v9, $0x1A;
	v46 =	vshll.u32 v9, $0x6;
	v6 =	vadd.s32 v6, v9  }
0x1d4: {  	v43 =	vld [tilespmem:s18+$0x0];
	v15 =	vadd.s32 $0x5, v15;
	v8 =	vxor.u32 v14, v5;
	v12 =	vor.u32 v45, v46  }
0x1d5: {  	v47 =	vld [tilespmem:s18+$0x200];
	v7 =	vxor.u32 v7, v15;
	v49 =	vshrl.u32 v8, $0x1A;
	v50 =	vshll.u32 v8, $0x6  }
0x1d6: {  	v58 =	vld [tilespmem:s18+$0x280];
	v5 =	vadd.s32 v5, v8;
	v56 =	vxor.u32 v12, v6;
	v6 =	vadd.s32 $0x1BD11BD8, v6  }
0x1d7: {  	v60 =	vld [tilespmem:s18+$0x300];
	v7 =	vshrl.u32 v7, $0x9;
	v8 =	vsel vm1, v54, v53;
	v11 =	vadd.s32 $0x5, v56  }
0x1d8: {  	v61 =	vld [tilespmem:s18+$0x500];
	v16 =	vor.u32 v49, v50;
	v7 =	vor.u32 $0x3F800000, v7;
	v6 =	vxor.u32 v6, v11  }
0x1d9: {  	v59 =	vld [tilespmem:s18+$0x480];
	v55 =	vxor.u32 v16, v5;
	v5 =	vadd.s32 $0x1BD11BD8, v5;
	v6 =	vshrl.u32 v6, $0x9  }
0x1da: {  	[tilespmem:s18+$0x980] =	vst v4;
	v57 =	vld [tilespmem:s18+$0x80];
	v3 =	vadd.f32 $-1.000000000e+00, v7;
	v9 =	vadd.s32 $0x5, v55;
	v6 =	vor.u32 $0x3F800000, v6  }
0x1db: {  	v62 =	vld [tilespmem:s18+$0x100];
	[tilespmem:s18+$0x780] =	vst v8;
	v5 =	vxor.u32 v5, v9;
	v6 =	vadd.f32 $-1.000000000e+00, v6  }
0x1dc: {  	v1 =	vnsel vm0, $0x0, v1;
	v51 =	vld [tilespmem:s18+$0x400];
	[tilespmem:s17+$0x600] =	vst v2;
	vm14 =	vlt.f32 v3, $5.000000000e-01;
	v5 =	vshrl.u32 v5, $0x9  }
0x1dd: {  	[tilespmem:s17+$0x800] =	vst v1;
	v3 =	vsel vm14, v61, v60;
	v2 =	vor.u32 $0x3F800000, v5;
	vm13 =	vlt.f32 v6, $5.000000000e-01  }
0x1de: {  	[tilespmem:s18+$0x700] =	vst v3;
	v1 =	vadd.f32 $-1.000000000e+00, v2;
	v63 =	vsel vm13, v59, v58  }
0x1df: {  	v2 =	vnsel vm13, $0x0, v57;
	[tilespmem:s18+$0x680] =	vst v63  }
0x1e0: {  	[tilespmem:s18+$0x880] =	vst v2;
	vm15 =	vlt.f32 v1, $5.000000000e-01;
	v1 =	vnsel vm14, $0x0, v62  }
0x1e1: {  	[tilespmem:s18+$0x900] =	vst v1;
	v1 =	vsel vm15, v51, v47  }
0x1e2: {  	v2 =	vnsel vm15, $0x0, v43;
	[tilespmem:s18+$0x600] =	vst v1  }
0x1e3: {  	[tilespmem:s18+$0x800] =	vst v2  }
0x1e4: {  	[hbm4b:s7+s2] =	stream.linear.scatter [tilespmem:s13], [sflag:$0x1], $0x200, $0x38;
	[tilespmem:$0xA00] =	vst v63  }
0x1e5: {  	s16 =	sadd.s32 $0x1, s16  }
0x1e6: {  	[hbm4b:s8+s2] =	stream.linear.scatter [tilespmem:s14], [sflag:$0x1], $0x200, $0x38;
	[tilespmem:$0xA00] =	vst v63  }
0x1e7: {  	p0 =	sne.s32 s16, s9;
	_ =	swait.ge [sflag:s15], $0x200  }
.Ltmp1:
0x1e8: {  	[sflag:s15] =	ssyncset.done $0x0;
	(pc) =	sbr.rel @p0 .LBB2_1-.Ltmp1, $4  }
0x1e9: {  	[sflag:s15] =	ssyncadd.s32 $0xFFFFFE00  }
0x1ea: {  	_ =	swait.ge [sflag:s15], $0x200  }
0x1eb: {  	[sflag:s15] =	ssyncset.done $0x0  }
0x1ec: {  	[sflag:s15] =	ssyncadd.s32 $0xFFFFFE00  }
0x1ed: {  	_ =	sfence.sel $0x180000  }
0x1ee: {  	[bflag:$0x0] =	sbarrier.arrive $0xFFFF  }
0x1ef: {  	p0 =	sne.s32 s1, $0x0;
	_ =	strace $0x90000047  }
0x1f0: {  	s0 =	sadd.s32 @!p0 $0x100000, s0;
	[bflag:$0x2] =	sbarrier.arrive $0xFFFF  }
0x1f1: {  	[sflag:s0] =	ssyncadd.tile.s32 @!p0 $0x1;
	_ =	shalt  }
.Lfunc_end2:
_tile_overlayer_lowered:
.L_overlay_start_2:
0x1f2: {  	(tag) =	ssettag $0x2  }
0x1f3: {  	s0 =	rddreg [dreg:$0x0];
	s2 =	stileid.u32  }
0x1f4: {  	s1 =	rddreg [dreg:$0x1];
	p0 =	sne.s32 s2, $0x0  }
0x1f5: {  	s3 =	rddreg [dreg:$0x2];
	[bflag:$0x3] =	sbarrier.arrive $0xFFFF;
	s2 =	simm.s32 @!p0 $0x1C03  }
0x1f6: {  	[timem:s3], [sflag:s2] =	dma.local @!p0 [hbm:s0], s1  }
0x1f7: {  	s0 =	simm.s32 @!p0 $0x3  }
0x1f8: {  	_ =	swait.ge @!p0 [sflag:s0], s1  }
0x1f9: {  	s1 =	ssub.s32 @!p0 $0x0, s1;
	[sflag:s0] =	ssyncset.done @!p0 $0x0  }
0x1fa: {  	[sflag:s0] =	ssyncadd.s32 @!p0 s1  }
0x1fb: {  	[bflag:$0x3] =	sbarrier.arrive $0xFFFF  }
0x1fc: {  	_ =	shalt  }

</sc_bundles>
